<compile_context>
chip_gen: v7x
topology: tpu7x:2x2x1
jax: 0.10.2.dev20260603
libtpu: 0.0.44.dev20260713+nightly
codegen_flags: <defaults>
</compile_context>

<pallas_src>
import functools

import jax
import jax.numpy as jnp
from jax import lax
from jax.experimental import pallas as pl
from jax.experimental.pallas import tpu as pltpu
from jax.experimental.pallas import tpu_sc as plsc

NC = 2
NS = 16
NW = NC * NS
L = 16

E = 320000
E_PAD = 327680
EPT = E_PAD // NW
C = 64
NCHUNK = EPT // C
NPAIR = NCHUNK // 2
D = 128
N_NODES = 10000
PRED = 17


def _dot_chunk(rows_s, rows_d, part_v, out_v):

    def edge_body(e, carry):
        acc = rows_s[e, pl.ds(0, L)] * rows_d[e, pl.ds(0, L)]
        for j in range(1, D // L):
            acc = acc + rows_s[e, pl.ds(j * L, L)] * rows_d[e, pl.ds(j * L, L)]
        part_v[e, pl.ds(0, L)] = acc
        return carry

    lax.fori_loop(0, C, edge_body, 0, unroll=8)

    lanes = lax.iota(jnp.int32, L)
    for g in range(C // L):
        rows_idx = lanes + (g * L)
        acc = plsc.load_gather(part_v, [rows_idx, jnp.full((L,), 0, jnp.int32)])
        for c in range(1, L):
            acc = acc + plsc.load_gather(
                part_v, [rows_idx, jnp.full((L,), c, jnp.int32)])
        out_v[pl.ds(g * L, L)] = acc


def _make_sc_call():
    mesh = plsc.VectorSubcoreMesh(
        core_axis_name="c", subcore_axis_name="s", num_cores=NC, num_subcores=NS)

    @functools.partial(
        pl.kernel,
        out_type=jax.ShapeDtypeStruct((E_PAD,), jnp.float32),
        mesh=mesh,
        compiler_params=pltpu.CompilerParams(needs_layout_passes=False),
        scratch_types=[
            pltpu.VMEM((C,), jnp.int32),
            pltpu.VMEM((C,), jnp.int32),
            pltpu.VMEM((C,), jnp.int32),
            pltpu.VMEM((C,), jnp.int32),
            pltpu.VMEM((C, D), jnp.float32),
            pltpu.VMEM((C, D), jnp.float32),
            pltpu.VMEM((C, D), jnp.float32),
            pltpu.VMEM((C, D), jnp.float32),
            pltpu.VMEM((C, PRED), jnp.float32),
            pltpu.VMEM((C,), jnp.float32),
            pltpu.VMEM_SHARED((N_NODES, D), jnp.float32),
            pltpu.SemaphoreType.DMA,
            pltpu.SemaphoreType.DMA,
        ],
    )
    def sc_call(src_hbm, dst_hbm, h_hbm, out_hbm,
                idx_s0, idx_d0, idx_s1, idx_d1,
                rows_s0, rows_d0, rows_s1, rows_d1,
                part_v, out_v, h_sh, sem0, sem1):
        wid = lax.axis_index("s") * NC + lax.axis_index("c")
        base = wid * EPT

        sid = lax.axis_index("s")
        pltpu.sync_copy(h_hbm.at[pl.ds(sid * 624, 624)],
                        h_sh.at[pl.ds(sid * 624, 624)])

        @pl.when(sid == NS - 1)
        def _():
            pltpu.sync_copy(h_hbm.at[pl.ds(9984, 16)], h_sh.at[pl.ds(9984, 16)])

        plsc.subcore_barrier()
        idx_s = (idx_s0, idx_s1)
        idx_d = (idx_d0, idx_d1)
        rows_s = (rows_s0, rows_s1)
        rows_d = (rows_d0, rows_d1)
        sem = (sem0, sem1)

        def fetch_idx(i, b):
            pltpu.sync_copy(src_hbm.at[pl.ds(base + i * C, C)], idx_s[b])
            pltpu.sync_copy(dst_hbm.at[pl.ds(base + i * C, C)], idx_d[b])

        def fetch_rows(b):
            pltpu.async_copy(h_sh.at[idx_s[b]], rows_s[b], sem[b])
            pltpu.async_copy(h_sh.at[idx_d[b]], rows_d[b], sem[b])

        def drain(b):
            pltpu.make_async_copy(h_sh.at[idx_s[b]], rows_s[b], sem[b]).wait()
            pltpu.make_async_copy(h_sh.at[idx_d[b]], rows_d[b], sem[b]).wait()

        fetch_idx(0, 0)
        fetch_rows(0)
        fetch_idx(1, 1)

        def pair_body(k, carry):
            i0 = k * 2
            fetch_rows(1)
            drain(0)

            @pl.when(k + 1 < NPAIR)
            def _():
                fetch_idx(i0 + 2, 0)

            _dot_chunk(rows_s[0], rows_d[0], part_v, out_v)
            pltpu.sync_copy(out_v, out_hbm.at[pl.ds(base + i0 * C, C)])

            @pl.when(k + 1 < NPAIR)
            def _():
                fetch_rows(0)

            drain(1)

            @pl.when(k + 1 < NPAIR)
            def _():
                fetch_idx(i0 + 3, 1)

            _dot_chunk(rows_s[1], rows_d[1], part_v, out_v)
            pltpu.sync_copy(out_v, out_hbm.at[pl.ds(base + (i0 + 1) * C, C)])
            return carry

        lax.fori_loop(0, NPAIR, pair_body, 0)

    return sc_call


_SC_CALL = _make_sc_call()


def kernel(edge_index, h):
    ei = edge_index.astype(jnp.int32)
    src = jnp.pad(ei[0], (0, E_PAD - E))
    dst = jnp.pad(ei[1], (0, E_PAD - E))
    out = _SC_CALL(src, dst, h)
    return out[:E]

# --- scband reference (transcript-rebuilt; emitter-appended) ---
"""Pipeline reference for scband-dot-predictor-76948634075697 (READ-ONLY COPY).

The authoritative reference and input builder live on the scoring server;
editing this copy changes nothing except your own understanding.
"""

import jax, jax.numpy as jnp
import numpy as np


def setup_inputs(seed: int = 0) -> dict:
    key = jax.random.key(seed)
    k1, k2 = jax.random.split(key)
    edge_index = jax.random.randint(k1, (2, 320000), 0, 10000, dtype=jnp.int64)
    h = jax.random.normal(k2, (10000, 128), dtype=jnp.float32)
    return {"edge_index": edge_index, "h": h}


def reference(edge_index, h):
    src = edge_index[0]
    dst = edge_index[1]
    score = jnp.sum(h[src] * h[dst], axis=1)
    return score

if __name__ == "__main__":
    import jax
    _d = setup_inputs()
    print(jax.jit(kernel)(*tuple(_d.values())))

</pallas_src>

<mosaic_0001>
#map = affine_map<(d0, d1) -> (0)>
#map1 = affine_map<(d0, d1) -> (0, 0)>
module attributes {stable_mosaic.version = 14 : i64} {
  func.func @sc_call(%arg0: i32, %arg1: i32, %arg2: memref<327680xi32, #tpu.memory_space<hbm>>, %arg3: memref<327680xi32, #tpu.memory_space<hbm>>, %arg4: memref<10000x128xf32, #tpu.memory_space<hbm>>, %arg5: memref<327680xf32, #tpu.memory_space<hbm>>, %arg6: memref<64xi32, #tpu.memory_space<vmem>>, %arg7: memref<64xi32, #tpu.memory_space<vmem>>, %arg8: memref<64xi32, #tpu.memory_space<vmem>>, %arg9: memref<64xi32, #tpu.memory_space<vmem>>, %arg10: memref<64x128xf32, #tpu.memory_space<vmem>>, %arg11: memref<64x128xf32, #tpu.memory_space<vmem>>, %arg12: memref<64x128xf32, #tpu.memory_space<vmem>>, %arg13: memref<64x128xf32, #tpu.memory_space<vmem>>, %arg14: memref<64x17xf32, #tpu.memory_space<vmem>>, %arg15: memref<64xf32, #tpu.memory_space<vmem>>, %arg16: memref<10000x128xf32, #tpu.memory_space<vmem_shared>>, %arg17: memref<!tpu.dma_semaphore, #tpu.memory_space<semaphore_mem>>, %arg18: memref<!tpu.dma_semaphore, #tpu.memory_space<semaphore_mem>>) attributes {dimension_semantics = [#tpu.dimension_semantics<core_parallel>, #tpu.dimension_semantics<subcore_parallel>], iteration_bounds = array<i64: 2, 16>, scalar_prefetch = 0 : i64, scratch_operands = 13 : i64, tpu.core_type = #tpu.core_type<sc_vector_subcore>, window_params = [{transform_indices = #map}, {transform_indices = #map}, {transform_indices = #map1}, {transform_indices = #map}]} {
    %mul3A = arith.constant 2 : i32
    %mul3A_0 = arith.muli %arg1, %mul3A : i32
    %add3A = arith.addi %mul3A_0, %arg0 : i32
    %mul3A_1 = arith.constant 10240 : i32
    %mul3A_2 = arith.muli %add3A, %mul3A_1 : i32
    %mul3A_3 = arith.constant 624 : i32
    %mul3A_4 = arith.muli %arg1, %mul3A_3 : i32
    %mul3A_5 = arith.constant 624 : i32
    %mul3A_6 = arith.muli %arg1, %mul3A_5 : i32
    "tpu.region"() ({
      %run_scoped3A = tpu.sem_alloc : memref<!tpu.dma_semaphore, #tpu.memory_space<semaphore_mem>>
      %dma_start3A_27 = arith.constant 0 : i32
      %dma_start3A_28 = tpu.memref_slice %arg16[%mul3A_6, %dma_start3A_27] : memref<10000x128xf32, #tpu.memory_space<vmem_shared>> -> memref<624x128xf32, #tpu.memory_space<vmem_shared>>
      %dma_start3A_29 = arith.constant 0 : i32
      %dma_start3A_30 = tpu.memref_slice %arg4[%mul3A_4, %dma_start3A_29] : memref<10000x128xf32, #tpu.memory_space<hbm>> -> memref<624x128xf32, #tpu.memory_space<hbm>>
      tpu.enqueue_dma source(%dma_start3A_30 : memref<624x128xf32, #tpu.memory_space<hbm>>) target(%dma_start3A_28 : memref<624x128xf32, #tpu.memory_space<vmem_shared>>) target_semaphore(%run_scoped3A : memref<!tpu.dma_semaphore, #tpu.memory_space<semaphore_mem>>)
      %dma_wait3A = arith.constant 0 : i32
      %dma_wait3A_31 = tpu.memref_slice %arg16[%mul3A_6, %dma_wait3A] : memref<10000x128xf32, #tpu.memory_space<vmem_shared>> -> memref<624x128xf32, #tpu.memory_space<vmem_shared>>
      %dma_wait3A_32 = arith.constant 0 : i32
      %dma_wait3A_33 = tpu.memref_slice %arg4[%mul3A_4, %dma_wait3A_32] : memref<10000x128xf32, #tpu.memory_space<hbm>> -> memref<624x128xf32, #tpu.memory_space<hbm>>
      tpu.wait_dma2 semaphore(%run_scoped3A : memref<!tpu.dma_semaphore, #tpu.memory_space<semaphore_mem>>) src(%dma_wait3A_33 : memref<624x128xf32, #tpu.memory_space<hbm>>) dst(%dma_wait3A_31 : memref<624x128xf32, #tpu.memory_space<vmem_shared>>)
      tpu.yield
    }) : () -> ()
    %eq3A = arith.constant 15 : i32
    %eq3A_7 = arith.cmpi eq, %arg1, %eq3A : i32
    %convert_element_type3A = arith.extui %eq3A_7 : i1 to i32
    %cond3A = arith.constant 0 : i32
    %cond3A_8 = arith.cmpi ne, %convert_element_type3A, %cond3A : i32
    scf.if %cond3A_8 {
      "tpu.region"() ({
        %run_scoped3A = tpu.sem_alloc : memref<!tpu.dma_semaphore, #tpu.memory_space<semaphore_mem>>
        %dma_start3A_27 = arith.constant 9984 : i32
        %dma_start3A_28 = arith.constant 0 : i32
        %dma_start3A_29 = tpu.memref_slice %arg16[%dma_start3A_27, %dma_start3A_28] : memref<10000x128xf32, #tpu.memory_space<vmem_shared>> -> memref<16x128xf32, #tpu.memory_space<vmem_shared>>
        %dma_start3A_30 = arith.constant 9984 : i32
        %dma_start3A_31 = arith.constant 0 : i32
        %dma_start3A_32 = tpu.memref_slice %arg4[%dma_start3A_30, %dma_start3A_31] : memref<10000x128xf32, #tpu.memory_space<hbm>> -> memref<16x128xf32, #tpu.memory_space<hbm>>
        tpu.enqueue_dma source(%dma_start3A_32 : memref<16x128xf32, #tpu.memory_space<hbm>>) target(%dma_start3A_29 : memref<16x128xf32, #tpu.memory_space<vmem_shared>>) target_semaphore(%run_scoped3A : memref<!tpu.dma_semaphore, #tpu.memory_space<semaphore_mem>>)
        %dma_wait3A = arith.constant 9984 : i32
        %dma_wait3A_33 = arith.constant 0 : i32
        %dma_wait3A_34 = tpu.memref_slice %arg16[%dma_wait3A, %dma_wait3A_33] : memref<10000x128xf32, #tpu.memory_space<vmem_shared>> -> memref<16x128xf32, #tpu.memory_space<vmem_shared>>
        %dma_wait3A_35 = arith.constant 9984 : i32
        %dma_wait3A_36 = arith.constant 0 : i32
        %dma_wait3A_37 = tpu.memref_slice %arg4[%dma_wait3A_35, %dma_wait3A_36] : memref<10000x128xf32, #tpu.memory_space<hbm>> -> memref<16x128xf32, #tpu.memory_space<hbm>>
        tpu.wait_dma2 semaphore(%run_scoped3A : memref<!tpu.dma_semaphore, #tpu.memory_space<semaphore_mem>>) src(%dma_wait3A_37 : memref<16x128xf32, #tpu.memory_space<hbm>>) dst(%dma_wait3A_34 : memref<16x128xf32, #tpu.memory_space<vmem_shared>>)
        tpu.yield
      }) : () -> ()
    } else {
    }
    %barrier3A = arith.constant 0 : index
    tpu.barrier barrier_id(%barrier3A)
    %add3A_9 = arith.constant 0 : i32
    %add3A_10 = arith.addi %mul3A_2, %add3A_9 : i32
    "tpu.region"() ({
      %run_scoped3A = tpu.sem_alloc : memref<!tpu.dma_semaphore, #tpu.memory_space<semaphore_mem>>
      %dma_start3A_27 = tpu.memref_slice %arg2[%add3A_10] : memref<327680xi32, #tpu.memory_space<hbm>> -> memref<64xi32, #tpu.memory_space<hbm>>
      %dma_start3A_28 = tpu.memref_slice %arg2[%add3A_10] : memref<327680xi32, #tpu.memory_space<hbm>> -> memref<64xi32, #tpu.memory_space<hbm>>
      tpu.enqueue_dma source(%dma_start3A_28 : memref<64xi32, #tpu.memory_space<hbm>>) target(%arg6 : memref<64xi32, #tpu.memory_space<vmem>>) target_semaphore(%run_scoped3A : memref<!tpu.dma_semaphore, #tpu.memory_space<semaphore_mem>>)
      %dma_wait3A = tpu.memref_slice %arg2[%add3A_10] : memref<327680xi32, #tpu.memory_space<hbm>> -> memref<64xi32, #tpu.memory_space<hbm>>
      %dma_wait3A_29 = tpu.memref_slice %arg2[%add3A_10] : memref<327680xi32, #tpu.memory_space<hbm>> -> memref<64xi32, #tpu.memory_space<hbm>>
      tpu.wait_dma2 semaphore(%run_scoped3A : memref<!tpu.dma_semaphore, #tpu.memory_space<semaphore_mem>>) src(%dma_wait3A_29 : memref<64xi32, #tpu.memory_space<hbm>>) dst(%arg6 : memref<64xi32, #tpu.memory_space<vmem>>)
      tpu.yield
    }) : () -> ()
    %add3A_11 = arith.constant 0 : i32
    %add3A_12 = arith.addi %mul3A_2, %add3A_11 : i32
    "tpu.region"() ({
      %run_scoped3A = tpu.sem_alloc : memref<!tpu.dma_semaphore, #tpu.memory_space<semaphore_mem>>
      %dma_start3A_27 = tpu.memref_slice %arg3[%add3A_12] : memref<327680xi32, #tpu.memory_space<hbm>> -> memref<64xi32, #tpu.memory_space<hbm>>
      %dma_start3A_28 = tpu.memref_slice %arg3[%add3A_12] : memref<327680xi32, #tpu.memory_space<hbm>> -> memref<64xi32, #tpu.memory_space<hbm>>
      tpu.enqueue_dma source(%dma_start3A_28 : memref<64xi32, #tpu.memory_space<hbm>>) target(%arg7 : memref<64xi32, #tpu.memory_space<vmem>>) target_semaphore(%run_scoped3A : memref<!tpu.dma_semaphore, #tpu.memory_space<semaphore_mem>>)
      %dma_wait3A = tpu.memref_slice %arg3[%add3A_12] : memref<327680xi32, #tpu.memory_space<hbm>> -> memref<64xi32, #tpu.memory_space<hbm>>
      %dma_wait3A_29 = tpu.memref_slice %arg3[%add3A_12] : memref<327680xi32, #tpu.memory_space<hbm>> -> memref<64xi32, #tpu.memory_space<hbm>>
      tpu.wait_dma2 semaphore(%run_scoped3A : memref<!tpu.dma_semaphore, #tpu.memory_space<semaphore_mem>>) src(%dma_wait3A_29 : memref<64xi32, #tpu.memory_space<hbm>>) dst(%arg7 : memref<64xi32, #tpu.memory_space<vmem>>)
      tpu.yield
    }) : () -> ()
    %dma_start3A = arith.constant 0 : i32
    %dma_start3A_13 = arith.constant 0 : i32
    %dma_start3A_14 = tpu.memref_slice %arg16[%dma_start3A, %dma_start3A_13] : memref<10000x128xf32, #tpu.memory_space<vmem_shared>> -> memref<10000x128xf32, #tpu.memory_space<vmem_shared>>
    tpu.enqueue_indirect_dma source(%dma_start3A_14 : memref<10000x128xf32, #tpu.memory_space<vmem_shared>>) target(%arg10 : memref<64x128xf32, #tpu.memory_space<vmem>>) offsets(%arg6 : memref<64xi32, #tpu.memory_space<vmem>>) semaphore(%arg17 : memref<!tpu.dma_semaphore, #tpu.memory_space<semaphore_mem>>)
    %dma_start3A_15 = arith.constant 0 : i32
    %dma_start3A_16 = arith.constant 0 : i32
    %dma_start3A_17 = tpu.memref_slice %arg16[%dma_start3A_15, %dma_start3A_16] : memref<10000x128xf32, #tpu.memory_space<vmem_shared>> -> memref<10000x128xf32, #tpu.memory_space<vmem_shared>>
    tpu.enqueue_indirect_dma source(%dma_start3A_17 : memref<10000x128xf32, #tpu.memory_space<vmem_shared>>) target(%arg11 : memref<64x128xf32, #tpu.memory_space<vmem>>) offsets(%arg7 : memref<64xi32, #tpu.memory_space<vmem>>) semaphore(%arg17 : memref<!tpu.dma_semaphore, #tpu.memory_space<semaphore_mem>>)
    %add3A_18 = arith.constant 64 : i32
    %add3A_19 = arith.addi %mul3A_2, %add3A_18 : i32
    "tpu.region"() ({
      %run_scoped3A = tpu.sem_alloc : memref<!tpu.dma_semaphore, #tpu.memory_space<semaphore_mem>>
      %dma_start3A_27 = tpu.memref_slice %arg2[%add3A_19] : memref<327680xi32, #tpu.memory_space<hbm>> -> memref<64xi32, #tpu.memory_space<hbm>>
      %dma_start3A_28 = tpu.memref_slice %arg2[%add3A_19] : memref<327680xi32, #tpu.memory_space<hbm>> -> memref<64xi32, #tpu.memory_space<hbm>>
      tpu.enqueue_dma source(%dma_start3A_28 : memref<64xi32, #tpu.memory_space<hbm>>) target(%arg8 : memref<64xi32, #tpu.memory_space<vmem>>) target_semaphore(%run_scoped3A : memref<!tpu.dma_semaphore, #tpu.memory_space<semaphore_mem>>)
      %dma_wait3A = tpu.memref_slice %arg2[%add3A_19] : memref<327680xi32, #tpu.memory_space<hbm>> -> memref<64xi32, #tpu.memory_space<hbm>>
      %dma_wait3A_29 = tpu.memref_slice %arg2[%add3A_19] : memref<327680xi32, #tpu.memory_space<hbm>> -> memref<64xi32, #tpu.memory_space<hbm>>
      tpu.wait_dma2 semaphore(%run_scoped3A : memref<!tpu.dma_semaphore, #tpu.memory_space<semaphore_mem>>) src(%dma_wait3A_29 : memref<64xi32, #tpu.memory_space<hbm>>) dst(%arg8 : memref<64xi32, #tpu.memory_space<vmem>>)
      tpu.yield
    }) : () -> ()
    %add3A_20 = arith.constant 64 : i32
    %add3A_21 = arith.addi %mul3A_2, %add3A_20 : i32
    "tpu.region"() ({
      %run_scoped3A = tpu.sem_alloc : memref<!tpu.dma_semaphore, #tpu.memory_space<semaphore_mem>>
      %dma_start3A_27 = tpu.memref_slice %arg3[%add3A_21] : memref<327680xi32, #tpu.memory_space<hbm>> -> memref<64xi32, #tpu.memory_space<hbm>>
      %dma_start3A_28 = tpu.memref_slice %arg3[%add3A_21] : memref<327680xi32, #tpu.memory_space<hbm>> -> memref<64xi32, #tpu.memory_space<hbm>>
      tpu.enqueue_dma source(%dma_start3A_28 : memref<64xi32, #tpu.memory_space<hbm>>) target(%arg9 : memref<64xi32, #tpu.memory_space<vmem>>) target_semaphore(%run_scoped3A : memref<!tpu.dma_semaphore, #tpu.memory_space<semaphore_mem>>)
      %dma_wait3A = tpu.memref_slice %arg3[%add3A_21] : memref<327680xi32, #tpu.memory_space<hbm>> -> memref<64xi32, #tpu.memory_space<hbm>>
      %dma_wait3A_29 = tpu.memref_slice %arg3[%add3A_21] : memref<327680xi32, #tpu.memory_space<hbm>> -> memref<64xi32, #tpu.memory_space<hbm>>
      tpu.wait_dma2 semaphore(%run_scoped3A : memref<!tpu.dma_semaphore, #tpu.memory_space<semaphore_mem>>) src(%dma_wait3A_29 : memref<64xi32, #tpu.memory_space<hbm>>) dst(%arg9 : memref<64xi32, #tpu.memory_space<vmem>>)
      tpu.yield
    }) : () -> ()
    %scan3A = arith.constant 0 : i32
    %scan3A_22 = arith.constant 0 : i32
    %scan3A_23 = arith.constant 80 : i32
    %scan3A_24 = arith.addi %scan3A_22, %scan3A_23 : i32
    %scan3A_25 = arith.constant 1 : i32
    scf.for %scan3A_27 = %scan3A_22 to %scan3A_24 step %scan3A_25  : i32 {
      %mul3A_28 = arith.constant 2 : i32
      %mul3A_29 = arith.muli %scan3A_27, %mul3A_28 : i32
      %dma_start3A_30 = arith.constant 0 : i32
      %dma_start3A_31 = arith.constant 0 : i32
      %dma_start3A_32 = tpu.memref_slice %arg16[%dma_start3A_30, %dma_start3A_31] : memref<10000x128xf32, #tpu.memory_space<vmem_shared>> -> memref<10000x128xf32, #tpu.memory_space<vmem_shared>>
      tpu.enqueue_indirect_dma source(%dma_start3A_32 : memref<10000x128xf32, #tpu.memory_space<vmem_shared>>) target(%arg12 : memref<64x128xf32, #tpu.memory_space<vmem>>) offsets(%arg8 : memref<64xi32, #tpu.memory_space<vmem>>) semaphore(%arg18 : memref<!tpu.dma_semaphore, #tpu.memory_space<semaphore_mem>>)
      %dma_start3A_33 = arith.constant 0 : i32
      %dma_start3A_34 = arith.constant 0 : i32
      %dma_start3A_35 = tpu.memref_slice %arg16[%dma_start3A_33, %dma_start3A_34] : memref<10000x128xf32, #tpu.memory_space<vmem_shared>> -> memref<10000x128xf32, #tpu.memory_space<vmem_shared>>
      tpu.enqueue_indirect_dma source(%dma_start3A_35 : memref<10000x128xf32, #tpu.memory_space<vmem_shared>>) target(%arg13 : memref<64x128xf32, #tpu.memory_space<vmem>>) offsets(%arg9 : memref<64xi32, #tpu.memory_space<vmem>>) semaphore(%arg18 : memref<!tpu.dma_semaphore, #tpu.memory_space<semaphore_mem>>)
      %dma_wait3A = arith.constant 0 : i32
      %dma_wait3A_36 = arith.constant 0 : i32
      %dma_wait3A_37 = tpu.memref_slice %arg16[%dma_wait3A, %dma_wait3A_36] : memref<10000x128xf32, #tpu.memory_space<vmem_shared>> -> memref<10000x128xf32, #tpu.memory_space<vmem_shared>>
      tpu.wait_indirect_dma semaphore(%arg17 : memref<!tpu.dma_semaphore, #tpu.memory_space<semaphore_mem>>) src(%dma_wait3A_37 : memref<10000x128xf32, #tpu.memory_space<vmem_shared>>) dst(%arg10 : memref<64x128xf32, #tpu.memory_space<vmem>>)
      %dma_wait3A_38 = arith.constant 0 : i32
      %dma_wait3A_39 = arith.constant 0 : i32
      %dma_wait3A_40 = tpu.memref_slice %arg16[%dma_wait3A_38, %dma_wait3A_39] : memref<10000x128xf32, #tpu.memory_space<vmem_shared>> -> memref<10000x128xf32, #tpu.memory_space<vmem_shared>>
      tpu.wait_indirect_dma semaphore(%arg17 : memref<!tpu.dma_semaphore, #tpu.memory_space<semaphore_mem>>) src(%dma_wait3A_40 : memref<10000x128xf32, #tpu.memory_space<vmem_shared>>) dst(%arg11 : memref<64x128xf32, #tpu.memory_space<vmem>>)
      %add3A_41 = arith.constant 1 : i32
      %add3A_42 = arith.addi %scan3A_27, %add3A_41 : i32
      %lt3A = arith.constant 80 : i32
      %lt3A_43 = arith.cmpi slt, %add3A_42, %lt3A : i32
      %convert_element_type3A_44 = arith.extui %lt3A_43 : i1 to i32
      %cond3A_45 = arith.constant 0 : i32
      %cond3A_46 = arith.cmpi ne, %convert_element_type3A_44, %cond3A_45 : i32
      scf.if %cond3A_46 {
        %add3A_629 = arith.constant 2 : i32
        %add3A_630 = arith.addi %mul3A_29, %add3A_629 : i32
        %mul3A_631 = arith.constant 64 : i32
        %mul3A_632 = arith.muli %add3A_630, %mul3A_631 : i32
        %add3A_633 = arith.addi %mul3A_2, %mul3A_632 : i32
        "tpu.region"() ({
          %run_scoped3A = tpu.sem_alloc : memref<!tpu.dma_semaphore, #tpu.memory_space<semaphore_mem>>
          %dma_start3A_637 = tpu.memref_slice %arg2[%add3A_633] : memref<327680xi32, #tpu.memory_space<hbm>> -> memref<64xi32, #tpu.memory_space<hbm>>
          %dma_start3A_638 = tpu.memref_slice %arg2[%add3A_633] : memref<327680xi32, #tpu.memory_space<hbm>> -> memref<64xi32, #tpu.memory_space<hbm>>
          tpu.enqueue_dma source(%dma_start3A_638 : memref<64xi32, #tpu.memory_space<hbm>>) target(%arg6 : memref<64xi32, #tpu.memory_space<vmem>>) target_semaphore(%run_scoped3A : memref<!tpu.dma_semaphore, #tpu.memory_space<semaphore_mem>>)
          %dma_wait3A_639 = tpu.memref_slice %arg2[%add3A_633] : memref<327680xi32, #tpu.memory_space<hbm>> -> memref<64xi32, #tpu.memory_space<hbm>>
          %dma_wait3A_640 = tpu.memref_slice %arg2[%add3A_633] : memref<327680xi32, #tpu.memory_space<hbm>> -> memref<64xi32, #tpu.memory_space<hbm>>
          tpu.wait_dma2 semaphore(%run_scoped3A : memref<!tpu.dma_semaphore, #tpu.memory_space<semaphore_mem>>) src(%dma_wait3A_640 : memref<64xi32, #tpu.memory_space<hbm>>) dst(%arg6 : memref<64xi32, #tpu.memory_space<vmem>>)
          tpu.yield
        }) : () -> ()
        %mul3A_634 = arith.constant 64 : i32
        %mul3A_635 = arith.muli %add3A_630, %mul3A_634 : i32
        %add3A_636 = arith.addi %mul3A_2, %mul3A_635 : i32
        "tpu.region"() ({
          %run_scoped3A = tpu.sem_alloc : memref<!tpu.dma_semaphore, #tpu.memory_space<semaphore_mem>>
          %dma_start3A_637 = tpu.memref_slice %arg3[%add3A_636] : memref<327680xi32, #tpu.memory_space<hbm>> -> memref<64xi32, #tpu.memory_space<hbm>>
          %dma_start3A_638 = tpu.memref_slice %arg3[%add3A_636] : memref<327680xi32, #tpu.memory_space<hbm>> -> memref<64xi32, #tpu.memory_space<hbm>>
          tpu.enqueue_dma source(%dma_start3A_638 : memref<64xi32, #tpu.memory_space<hbm>>) target(%arg7 : memref<64xi32, #tpu.memory_space<vmem>>) target_semaphore(%run_scoped3A : memref<!tpu.dma_semaphore, #tpu.memory_space<semaphore_mem>>)
          %dma_wait3A_639 = tpu.memref_slice %arg3[%add3A_636] : memref<327680xi32, #tpu.memory_space<hbm>> -> memref<64xi32, #tpu.memory_space<hbm>>
          %dma_wait3A_640 = tpu.memref_slice %arg3[%add3A_636] : memref<327680xi32, #tpu.memory_space<hbm>> -> memref<64xi32, #tpu.memory_space<hbm>>
          tpu.wait_dma2 semaphore(%run_scoped3A : memref<!tpu.dma_semaphore, #tpu.memory_space<semaphore_mem>>) src(%dma_wait3A_640 : memref<64xi32, #tpu.memory_space<hbm>>) dst(%arg7 : memref<64xi32, #tpu.memory_space<vmem>>)
          tpu.yield
        }) : () -> ()
      } else {
      }
      %scan3A_47 = arith.constant 0 : i32
      %scan3A_48 = arith.constant 0 : i32
      %scan3A_49 = arith.constant 64 : i32
      %scan3A_50 = arith.addi %scan3A_48, %scan3A_49 : i32
      %scan3A_51 = arith.constant 8 : i32
      scf.for %scan3A_629 = %scan3A_48 to %scan3A_50 step %scan3A_51  : i32 {
        %get3A = arith.index_cast %scan3A_629 : i32 to index
        %get3A_630 = arith.constant 0 : index
        %get3A_631 = tpu.vector_load %arg10[%get3A, %get3A_630] {strides = array<i32>} : memref<64x128xf32, #tpu.memory_space<vmem>>, vector<16xf32>,
        %get3A_632 = arith.index_cast %scan3A_629 : i32 to index
        %get3A_633 = arith.constant 0 : index
        %get3A_634 = tpu.vector_load %arg11[%get3A_632, %get3A_633] {strides = array<i32>} : memref<64x128xf32, #tpu.memory_space<vmem>>, vector<16xf32>,
        %mul3A_635 = arith.mulf %get3A_631, %get3A_634 : vector<16xf32>
        %get3A_636 = arith.index_cast %scan3A_629 : i32 to index
        %get3A_637 = arith.constant 16 : index
        %get3A_638 = tpu.vector_load %arg10[%get3A_636, %get3A_637] {strides = array<i32>} : memref<64x128xf32, #tpu.memory_space<vmem>>, vector<16xf32>,
        %get3A_639 = arith.index_cast %scan3A_629 : i32 to index
        %get3A_640 = arith.constant 16 : index
        %get3A_641 = tpu.vector_load %arg11[%get3A_639, %get3A_640] {strides = array<i32>} : memref<64x128xf32, #tpu.memory_space<vmem>>, vector<16xf32>,
        %mul3A_642 = arith.mulf %get3A_638, %get3A_641 : vector<16xf32>
        %add3A_643 = arith.addf %mul3A_635, %mul3A_642 : vector<16xf32>
        %get3A_644 = arith.index_cast %scan3A_629 : i32 to index
        %get3A_645 = arith.constant 32 : index
        %get3A_646 = tpu.vector_load %arg10[%get3A_644, %get3A_645] {strides = array<i32>} : memref<64x128xf32, #tpu.memory_space<vmem>>, vector<16xf32>,
        %get3A_647 = arith.index_cast %scan3A_629 : i32 to index
        %get3A_648 = arith.constant 32 : index
        %get3A_649 = tpu.vector_load %arg11[%get3A_647, %get3A_648] {strides = array<i32>} : memref<64x128xf32, #tpu.memory_space<vmem>>, vector<16xf32>,
        %mul3A_650 = arith.mulf %get3A_646, %get3A_649 : vector<16xf32>
        %add3A_651 = arith.addf %add3A_643, %mul3A_650 : vector<16xf32>
        %get3A_652 = arith.index_cast %scan3A_629 : i32 to index
        %get3A_653 = arith.constant 48 : index
        %get3A_654 = tpu.vector_load %arg10[%get3A_652, %get3A_653] {strides = array<i32>} : memref<64x128xf32, #tpu.memory_space<vmem>>, vector<16xf32>,
        %get3A_655 = arith.index_cast %scan3A_629 : i32 to index
        %get3A_656 = arith.constant 48 : index
        %get3A_657 = tpu.vector_load %arg11[%get3A_655, %get3A_656] {strides = array<i32>} : memref<64x128xf32, #tpu.memory_space<vmem>>, vector<16xf32>,
        %mul3A_658 = arith.mulf %get3A_654, %get3A_657 : vector<16xf32>
        %add3A_659 = arith.addf %add3A_651, %mul3A_658 : vector<16xf32>
        %get3A_660 = arith.index_cast %scan3A_629 : i32 to index
        %get3A_661 = arith.constant 64 : index
        %get3A_662 = tpu.vector_load %arg10[%get3A_660, %get3A_661] {strides = array<i32>} : memref<64x128xf32, #tpu.memory_space<vmem>>, vector<16xf32>,
        %get3A_663 = arith.index_cast %scan3A_629 : i32 to index
        %get3A_664 = arith.constant 64 : index
        %get3A_665 = tpu.vector_load %arg11[%get3A_663, %get3A_664] {strides = array<i32>} : memref<64x128xf32, #tpu.memory_space<vmem>>, vector<16xf32>,
        %mul3A_666 = arith.mulf %get3A_662, %get3A_665 : vector<16xf32>
        %add3A_667 = arith.addf %add3A_659, %mul3A_666 : vector<16xf32>
        %get3A_668 = arith.index_cast %scan3A_629 : i32 to index
        %get3A_669 = arith.constant 80 : index
        %get3A_670 = tpu.vector_load %arg10[%get3A_668, %get3A_669] {strides = array<i32>} : memref<64x128xf32, #tpu.memory_space<vmem>>, vector<16xf32>,
        %get3A_671 = arith.index_cast %scan3A_629 : i32 to index
        %get3A_672 = arith.constant 80 : index
        %get3A_673 = tpu.vector_load %arg11[%get3A_671, %get3A_672] {strides = array<i32>} : memref<64x128xf32, #tpu.memory_space<vmem>>, vector<16xf32>,
        %mul3A_674 = arith.mulf %get3A_670, %get3A_673 : vector<16xf32>
        %add3A_675 = arith.addf %add3A_667, %mul3A_674 : vector<16xf32>
        %get3A_676 = arith.index_cast %scan3A_629 : i32 to index
        %get3A_677 = arith.constant 96 : index
        %get3A_678 = tpu.vector_load %arg10[%get3A_676, %get3A_677] {strides = array<i32>} : memref<64x128xf32, #tpu.memory_space<vmem>>, vector<16xf32>,
        %get3A_679 = arith.index_cast %scan3A_629 : i32 to index
        %get3A_680 = arith.constant 96 : index
        %get3A_681 = tpu.vector_load %arg11[%get3A_679, %get3A_680] {strides = array<i32>} : memref<64x128xf32, #tpu.memory_space<vmem>>, vector<16xf32>,
        %mul3A_682 = arith.mulf %get3A_678, %get3A_681 : vector<16xf32>
        %add3A_683 = arith.addf %add3A_675, %mul3A_682 : vector<16xf32>
        %get3A_684 = arith.index_cast %scan3A_629 : i32 to index
        %get3A_685 = arith.constant 112 : index
        %get3A_686 = tpu.vector_load %arg10[%get3A_684, %get3A_685] {strides = array<i32>} : memref<64x128xf32, #tpu.memory_space<vmem>>, vector<16xf32>,
        %get3A_687 = arith.index_cast %scan3A_629 : i32 to index
        %get3A_688 = arith.constant 112 : index
        %get3A_689 = tpu.vector_load %arg11[%get3A_687, %get3A_688] {strides = array<i32>} : memref<64x128xf32, #tpu.memory_space<vmem>>, vector<16xf32>,
        %mul3A_690 = arith.mulf %get3A_686, %get3A_689 : vector<16xf32>
        %add3A_691 = arith.addf %add3A_683, %mul3A_690 : vector<16xf32>
        %swap3A_692 = arith.index_cast %scan3A_629 : i32 to index
        %swap3A_693 = arith.constant 0 : index
        %swap3A_694 = tpu.vector_load %arg14[%swap3A_692, %swap3A_693] {strides = array<i32>} : memref<64x17xf32, #tpu.memory_space<vmem>>, vector<16xf32>,
        tpu.vector_store %arg14[%swap3A_692, %swap3A_693], %add3A_691 {strides = array<i32>} : memref<64x17xf32, #tpu.memory_space<vmem>>, vector<16xf32>,
        %scan3A_695 = arith.constant 1 : i32
        %scan3A_696 = arith.addi %scan3A_629, %scan3A_695 : i32
        %get3A_697 = arith.index_cast %scan3A_696 : i32 to index
        %get3A_698 = arith.constant 0 : index
        %get3A_699 = tpu.vector_load %arg10[%get3A_697, %get3A_698] {strides = array<i32>} : memref<64x128xf32, #tpu.memory_space<vmem>>, vector<16xf32>,
        %get3A_700 = arith.index_cast %scan3A_696 : i32 to index
        %get3A_701 = arith.constant 0 : index
        %get3A_702 = tpu.vector_load %arg11[%get3A_700, %get3A_701] {strides = array<i32>} : memref<64x128xf32, #tpu.memory_space<vmem>>, vector<16xf32>,
        %mul3A_703 = arith.mulf %get3A_699, %get3A_702 : vector<16xf32>
        %get3A_704 = arith.index_cast %scan3A_696 : i32 to index
        %get3A_705 = arith.constant 16 : index
        %get3A_706 = tpu.vector_load %arg10[%get3A_704, %get3A_705] {strides = array<i32>} : memref<64x128xf32, #tpu.memory_space<vmem>>, vector<16xf32>,
        %get3A_707 = arith.index_cast %scan3A_696 : i32 to index
        %get3A_708 = arith.constant 16 : index
        %get3A_709 = tpu.vector_load %arg11[%get3A_707, %get3A_708] {strides = array<i32>} : memref<64x128xf32, #tpu.memory_space<vmem>>, vector<16xf32>,
        %mul3A_710 = arith.mulf %get3A_706, %get3A_709 : vector<16xf32>
        %add3A_711 = arith.addf %mul3A_703, %mul3A_710 : vector<16xf32>
        %get3A_712 = arith.index_cast %scan3A_696 : i32 to index
        %get3A_713 = arith.constant 32 : index
        %get3A_714 = tpu.vector_load %arg10[%get3A_712, %get3A_713] {strides = array<i32>} : memref<64x128xf32, #tpu.memory_space<vmem>>, vector<16xf32>,
        %get3A_715 = arith.index_cast %scan3A_696 : i32 to index
        %get3A_716 = arith.constant 32 : index
        %get3A_717 = tpu.vector_load %arg11[%get3A_715, %get3A_716] {strides = array<i32>} : memref<64x128xf32, #tpu.memory_space<vmem>>, vector<16xf32>,
        %mul3A_718 = arith.mulf %get3A_714, %get3A_717 : vector<16xf32>
        %add3A_719 = arith.addf %add3A_711, %mul3A_718 : vector<16xf32>
        %get3A_720 = arith.index_cast %scan3A_696 : i32 to index
        %get3A_721 = arith.constant 48 : index
        %get3A_722 = tpu.vector_load %arg10[%get3A_720, %get3A_721] {strides = array<i32>} : memref<64x128xf32, #tpu.memory_space<vmem>>, vector<16xf32>,
        %get3A_723 = arith.index_cast %scan3A_696 : i32 to index
        %get3A_724 = arith.constant 48 : index
        %get3A_725 = tpu.vector_load %arg11[%get3A_723, %get3A_724] {strides = array<i32>} : memref<64x128xf32, #tpu.memory_space<vmem>>, vector<16xf32>,
        %mul3A_726 = arith.mulf %get3A_722, %get3A_725 : vector<16xf32>
        %add3A_727 = arith.addf %add3A_719, %mul3A_726 : vector<16xf32>
        %get3A_728 = arith.index_cast %scan3A_696 : i32 to index
        %get3A_729 = arith.constant 64 : index
        %get3A_730 = tpu.vector_load %arg10[%get3A_728, %get3A_729] {strides = array<i32>} : memref<64x128xf32, #tpu.memory_space<vmem>>, vector<16xf32>,
        %get3A_731 = arith.index_cast %scan3A_696 : i32 to index
        %get3A_732 = arith.constant 64 : index
        %get3A_733 = tpu.vector_load %arg11[%get3A_731, %get3A_732] {strides = array<i32>} : memref<64x128xf32, #tpu.memory_space<vmem>>, vector<16xf32>,
        %mul3A_734 = arith.mulf %get3A_730, %get3A_733 : vector<16xf32>
        %add3A_735 = arith.addf %add3A_727, %mul3A_734 : vector<16xf32>
        %get3A_736 = arith.index_cast %scan3A_696 : i32 to index
        %get3A_737 = arith.constant 80 : index
        %get3A_738 = tpu.vector_load %arg10[%get3A_736, %get3A_737] {strides = array<i32>} : memref<64x128xf32, #tpu.memory_space<vmem>>, vector<16xf32>,
        %get3A_739 = arith.index_cast %scan3A_696 : i32 to index
        %get3A_740 = arith.constant 80 : index
        %get3A_741 = tpu.vector_load %arg11[%get3A_739, %get3A_740] {strides = array<i32>} : memref<64x128xf32, #tpu.memory_space<vmem>>, vector<16xf32>,
        %mul3A_742 = arith.mulf %get3A_738, %get3A_741 : vector<16xf32>
        %add3A_743 = arith.addf %add3A_735, %mul3A_742 : vector<16xf32>
        %get3A_744 = arith.index_cast %scan3A_696 : i32 to index
        %get3A_745 = arith.constant 96 : index
        %get3A_746 = tpu.vector_load %arg10[%get3A_744, %get3A_745] {strides = array<i32>} : memref<64x128xf32, #tpu.memory_space<vmem>>, vector<16xf32>,
        %get3A_747 = arith.index_cast %scan3A_696 : i32 to index
        %get3A_748 = arith.constant 96 : index
        %get3A_749 = tpu.vector_load %arg11[%get3A_747, %get3A_748] {strides = array<i32>} : memref<64x128xf32, #tpu.memory_space<vmem>>, vector<16xf32>,
        %mul3A_750 = arith.mulf %get3A_746, %get3A_749 : vector<16xf32>
        %add3A_751 = arith.addf %add3A_743, %mul3A_750 : vector<16xf32>
        %get3A_752 = arith.index_cast %scan3A_696 : i32 to index
        %get3A_753 = arith.constant 112 : index
        %get3A_754 = tpu.vector_load %arg10[%get3A_752, %get3A_753] {strides = array<i32>} : memref<64x128xf32, #tpu.memory_space<vmem>>, vector<16xf32>,
        %get3A_755 = arith.index_cast %scan3A_696 : i32 to index
        %get3A_756 = arith.constant 112 : index
        %get3A_757 = tpu.vector_load %arg11[%get3A_755, %get3A_756] {strides = array<i32>} : memref<64x128xf32, #tpu.memory_space<vmem>>, vector<16xf32>,
        %mul3A_758 = arith.mulf %get3A_754, %get3A_757 : vector<16xf32>
        %add3A_759 = arith.addf %add3A_751, %mul3A_758 : vector<16xf32>
        %swap3A_760 = arith.index_cast %scan3A_696 : i32 to index
        %swap3A_761 = arith.constant 0 : index
        %swap3A_762 = tpu.vector_load %arg14[%swap3A_760, %swap3A_761] {strides = array<i32>} : memref<64x17xf32, #tpu.memory_space<vmem>>, vector<16xf32>,
        tpu.vector_store %arg14[%swap3A_760, %swap3A_761], %add3A_759 {strides = array<i32>} : memref<64x17xf32, #tpu.memory_space<vmem>>, vector<16xf32>,
        %scan3A_763 = arith.constant 2 : i32
        %scan3A_764 = arith.addi %scan3A_629, %scan3A_763 : i32
        %get3A_765 = arith.index_cast %scan3A_764 : i32 to index
        %get3A_766 = arith.constant 0 : index
        %get3A_767 = tpu.vector_load %arg10[%get3A_765, %get3A_766] {strides = array<i32>} : memref<64x128xf32, #tpu.memory_space<vmem>>, vector<16xf32>,
        %get3A_768 = arith.index_cast %scan3A_764 : i32 to index
        %get3A_769 = arith.constant 0 : index
        %get3A_770 = tpu.vector_load %arg11[%get3A_768, %get3A_769] {strides = array<i32>} : memref<64x128xf32, #tpu.memory_space<vmem>>, vector<16xf32>,
        %mul3A_771 = arith.mulf %get3A_767, %get3A_770 : vector<16xf32>
        %get3A_772 = arith.index_cast %scan3A_764 : i32 to index
        %get3A_773 = arith.constant 16 : index
        %get3A_774 = tpu.vector_load %arg10[%get3A_772, %get3A_773] {strides = array<i32>} : memref<64x128xf32, #tpu.memory_space<vmem>>, vector<16xf32>,
        %get3A_775 = arith.index_cast %scan3A_764 : i32 to index
        %get3A_776 = arith.constant 16 : index
        %get3A_777 = tpu.vector_load %arg11[%get3A_775, %get3A_776] {strides = array<i32>} : memref<64x128xf32, #tpu.memory_space<vmem>>, vector<16xf32>,
        %mul3A_778 = arith.mulf %get3A_774, %get3A_777 : vector<16xf32>
        %add3A_779 = arith.addf %mul3A_771, %mul3A_778 : vector<16xf32>
        %get3A_780 = arith.index_cast %scan3A_764 : i32 to index
        %get3A_781 = arith.constant 32 : index
        %get3A_782 = tpu.vector_load %arg10[%get3A_780, %get3A_781] {strides = array<i32>} : memref<64x128xf32, #tpu.memory_space<vmem>>, vector<16xf32>,
        %get3A_783 = arith.index_cast %scan3A_764 : i32 to index
        %get3A_784 = arith.constant 32 : index
        %get3A_785 = tpu.vector_load %arg11[%get3A_783, %get3A_784] {strides = array<i32>} : memref<64x128xf32, #tpu.memory_space<vmem>>, vector<16xf32>,
        %mul3A_786 = arith.mulf %get3A_782, %get3A_785 : vector<16xf32>
        %add3A_787 = arith.addf %add3A_779, %mul3A_786 : vector<16xf32>
        %get3A_788 = arith.index_cast %scan3A_764 : i32 to index
        %get3A_789 = arith.constant 48 : index
        %get3A_790 = tpu.vector_load %arg10[%get3A_788, %get3A_789] {strides = array<i32>} : memref<64x128xf32, #tpu.memory_space<vmem>>, vector<16xf32>,
        %get3A_791 = arith.index_cast %scan3A_764 : i32 to index
        %get3A_792 = arith.constant 48 : index
        %get3A_793 = tpu.vector_load %arg11[%get3A_791, %get3A_792] {strides = array<i32>} : memref<64x128xf32, #tpu.memory_space<vmem>>, vector<16xf32>,
        %mul3A_794 = arith.mulf %get3A_790, %get3A_793 : vector<16xf32>
        %add3A_795 = arith.addf %add3A_787, %mul3A_794 : vector<16xf32>
        %get3A_796 = arith.index_cast %scan3A_764 : i32 to index
        %get3A_797 = arith.constant 64 : index
        %get3A_798 = tpu.vector_load %arg10[%get3A_796, %get3A_797] {strides = array<i32>} : memref<64x128xf32, #tpu.memory_space<vmem>>, vector<16xf32>,
        %get3A_799 = arith.index_cast %scan3A_764 : i32 to index
        %get3A_800 = arith.constant 64 : index
        %get3A_801 = tpu.vector_load %arg11[%get3A_799, %get3A_800] {strides = array<i32>} : memref<64x128xf32, #tpu.memory_space<vmem>>, vector<16xf32>,
        %mul3A_802 = arith.mulf %get3A_798, %get3A_801 : vector<16xf32>
        %add3A_803 = arith.addf %add3A_795, %mul3A_802 : vector<16xf32>
        %get3A_804 = arith.index_cast %scan3A_764 : i32 to index
        %get3A_805 = arith.constant 80 : index
        %get3A_806 = tpu.vector_load %arg10[%get3A_804, %get3A_805] {strides = array<i32>} : memref<64x128xf32, #tpu.memory_space<vmem>>, vector<16xf32>,
        %get3A_807 = arith.index_cast %scan3A_764 : i32 to index
        %get3A_808 = arith.constant 80 : index
        %get3A_809 = tpu.vector_load %arg11[%get3A_807, %get3A_808] {strides = array<i32>} : memref<64x128xf32, #tpu.memory_space<vmem>>, vector<16xf32>,
        %mul3A_810 = arith.mulf %get3A_806, %get3A_809 : vector<16xf32>
        %add3A_811 = arith.addf %add3A_803, %mul3A_810 : vector<16xf32>
        %get3A_812 = arith.index_cast %scan3A_764 : i32 to index
        %get3A_813 = arith.constant 96 : index
        %get3A_814 = tpu.vector_load %arg10[%get3A_812, %get3A_813] {strides = array<i32>} : memref<64x128xf32, #tpu.memory_space<vmem>>, vector<16xf32>,
        %get3A_815 = arith.index_cast %scan3A_764 : i32 to index
        %get3A_816 = arith.constant 96 : index
        %get3A_817 = tpu.vector_load %arg11[%get3A_815, %get3A_816] {strides = array<i32>} : memref<64x128xf32, #tpu.memory_space<vmem>>, vector<16xf32>,
        %mul3A_818 = arith.mulf %get3A_814, %get3A_817 : vector<16xf32>
        %add3A_819 = arith.addf %add3A_811, %mul3A_818 : vector<16xf32>
        %get3A_820 = arith.index_cast %scan3A_764 : i32 to index
        %get3A_821 = arith.constant 112 : index
        %get3A_822 = tpu.vector_load %arg10[%get3A_820, %get3A_821] {strides = array<i32>} : memref<64x128xf32, #tpu.memory_space<vmem>>, vector<16xf32>,
        %get3A_823 = arith.index_cast %scan3A_764 : i32 to index
        %get3A_824 = arith.constant 112 : index
        %get3A_825 = tpu.vector_load %arg11[%get3A_823, %get3A_824] {strides = array<i32>} : memref<64x128xf32, #tpu.memory_space<vmem>>, vector<16xf32>,
        %mul3A_826 = arith.mulf %get3A_822, %get3A_825 : vector<16xf32>
        %add3A_827 = arith.addf %add3A_819, %mul3A_826 : vector<16xf32>
        %swap3A_828 = arith.index_cast %scan3A_764 : i32 to index
        %swap3A_829 = arith.constant 0 : index
        %swap3A_830 = tpu.vector_load %arg14[%swap3A_828, %swap3A_829] {strides = array<i32>} : memref<64x17xf32, #tpu.memory_space<vmem>>, vector<16xf32>,
        tpu.vector_store %arg14[%swap3A_828, %swap3A_829], %add3A_827 {strides = array<i32>} : memref<64x17xf32, #tpu.memory_space<vmem>>, vector<16xf32>,
        %scan3A_831 = arith.constant 3 : i32
        %scan3A_832 = arith.addi %scan3A_629, %scan3A_831 : i32
        %get3A_833 = arith.index_cast %scan3A_832 : i32 to index
        %get3A_834 = arith.constant 0 : index
        %get3A_835 = tpu.vector_load %arg10[%get3A_833, %get3A_834] {strides = array<i32>} : memref<64x128xf32, #tpu.memory_space<vmem>>, vector<16xf32>,
        %get3A_836 = arith.index_cast %scan3A_832 : i32 to index
        %get3A_837 = arith.constant 0 : index
        %get3A_838 = tpu.vector_load %arg11[%get3A_836, %get3A_837] {strides = array<i32>} : memref<64x128xf32, #tpu.memory_space<vmem>>, vector<16xf32>,
        %mul3A_839 = arith.mulf %get3A_835, %get3A_838 : vector<16xf32>
        %get3A_840 = arith.index_cast %scan3A_832 : i32 to index
        %get3A_841 = arith.constant 16 : index
        %get3A_842 = tpu.vector_load %arg10[%get3A_840, %get3A_841] {strides = array<i32>} : memref<64x128xf32, #tpu.memory_space<vmem>>, vector<16xf32>,
        %get3A_843 = arith.index_cast %scan3A_832 : i32 to index
        %get3A_844 = arith.constant 16 : index
        %get3A_845 = tpu.vector_load %arg11[%get3A_843, %get3A_844] {strides = array<i32>} : memref<64x128xf32, #tpu.memory_space<vmem>>, vector<16xf32>,
        %mul3A_846 = arith.mulf %get3A_842, %get3A_845 : vector<16xf32>
        %add3A_847 = arith.addf %mul3A_839, %mul3A_846 : vector<16xf32>
        %get3A_848 = arith.index_cast %scan3A_832 : i32 to index
        %get3A_849 = arith.constant 32 : index
        %get3A_850 = tpu.vector_load %arg10[%get3A_848, %get3A_849] {strides = array<i32>} : memref<64x128xf32, #tpu.memory_space<vmem>>, vector<16xf32>,
        %get3A_851 = arith.index_cast %scan3A_832 : i32 to index
        %get3A_852 = arith.constant 32 : index
        %get3A_853 = tpu.vector_load %arg11[%get3A_851, %get3A_852] {strides = array<i32>} : memref<64x128xf32, #tpu.memory_space<vmem>>, vector<16xf32>,
        %mul3A_854 = arith.mulf %get3A_850, %get3A_853 : vector<16xf32>
        %add3A_855 = arith.addf %add3A_847, %mul3A_854 : vector<16xf32>
        %get3A_856 = arith.index_cast %scan3A_832 : i32 to index
        %get3A_857 = arith.constant 48 : index
        %get3A_858 = tpu.vector_load %arg10[%get3A_856, %get3A_857] {strides = array<i32>} : memref<64x128xf32, #tpu.memory_space<vmem>>, vector<16xf32>,
        %get3A_859 = arith.index_cast %scan3A_832 : i32 to index
        %get3A_860 = arith.constant 48 : index
        %get3A_861 = tpu.vector_load %arg11[%get3A_859, %get3A_860] {strides = array<i32>} : memref<64x128xf32, #tpu.memory_space<vmem>>, vector<16xf32>,
        %mul3A_862 = arith.mulf %get3A_858, %get3A_861 : vector<16xf32>
        %add3A_863 = arith.addf %add3A_855, %mul3A_862 : vector<16xf32>
        %get3A_864 = arith.index_cast %scan3A_832 : i32 to index
        %get3A_865 = arith.constant 64 : index
        %get3A_866 = tpu.vector_load %arg10[%get3A_864, %get3A_865] {strides = array<i32>} : memref<64x128xf32, #tpu.memory_space<vmem>>, vector<16xf32>,
        %get3A_867 = arith.index_cast %scan3A_832 : i32 to index
        %get3A_868 = arith.constant 64 : index
        %get3A_869 = tpu.vector_load %arg11[%get3A_867, %get3A_868] {strides = array<i32>} : memref<64x128xf32, #tpu.memory_space<vmem>>, vector<16xf32>,
        %mul3A_870 = arith.mulf %get3A_866, %get3A_869 : vector<16xf32>
        %add3A_871 = arith.addf %add3A_863, %mul3A_870 : vector<16xf32>
        %get3A_872 = arith.index_cast %scan3A_832 : i32 to index
        %get3A_873 = arith.constant 80 : index
        %get3A_874 = tpu.vector_load %arg10[%get3A_872, %get3A_873] {strides = array<i32>} : memref<64x128xf32, #tpu.memory_space<vmem>>, vector<16xf32>,
        %get3A_875 = arith.index_cast %scan3A_832 : i32 to index
        %get3A_876 = arith.constant 80 : index
        %get3A_877 = tpu.vector_load %arg11[%get3A_875, %get3A_876] {strides = array<i32>} : memref<64x128xf32, #tpu.memory_space<vmem>>, vector<16xf32>,
        %mul3A_878 = arith.mulf %get3A_874, %get3A_877 : vector<16xf32>
        %add3A_879 = arith.addf %add3A_871, %mul3A_878 : vector<16xf32>
        %get3A_880 = arith.index_cast %scan3A_832 : i32 to index
        %get3A_881 = arith.constant 96 : index
        %get3A_882 = tpu.vector_load %arg10[%get3A_880, %get3A_881] {strides = array<i32>} : memref<64x128xf32, #tpu.memory_space<vmem>>, vector<16xf32>,
        %get3A_883 = arith.index_cast %scan3A_832 : i32 to index
        %get3A_884 = arith.constant 96 : index
        %get3A_885 = tpu.vector_load %arg11[%get3A_883, %get3A_884] {strides = array<i32>} : memref<64x128xf32, #tpu.memory_space<vmem>>, vector<16xf32>,
        %mul3A_886 = arith.mulf %get3A_882, %get3A_885 : vector<16xf32>
        %add3A_887 = arith.addf %add3A_879, %mul3A_886 : vector<16xf32>
        %get3A_888 = arith.index_cast %scan3A_832 : i32 to index
        %get3A_889 = arith.constant 112 : index
        %get3A_890 = tpu.vector_load %arg10[%get3A_888, %get3A_889] {strides = array<i32>} : memref<64x128xf32, #tpu.memory_space<vmem>>, vector<16xf32>,
        %get3A_891 = arith.index_cast %scan3A_832 : i32 to index
        %get3A_892 = arith.constant 112 : index
        %get3A_893 = tpu.vector_load %arg11[%get3A_891, %get3A_892] {strides = array<i32>} : memref<64x128xf32, #tpu.memory_space<vmem>>, vector<16xf32>,
        %mul3A_894 = arith.mulf %get3A_890, %get3A_893 : vector<16xf32>
        %add3A_895 = arith.addf %add3A_887, %mul3A_894 : vector<16xf32>
        %swap3A_896 = arith.index_cast %scan3A_832 : i32 to index
        %swap3A_897 = arith.constant 0 : index
        %swap3A_898 = tpu.vector_load %arg14[%swap3A_896, %swap3A_897] {strides = array<i32>} : memref<64x17xf32, #tpu.memory_space<vmem>>, vector<16xf32>,
        tpu.vector_store %arg14[%swap3A_896, %swap3A_897], %add3A_895 {strides = array<i32>} : memref<64x17xf32, #tpu.memory_space<vmem>>, vector<16xf32>,
        %scan3A_899 = arith.constant 4 : i32
        %scan3A_900 = arith.addi %scan3A_629, %scan3A_899 : i32
        %get3A_901 = arith.index_cast %scan3A_900 : i32 to index
        %get3A_902 = arith.constant 0 : index
        %get3A_903 = tpu.vector_load %arg10[%get3A_901, %get3A_902] {strides = array<i32>} : memref<64x128xf32, #tpu.memory_space<vmem>>, vector<16xf32>,
        %get3A_904 = arith.index_cast %scan3A_900 : i32 to index
        %get3A_905 = arith.constant 0 : index
        %get3A_906 = tpu.vector_load %arg11[%get3A_904, %get3A_905] {strides = array<i32>} : memref<64x128xf32, #tpu.memory_space<vmem>>, vector<16xf32>,
        %mul3A_907 = arith.mulf %get3A_903, %get3A_906 : vector<16xf32>
        %get3A_908 = arith.index_cast %scan3A_900 : i32 to index
        %get3A_909 = arith.constant 16 : index
        %get3A_910 = tpu.vector_load %arg10[%get3A_908, %get3A_909] {strides = array<i32>} : memref<64x128xf32, #tpu.memory_space<vmem>>, vector<16xf32>,
        %get3A_911 = arith.index_cast %scan3A_900 : i32 to index
        %get3A_912 = arith.constant 16 : index
        %get3A_913 = tpu.vector_load %arg11[%get3A_911, %get3A_912] {strides = array<i32>} : memref<64x128xf32, #tpu.memory_space<vmem>>, vector<16xf32>,
        %mul3A_914 = arith.mulf %get3A_910, %get3A_913 : vector<16xf32>
        %add3A_915 = arith.addf %mul3A_907, %mul3A_914 : vector<16xf32>
        %get3A_916 = arith.index_cast %scan3A_900 : i32 to index
        %get3A_917 = arith.constant 32 : index
        %get3A_918 = tpu.vector_load %arg10[%get3A_916, %get3A_917] {strides = array<i32>} : memref<64x128xf32, #tpu.memory_space<vmem>>, vector<16xf32>,
        %get3A_919 = arith.index_cast %scan3A_900 : i32 to index
        %get3A_920 = arith.constant 32 : index
        %get3A_921 = tpu.vector_load %arg11[%get3A_919, %get3A_920] {strides = array<i32>} : memref<64x128xf32, #tpu.memory_space<vmem>>, vector<16xf32>,
        %mul3A_922 = arith.mulf %get3A_918, %get3A_921 : vector<16xf32>
        %add3A_923 = arith.addf %add3A_915, %mul3A_922 : vector<16xf32>
        %get3A_924 = arith.index_cast %scan3A_900 : i32 to index
        %get3A_925 = arith.constant 48 : index
        %get3A_926 = tpu.vector_load %arg10[%get3A_924, %get3A_925] {strides = array<i32>} : memref<64x128xf32, #tpu.memory_space<vmem>>, vector<16xf32>,
        %get3A_927 = arith.index_cast %scan3A_900 : i32 to index
        %get3A_928 = arith.constant 48 : index
        %get3A_929 = tpu.vector_load %arg11[%get3A_927, %get3A_928] {strides = array<i32>} : memref<64x128xf32, #tpu.memory_space<vmem>>, vector<16xf32>,
        %mul3A_930 = arith.mulf %get3A_926, %get3A_929 : vector<16xf32>
        %add3A_931 = arith.addf %add3A_923, %mul3A_930 : vector<16xf32>
        %get3A_932 = arith.index_cast %scan3A_900 : i32 to index
        %get3A_933 = arith.constant 64 : index
        %get3A_934 = tpu.vector_load %arg10[%get3A_932, %get3A_933] {strides = array<i32>} : memref<64x128xf32, #tpu.memory_space<vmem>>, vector<16xf32>,
        %get3A_935 = arith.index_cast %scan3A_900 : i32 to index
        %get3A_936 = arith.constant 64 : index
        %get3A_937 = tpu.vector_load %arg11[%get3A_935, %get3A_936] {strides = array<i32>} : memref<64x128xf32, #tpu.memory_space<vmem>>, vector<16xf32>,
        %mul3A_938 = arith.mulf %get3A_934, %get3A_937 : vector<16xf32>
        %add3A_939 = arith.addf %add3A_931, %mul3A_938 : vector<16xf32>
        %get3A_940 = arith.index_cast %scan3A_900 : i32 to index
        %get3A_941 = arith.constant 80 : index
        %get3A_942 = tpu.vector_load %arg10[%get3A_940, %get3A_941] {strides = array<i32>} : memref<64x128xf32, #tpu.memory_space<vmem>>, vector<16xf32>,
        %get3A_943 = arith.index_cast %scan3A_900 : i32 to index
        %get3A_944 = arith.constant 80 : index
        %get3A_945 = tpu.vector_load %arg11[%get3A_943, %get3A_944] {strides = array<i32>} : memref<64x128xf32, #tpu.memory_space<vmem>>, vector<16xf32>,
        %mul3A_946 = arith.mulf %get3A_942, %get3A_945 : vector<16xf32>
        %add3A_947 = arith.addf %add3A_939, %mul3A_946 : vector<16xf32>
        %get3A_948 = arith.index_cast %scan3A_900 : i32 to index
        %get3A_949 = arith.constant 96 : index
        %get3A_950 = tpu.vector_load %arg10[%get3A_948, %get3A_949] {strides = array<i32>} : memref<64x128xf32, #tpu.memory_space<vmem>>, vector<16xf32>,
        %get3A_951 = arith.index_cast %scan3A_900 : i32 to index
        %get3A_952 = arith.constant 96 : index
        %get3A_953 = tpu.vector_load %arg11[%get3A_951, %get3A_952] {strides = array<i32>} : memref<64x128xf32, #tpu.memory_space<vmem>>, vector<16xf32>,
        %mul3A_954 = arith.mulf %get3A_950, %get3A_953 : vector<16xf32>
        %add3A_955 = arith.addf %add3A_947, %mul3A_954 : vector<16xf32>
        %get3A_956 = arith.index_cast %scan3A_900 : i32 to index
        %get3A_957 = arith.constant 112 : index
        %get3A_958 = tpu.vector_load %arg10[%get3A_956, %get3A_957] {strides = array<i32>} : memref<64x128xf32, #tpu.memory_space<vmem>>, vector<16xf32>,
        %get3A_959 = arith.index_cast %scan3A_900 : i32 to index
        %get3A_960 = arith.constant 112 : index
        %get3A_961 = tpu.vector_load %arg11[%get3A_959, %get3A_960] {strides = array<i32>} : memref<64x128xf32, #tpu.memory_space<vmem>>, vector<16xf32>,
        %mul3A_962 = arith.mulf %get3A_958, %get3A_961 : vector<16xf32>
        %add3A_963 = arith.addf %add3A_955, %mul3A_962 : vector<16xf32>
        %swap3A_964 = arith.index_cast %scan3A_900 : i32 to index
        %swap3A_965 = arith.constant 0 : index
        %swap3A_966 = tpu.vector_load %arg14[%swap3A_964, %swap3A_965] {strides = array<i32>} : memref<64x17xf32, #tpu.memory_space<vmem>>, vector<16xf32>,
        tpu.vector_store %arg14[%swap3A_964, %swap3A_965], %add3A_963 {strides = array<i32>} : memref<64x17xf32, #tpu.memory_space<vmem>>, vector<16xf32>,
        %scan3A_967 = arith.constant 5 : i32
        %scan3A_968 = arith.addi %scan3A_629, %scan3A_967 : i32
        %get3A_969 = arith.index_cast %scan3A_968 : i32 to index
        %get3A_970 = arith.constant 0 : index
        %get3A_971 = tpu.vector_load %arg10[%get3A_969, %get3A_970] {strides = array<i32>} : memref<64x128xf32, #tpu.memory_space<vmem>>, vector<16xf32>,
        %get3A_972 = arith.index_cast %scan3A_968 : i32 to index
        %get3A_973 = arith.constant 0 : index
        %get3A_974 = tpu.vector_load %arg11[%get3A_972, %get3A_973] {strides = array<i32>} : memref<64x128xf32, #tpu.memory_space<vmem>>, vector<16xf32>,
        %mul3A_975 = arith.mulf %get3A_971, %get3A_974 : vector<16xf32>
        %get3A_976 = arith.index_cast %scan3A_968 : i32 to index
        %get3A_977 = arith.constant 16 : index
        %get3A_978 = tpu.vector_load %arg10[%get3A_976, %get3A_977] {strides = array<i32>} : memref<64x128xf32, #tpu.memory_space<vmem>>, vector<16xf32>,
        %get3A_979 = arith.index_cast %scan3A_968 : i32 to index
        %get3A_980 = arith.constant 16 : index
        %get3A_981 = tpu.vector_load %arg11[%get3A_979, %get3A_980] {strides = array<i32>} : memref<64x128xf32, #tpu.memory_space<vmem>>, vector<16xf32>,
        %mul3A_982 = arith.mulf %get3A_978, %get3A_981 : vector<16xf32>
        %add3A_983 = arith.addf %mul3A_975, %mul3A_982 : vector<16xf32>
        %get3A_984 = arith.index_cast %scan3A_968 : i32 to index
        %get3A_985 = arith.constant 32 : index
        %get3A_986 = tpu.vector_load %arg10[%get3A_984, %get3A_985] {strides = array<i32>} : memref<64x128xf32, #tpu.memory_space<vmem>>, vector<16xf32>,
        %get3A_987 = arith.index_cast %scan3A_968 : i32 to index
        %get3A_988 = arith.constant 32 : index
        %get3A_989 = tpu.vector_load %arg11[%get3A_987, %get3A_988] {strides = array<i32>} : memref<64x128xf32, #tpu.memory_space<vmem>>, vector<16xf32>,
        %mul3A_990 = arith.mulf %get3A_986, %get3A_989 : vector<16xf32>
        %add3A_991 = arith.addf %add3A_983, %mul3A_990 : vector<16xf32>
        %get3A_992 = arith.index_cast %scan3A_968 : i32 to index
        %get3A_993 = arith.constant 48 : index
        %get3A_994 = tpu.vector_load %arg10[%get3A_992, %get3A_993] {strides = array<i32>} : memref<64x128xf32, #tpu.memory_space<vmem>>, vector<16xf32>,
        %get3A_995 = arith.index_cast %scan3A_968 : i32 to index
        %get3A_996 = arith.constant 48 : index
        %get3A_997 = tpu.vector_load %arg11[%get3A_995, %get3A_996] {strides = array<i32>} : memref<64x128xf32, #tpu.memory_space<vmem>>, vector<16xf32>,
        %mul3A_998 = arith.mulf %get3A_994, %get3A_997 : vector<16xf32>
        %add3A_999 = arith.addf %add3A_991, %mul3A_998 : vector<16xf32>
        %get3A_1000 = arith.index_cast %scan3A_968 : i32 to index
        %get3A_1001 = arith.constant 64 : index
        %get3A_1002 = tpu.vector_load %arg10[%get3A_1000, %get3A_1001] {strides = array<i32>} : memref<64x128xf32, #tpu.memory_space<vmem>>, vector<16xf32>,
        %get3A_1003 = arith.index_cast %scan3A_968 : i32 to index
        %get3A_1004 = arith.constant 64 : index
        %get3A_1005 = tpu.vector_load %arg11[%get3A_1003, %get3A_1004] {strides = array<i32>} : memref<64x128xf32, #tpu.memory_space<vmem>>, vector<16xf32>,
        %mul3A_1006 = arith.mulf %get3A_1002, %get3A_1005 : vector<16xf32>
        %add3A_1007 = arith.addf %add3A_999, %mul3A_1006 : vector<16xf32>
        %get3A_1008 = arith.index_cast %scan3A_968 : i32 to index
        %get3A_1009 = arith.constant 80 : index
        %get3A_1010 = tpu.vector_load %arg10[%get3A_1008, %get3A_1009] {strides = array<i32>} : memref<64x128xf32, #tpu.memory_space<vmem>>, vector<16xf32>,
        %get3A_1011 = arith.index_cast %scan3A_968 : i32 to index
        %get3A_1012 = arith.constant 80 : index
        %get3A_1013 = tpu.vector_load %arg11[%get3A_1011, %get3A_1012] {strides = array<i32>} : memref<64x128xf32, #tpu.memory_space<vmem>>, vector<16xf32>,
        %mul3A_1014 = arith.mulf %get3A_1010, %get3A_1013 : vector<16xf32>
        %add3A_1015 = arith.addf %add3A_1007, %mul3A_1014 : vector<16xf32>
        %get3A_1016 = arith.index_cast %scan3A_968 : i32 to index
        %get3A_1017 = arith.constant 96 : index
        %get3A_1018 = tpu.vector_load %arg10[%get3A_1016, %get3A_1017] {strides = array<i32>} : memref<64x128xf32, #tpu.memory_space<vmem>>, vector<16xf32>,
        %get3A_1019 = arith.index_cast %scan3A_968 : i32 to index
        %get3A_1020 = arith.constant 96 : index
        %get3A_1021 = tpu.vector_load %arg11[%get3A_1019, %get3A_1020] {strides = array<i32>} : memref<64x128xf32, #tpu.memory_space<vmem>>, vector<16xf32>,
        %mul3A_1022 = arith.mulf %get3A_1018, %get3A_1021 : vector<16xf32>
        %add3A_1023 = arith.addf %add3A_1015, %mul3A_1022 : vector<16xf32>
        %get3A_1024 = arith.index_cast %scan3A_968 : i32 to index
        %get3A_1025 = arith.constant 112 : index
        %get3A_1026 = tpu.vector_load %arg10[%get3A_1024, %get3A_1025] {strides = array<i32>} : memref<64x128xf32, #tpu.memory_space<vmem>>, vector<16xf32>,
        %get3A_1027 = arith.index_cast %scan3A_968 : i32 to index
        %get3A_1028 = arith.constant 112 : index
        %get3A_1029 = tpu.vector_load %arg11[%get3A_1027, %get3A_1028] {strides = array<i32>} : memref<64x128xf32, #tpu.memory_space<vmem>>, vector<16xf32>,
        %mul3A_1030 = arith.mulf %get3A_1026, %get3A_1029 : vector<16xf32>
        %add3A_1031 = arith.addf %add3A_1023, %mul3A_1030 : vector<16xf32>
        %swap3A_1032 = arith.index_cast %scan3A_968 : i32 to index
        %swap3A_1033 = arith.constant 0 : index
        %swap3A_1034 = tpu.vector_load %arg14[%swap3A_1032, %swap3A_1033] {strides = array<i32>} : memref<64x17xf32, #tpu.memory_space<vmem>>, vector<16xf32>,
        tpu.vector_store %arg14[%swap3A_1032, %swap3A_1033], %add3A_1031 {strides = array<i32>} : memref<64x17xf32, #tpu.memory_space<vmem>>, vector<16xf32>,
        %scan3A_1035 = arith.constant 6 : i32
        %scan3A_1036 = arith.addi %scan3A_629, %scan3A_1035 : i32
        %get3A_1037 = arith.index_cast %scan3A_1036 : i32 to index
        %get3A_1038 = arith.constant 0 : index
        %get3A_1039 = tpu.vector_load %arg10[%get3A_1037, %get3A_1038] {strides = array<i32>} : memref<64x128xf32, #tpu.memory_space<vmem>>, vector<16xf32>,
        %get3A_1040 = arith.index_cast %scan3A_1036 : i32 to index
        %get3A_1041 = arith.constant 0 : index
        %get3A_1042 = tpu.vector_load %arg11[%get3A_1040, %get3A_1041] {strides = array<i32>} : memref<64x128xf32, #tpu.memory_space<vmem>>, vector<16xf32>,
        %mul3A_1043 = arith.mulf %get3A_1039, %get3A_1042 : vector<16xf32>
        %get3A_1044 = arith.index_cast %scan3A_1036 : i32 to index
        %get3A_1045 = arith.constant 16 : index
        %get3A_1046 = tpu.vector_load %arg10[%get3A_1044, %get3A_1045] {strides = array<i32>} : memref<64x128xf32, #tpu.memory_space<vmem>>, vector<16xf32>,
        %get3A_1047 = arith.index_cast %scan3A_1036 : i32 to index
        %get3A_1048 = arith.constant 16 : index
        %get3A_1049 = tpu.vector_load %arg11[%get3A_1047, %get3A_1048] {strides = array<i32>} : memref<64x128xf32, #tpu.memory_space<vmem>>, vector<16xf32>,
        %mul3A_1050 = arith.mulf %get3A_1046, %get3A_1049 : vector<16xf32>
        %add3A_1051 = arith.addf %mul3A_1043, %mul3A_1050 : vector<16xf32>
        %get3A_1052 = arith.index_cast %scan3A_1036 : i32 to index
        %get3A_1053 = arith.constant 32 : index
        %get3A_1054 = tpu.vector_load %arg10[%get3A_1052, %get3A_1053] {strides = array<i32>} : memref<64x128xf32, #tpu.memory_space<vmem>>, vector<16xf32>,
        %get3A_1055 = arith.index_cast %scan3A_1036 : i32 to index
        %get3A_1056 = arith.constant 32 : index
        %get3A_1057 = tpu.vector_load %arg11[%get3A_1055, %get3A_1056] {strides = array<i32>} : memref<64x128xf32, #tpu.memory_space<vmem>>, vector<16xf32>,
        %mul3A_1058 = arith.mulf %get3A_1054, %get3A_1057 : vector<16xf32>
        %add3A_1059 = arith.addf %add3A_1051, %mul3A_1058 : vector<16xf32>
        %get3A_1060 = arith.index_cast %scan3A_1036 : i32 to index
        %get3A_1061 = arith.constant 48 : index
        %get3A_1062 = tpu.vector_load %arg10[%get3A_1060, %get3A_1061] {strides = array<i32>} : memref<64x128xf32, #tpu.memory_space<vmem>>, vector<16xf32>,
        %get3A_1063 = arith.index_cast %scan3A_1036 : i32 to index
        %get3A_1064 = arith.constant 48 : index
        %get3A_1065 = tpu.vector_load %arg11[%get3A_1063, %get3A_1064] {strides = array<i32>} : memref<64x128xf32, #tpu.memory_space<vmem>>, vector<16xf32>,
        %mul3A_1066 = arith.mulf %get3A_1062, %get3A_1065 : vector<16xf32>
        %add3A_1067 = arith.addf %add3A_1059, %mul3A_1066 : vector<16xf32>
        %get3A_1068 = arith.index_cast %scan3A_1036 : i32 to index
        %get3A_1069 = arith.constant 64 : index
        %get3A_1070 = tpu.vector_load %arg10[%get3A_1068, %get3A_1069] {strides = array<i32>} : memref<64x128xf32, #tpu.memory_space<vmem>>, vector<16xf32>,
        %get3A_1071 = arith.index_cast %scan3A_1036 : i32 to index
        %get3A_1072 = arith.constant 64 : index
        %get3A_1073 = tpu.vector_load %arg11[%get3A_1071, %get3A_1072] {strides = array<i32>} : memref<64x128xf32, #tpu.memory_space<vmem>>, vector<16xf32>,
        %mul3A_1074 = arith.mulf %get3A_1070, %get3A_1073 : vector<16xf32>
        %add3A_1075 = arith.addf %add3A_1067, %mul3A_1074 : vector<16xf32>
        %get3A_1076 = arith.index_cast %scan3A_1036 : i32 to index
        %get3A_1077 = arith.constant 80 : index
        %get3A_1078 = tpu.vector_load %arg10[%get3A_1076, %get3A_1077] {strides = array<i32>} : memref<64x128xf32, #tpu.memory_space<vmem>>, vector<16xf32>,
        %get3A_1079 = arith.index_cast %scan3A_1036 : i32 to index
        %get3A_1080 = arith.constant 80 : index
        %get3A_1081 = tpu.vector_load %arg11[%get3A_1079, %get3A_1080] {strides = array<i32>} : memref<64x128xf32, #tpu.memory_space<vmem>>, vector<16xf32>,
        %mul3A_1082 = arith.mulf %get3A_1078, %get3A_1081 : vector<16xf32>
        %add3A_1083 = arith.addf %add3A_1075, %mul3A_1082 : vector<16xf32>
        %get3A_1084 = arith.index_cast %scan3A_1036 : i32 to index
        %get3A_1085 = arith.constant 96 : index
        %get3A_1086 = tpu.vector_load %arg10[%get3A_1084, %get3A_1085] {strides = array<i32>} : memref<64x128xf32, #tpu.memory_space<vmem>>, vector<16xf32>,
        %get3A_1087 = arith.index_cast %scan3A_1036 : i32 to index
        %get3A_1088 = arith.constant 96 : index
        %get3A_1089 = tpu.vector_load %arg11[%get3A_1087, %get3A_1088] {strides = array<i32>} : memref<64x128xf32, #tpu.memory_space<vmem>>, vector<16xf32>,
        %mul3A_1090 = arith.mulf %get3A_1086, %get3A_1089 : vector<16xf32>
        %add3A_1091 = arith.addf %add3A_1083, %mul3A_1090 : vector<16xf32>
        %get3A_1092 = arith.index_cast %scan3A_1036 : i32 to index
        %get3A_1093 = arith.constant 112 : index
        %get3A_1094 = tpu.vector_load %arg10[%get3A_1092, %get3A_1093] {strides = array<i32>} : memref<64x128xf32, #tpu.memory_space<vmem>>, vector<16xf32>,
        %get3A_1095 = arith.index_cast %scan3A_1036 : i32 to index
        %get3A_1096 = arith.constant 112 : index
        %get3A_1097 = tpu.vector_load %arg11[%get3A_1095, %get3A_1096] {strides = array<i32>} : memref<64x128xf32, #tpu.memory_space<vmem>>, vector<16xf32>,
        %mul3A_1098 = arith.mulf %get3A_1094, %get3A_1097 : vector<16xf32>
        %add3A_1099 = arith.addf %add3A_1091, %mul3A_1098 : vector<16xf32>
        %swap3A_1100 = arith.index_cast %scan3A_1036 : i32 to index
        %swap3A_1101 = arith.constant 0 : index
        %swap3A_1102 = tpu.vector_load %arg14[%swap3A_1100, %swap3A_1101] {strides = array<i32>} : memref<64x17xf32, #tpu.memory_space<vmem>>, vector<16xf32>,
        tpu.vector_store %arg14[%swap3A_1100, %swap3A_1101], %add3A_1099 {strides = array<i32>} : memref<64x17xf32, #tpu.memory_space<vmem>>, vector<16xf32>,
        %scan3A_1103 = arith.constant 7 : i32
        %scan3A_1104 = arith.addi %scan3A_629, %scan3A_1103 : i32
        %get3A_1105 = arith.index_cast %scan3A_1104 : i32 to index
        %get3A_1106 = arith.constant 0 : index
        %get3A_1107 = tpu.vector_load %arg10[%get3A_1105, %get3A_1106] {strides = array<i32>} : memref<64x128xf32, #tpu.memory_space<vmem>>, vector<16xf32>,
        %get3A_1108 = arith.index_cast %scan3A_1104 : i32 to index
        %get3A_1109 = arith.constant 0 : index
        %get3A_1110 = tpu.vector_load %arg11[%get3A_1108, %get3A_1109] {strides = array<i32>} : memref<64x128xf32, #tpu.memory_space<vmem>>, vector<16xf32>,
        %mul3A_1111 = arith.mulf %get3A_1107, %get3A_1110 : vector<16xf32>
        %get3A_1112 = arith.index_cast %scan3A_1104 : i32 to index
        %get3A_1113 = arith.constant 16 : index
        %get3A_1114 = tpu.vector_load %arg10[%get3A_1112, %get3A_1113] {strides = array<i32>} : memref<64x128xf32, #tpu.memory_space<vmem>>, vector<16xf32>,
        %get3A_1115 = arith.index_cast %scan3A_1104 : i32 to index
        %get3A_1116 = arith.constant 16 : index
        %get3A_1117 = tpu.vector_load %arg11[%get3A_1115, %get3A_1116] {strides = array<i32>} : memref<64x128xf32, #tpu.memory_space<vmem>>, vector<16xf32>,
        %mul3A_1118 = arith.mulf %get3A_1114, %get3A_1117 : vector<16xf32>
        %add3A_1119 = arith.addf %mul3A_1111, %mul3A_1118 : vector<16xf32>
        %get3A_1120 = arith.index_cast %scan3A_1104 : i32 to index
        %get3A_1121 = arith.constant 32 : index
        %get3A_1122 = tpu.vector_load %arg10[%get3A_1120, %get3A_1121] {strides = array<i32>} : memref<64x128xf32, #tpu.memory_space<vmem>>, vector<16xf32>,
        %get3A_1123 = arith.index_cast %scan3A_1104 : i32 to index
        %get3A_1124 = arith.constant 32 : index
        %get3A_1125 = tpu.vector_load %arg11[%get3A_1123, %get3A_1124] {strides = array<i32>} : memref<64x128xf32, #tpu.memory_space<vmem>>, vector<16xf32>,
        %mul3A_1126 = arith.mulf %get3A_1122, %get3A_1125 : vector<16xf32>
        %add3A_1127 = arith.addf %add3A_1119, %mul3A_1126 : vector<16xf32>
        %get3A_1128 = arith.index_cast %scan3A_1104 : i32 to index
        %get3A_1129 = arith.constant 48 : index
        %get3A_1130 = tpu.vector_load %arg10[%get3A_1128, %get3A_1129] {strides = array<i32>} : memref<64x128xf32, #tpu.memory_space<vmem>>, vector<16xf32>,
        %get3A_1131 = arith.index_cast %scan3A_1104 : i32 to index
        %get3A_1132 = arith.constant 48 : index
        %get3A_1133 = tpu.vector_load %arg11[%get3A_1131, %get3A_1132] {strides = array<i32>} : memref<64x128xf32, #tpu.memory_space<vmem>>, vector<16xf32>,
        %mul3A_1134 = arith.mulf %get3A_1130, %get3A_1133 : vector<16xf32>
        %add3A_1135 = arith.addf %add3A_1127, %mul3A_1134 : vector<16xf32>
        %get3A_1136 = arith.index_cast %scan3A_1104 : i32 to index
        %get3A_1137 = arith.constant 64 : index
        %get3A_1138 = tpu.vector_load %arg10[%get3A_1136, %get3A_1137] {strides = array<i32>} : memref<64x128xf32, #tpu.memory_space<vmem>>, vector<16xf32>,
        %get3A_1139 = arith.index_cast %scan3A_1104 : i32 to index
        %get3A_1140 = arith.constant 64 : index
        %get3A_1141 = tpu.vector_load %arg11[%get3A_1139, %get3A_1140] {strides = array<i32>} : memref<64x128xf32, #tpu.memory_space<vmem>>, vector<16xf32>,
        %mul3A_1142 = arith.mulf %get3A_1138, %get3A_1141 : vector<16xf32>
        %add3A_1143 = arith.addf %add3A_1135, %mul3A_1142 : vector<16xf32>
        %get3A_1144 = arith.index_cast %scan3A_1104 : i32 to index
        %get3A_1145 = arith.constant 80 : index
        %get3A_1146 = tpu.vector_load %arg10[%get3A_1144, %get3A_1145] {strides = array<i32>} : memref<64x128xf32, #tpu.memory_space<vmem>>, vector<16xf32>,
        %get3A_1147 = arith.index_cast %scan3A_1104 : i32 to index
        %get3A_1148 = arith.constant 80 : index
        %get3A_1149 = tpu.vector_load %arg11[%get3A_1147, %get3A_1148] {strides = array<i32>} : memref<64x128xf32, #tpu.memory_space<vmem>>, vector<16xf32>,
        %mul3A_1150 = arith.mulf %get3A_1146, %get3A_1149 : vector<16xf32>
        %add3A_1151 = arith.addf %add3A_1143, %mul3A_1150 : vector<16xf32>
        %get3A_1152 = arith.index_cast %scan3A_1104 : i32 to index
        %get3A_1153 = arith.constant 96 : index
        %get3A_1154 = tpu.vector_load %arg10[%get3A_1152, %get3A_1153] {strides = array<i32>} : memref<64x128xf32, #tpu.memory_space<vmem>>, vector<16xf32>,
        %get3A_1155 = arith.index_cast %scan3A_1104 : i32 to index
        %get3A_1156 = arith.constant 96 : index
        %get3A_1157 = tpu.vector_load %arg11[%get3A_1155, %get3A_1156] {strides = array<i32>} : memref<64x128xf32, #tpu.memory_space<vmem>>, vector<16xf32>,
        %mul3A_1158 = arith.mulf %get3A_1154, %get3A_1157 : vector<16xf32>
        %add3A_1159 = arith.addf %add3A_1151, %mul3A_1158 : vector<16xf32>
        %get3A_1160 = arith.index_cast %scan3A_1104 : i32 to index
        %get3A_1161 = arith.constant 112 : index
        %get3A_1162 = tpu.vector_load %arg10[%get3A_1160, %get3A_1161] {strides = array<i32>} : memref<64x128xf32, #tpu.memory_space<vmem>>, vector<16xf32>,
        %get3A_1163 = arith.index_cast %scan3A_1104 : i32 to index
        %get3A_1164 = arith.constant 112 : index
        %get3A_1165 = tpu.vector_load %arg11[%get3A_1163, %get3A_1164] {strides = array<i32>} : memref<64x128xf32, #tpu.memory_space<vmem>>, vector<16xf32>,
        %mul3A_1166 = arith.mulf %get3A_1162, %get3A_1165 : vector<16xf32>
        %add3A_1167 = arith.addf %add3A_1159, %mul3A_1166 : vector<16xf32>
        %swap3A_1168 = arith.index_cast %scan3A_1104 : i32 to index
        %swap3A_1169 = arith.constant 0 : index
        %swap3A_1170 = tpu.vector_load %arg14[%swap3A_1168, %swap3A_1169] {strides = array<i32>} : memref<64x17xf32, #tpu.memory_space<vmem>>, vector<16xf32>,
        tpu.vector_store %arg14[%swap3A_1168, %swap3A_1169], %add3A_1167 {strides = array<i32>} : memref<64x17xf32, #tpu.memory_space<vmem>>, vector<16xf32>,
      }
      %scan3A_52 = arith.constant 64 : i32
      %iota3A = tpu.iota {dimensions = array<i32: 0>} : vector<16xi32>
      %add3A_53 = arith.constant 0 : i32
      %add3A_54 = vector.broadcast %add3A_53 : i32 to vector<16xi32>
      %add3A_55 = arith.addi %iota3A, %add3A_54 : vector<16xi32>
      %broadcast_in_dim3A = arith.constant 0 : i32
      %broadcast_in_dim3A_56 = vector.broadcast %broadcast_in_dim3A : i32 to vector<16xi32>
      %gather3A = tpu.vector_load_idx %arg14[%add3A_55, %broadcast_in_dim3A_56] : memref<64x17xf32, #tpu.memory_space<vmem>>[vector<16xi32>, vector<16xi32>], vector<16xf32>,
      %broadcast_in_dim3A_57 = arith.constant 1 : i32
      %broadcast_in_dim3A_58 = vector.broadcast %broadcast_in_dim3A_57 : i32 to vector<16xi32>
      %gather3A_59 = tpu.vector_load_idx %arg14[%add3A_55, %broadcast_in_dim3A_58] : memref<64x17xf32, #tpu.memory_space<vmem>>[vector<16xi32>, vector<16xi32>], vector<16xf32>,
      %add3A_60 = arith.addf %gather3A, %gather3A_59 : vector<16xf32>
      %broadcast_in_dim3A_61 = arith.constant 2 : i32
      %broadcast_in_dim3A_62 = vector.broadcast %broadcast_in_dim3A_61 : i32 to vector<16xi32>
      %gather3A_63 = tpu.vector_load_idx %arg14[%add3A_55, %broadcast_in_dim3A_62] : memref<64x17xf32, #tpu.memory_space<vmem>>[vector<16xi32>, vector<16xi32>], vector<16xf32>,
      %add3A_64 = arith.addf %add3A_60, %gather3A_63 : vector<16xf32>
      %broadcast_in_dim3A_65 = arith.constant 3 : i32
      %broadcast_in_dim3A_66 = vector.broadcast %broadcast_in_dim3A_65 : i32 to vector<16xi32>
      %gather3A_67 = tpu.vector_load_idx %arg14[%add3A_55, %broadcast_in_dim3A_66] : memref<64x17xf32, #tpu.memory_space<vmem>>[vector<16xi32>, vector<16xi32>], vector<16xf32>,
      %add3A_68 = arith.addf %add3A_64, %gather3A_67 : vector<16xf32>
      %broadcast_in_dim3A_69 = arith.constant 4 : i32
      %broadcast_in_dim3A_70 = vector.broadcast %broadcast_in_dim3A_69 : i32 to vector<16xi32>
      %gather3A_71 = tpu.vector_load_idx %arg14[%add3A_55, %broadcast_in_dim3A_70] : memref<64x17xf32, #tpu.memory_space<vmem>>[vector<16xi32>, vector<16xi32>], vector<16xf32>,
      %add3A_72 = arith.addf %add3A_68, %gather3A_71 : vector<16xf32>
      %broadcast_in_dim3A_73 = arith.constant 5 : i32
      %broadcast_in_dim3A_74 = vector.broadcast %broadcast_in_dim3A_73 : i32 to vector<16xi32>
      %gather3A_75 = tpu.vector_load_idx %arg14[%add3A_55, %broadcast_in_dim3A_74] : memref<64x17xf32, #tpu.memory_space<vmem>>[vector<16xi32>, vector<16xi32>], vector<16xf32>,
      %add3A_76 = arith.addf %add3A_72, %gather3A_75 : vector<16xf32>
      %broadcast_in_dim3A_77 = arith.constant 6 : i32
      %broadcast_in_dim3A_78 = vector.broadcast %broadcast_in_dim3A_77 : i32 to vector<16xi32>
      %gather3A_79 = tpu.vector_load_idx %arg14[%add3A_55, %broadcast_in_dim3A_78] : memref<64x17xf32, #tpu.memory_space<vmem>>[vector<16xi32>, vector<16xi32>], vector<16xf32>,
      %add3A_80 = arith.addf %add3A_76, %gather3A_79 : vector<16xf32>
      %broadcast_in_dim3A_81 = arith.constant 7 : i32
      %broadcast_in_dim3A_82 = vector.broadcast %broadcast_in_dim3A_81 : i32 to vector<16xi32>
      %gather3A_83 = tpu.vector_load_idx %arg14[%add3A_55, %broadcast_in_dim3A_82] : memref<64x17xf32, #tpu.memory_space<vmem>>[vector<16xi32>, vector<16xi32>], vector<16xf32>,
      %add3A_84 = arith.addf %add3A_80, %gather3A_83 : vector<16xf32>
      %broadcast_in_dim3A_85 = arith.constant 8 : i32
      %broadcast_in_dim3A_86 = vector.broadcast %broadcast_in_dim3A_85 : i32 to vector<16xi32>
      %gather3A_87 = tpu.vector_load_idx %arg14[%add3A_55, %broadcast_in_dim3A_86] : memref<64x17xf32, #tpu.memory_space<vmem>>[vector<16xi32>, vector<16xi32>], vector<16xf32>,
      %add3A_88 = arith.addf %add3A_84, %gather3A_87 : vector<16xf32>
      %broadcast_in_dim3A_89 = arith.constant 9 : i32
      %broadcast_in_dim3A_90 = vector.broadcast %broadcast_in_dim3A_89 : i32 to vector<16xi32>
      %gather3A_91 = tpu.vector_load_idx %arg14[%add3A_55, %broadcast_in_dim3A_90] : memref<64x17xf32, #tpu.memory_space<vmem>>[vector<16xi32>, vector<16xi32>], vector<16xf32>,
      %add3A_92 = arith.addf %add3A_88, %gather3A_91 : vector<16xf32>
      %broadcast_in_dim3A_93 = arith.constant 10 : i32
      %broadcast_in_dim3A_94 = vector.broadcast %broadcast_in_dim3A_93 : i32 to vector<16xi32>
      %gather3A_95 = tpu.vector_load_idx %arg14[%add3A_55, %broadcast_in_dim3A_94] : memref<64x17xf32, #tpu.memory_space<vmem>>[vector<16xi32>, vector<16xi32>], vector<16xf32>,
      %add3A_96 = arith.addf %add3A_92, %gather3A_95 : vector<16xf32>
      %broadcast_in_dim3A_97 = arith.constant 11 : i32
      %broadcast_in_dim3A_98 = vector.broadcast %broadcast_in_dim3A_97 : i32 to vector<16xi32>
      %gather3A_99 = tpu.vector_load_idx %arg14[%add3A_55, %broadcast_in_dim3A_98] : memref<64x17xf32, #tpu.memory_space<vmem>>[vector<16xi32>, vector<16xi32>], vector<16xf32>,
      %add3A_100 = arith.addf %add3A_96, %gather3A_99 : vector<16xf32>
      %broadcast_in_dim3A_101 = arith.constant 12 : i32
      %broadcast_in_dim3A_102 = vector.broadcast %broadcast_in_dim3A_101 : i32 to vector<16xi32>
      %gather3A_103 = tpu.vector_load_idx %arg14[%add3A_55, %broadcast_in_dim3A_102] : memref<64x17xf32, #tpu.memory_space<vmem>>[vector<16xi32>, vector<16xi32>], vector<16xf32>,
      %add3A_104 = arith.addf %add3A_100, %gather3A_103 : vector<16xf32>
      %broadcast_in_dim3A_105 = arith.constant 13 : i32
      %broadcast_in_dim3A_106 = vector.broadcast %broadcast_in_dim3A_105 : i32 to vector<16xi32>
      %gather3A_107 = tpu.vector_load_idx %arg14[%add3A_55, %broadcast_in_dim3A_106] : memref<64x17xf32, #tpu.memory_space<vmem>>[vector<16xi32>, vector<16xi32>], vector<16xf32>,
      %add3A_108 = arith.addf %add3A_104, %gather3A_107 : vector<16xf32>
      %broadcast_in_dim3A_109 = arith.constant 14 : i32
      %broadcast_in_dim3A_110 = vector.broadcast %broadcast_in_dim3A_109 : i32 to vector<16xi32>
      %gather3A_111 = tpu.vector_load_idx %arg14[%add3A_55, %broadcast_in_dim3A_110] : memref<64x17xf32, #tpu.memory_space<vmem>>[vector<16xi32>, vector<16xi32>], vector<16xf32>,
      %add3A_112 = arith.addf %add3A_108, %gather3A_111 : vector<16xf32>
      %broadcast_in_dim3A_113 = arith.constant 15 : i32
      %broadcast_in_dim3A_114 = vector.broadcast %broadcast_in_dim3A_113 : i32 to vector<16xi32>
      %gather3A_115 = tpu.vector_load_idx %arg14[%add3A_55, %broadcast_in_dim3A_114] : memref<64x17xf32, #tpu.memory_space<vmem>>[vector<16xi32>, vector<16xi32>], vector<16xf32>,
      %add3A_116 = arith.addf %add3A_112, %gather3A_115 : vector<16xf32>
      %swap3A = arith.constant 0 : index
      %swap3A_117 = tpu.vector_load %arg15[%swap3A] {strides = array<i32>} : memref<64xf32, #tpu.memory_space<vmem>>, vector<16xf32>,
      tpu.vector_store %arg15[%swap3A], %add3A_116 {strides = array<i32>} : memref<64xf32, #tpu.memory_space<vmem>>, vector<16xf32>,
      %add3A_118 = arith.constant 16 : i32
      %add3A_119 = vector.broadcast %add3A_118 : i32 to vector<16xi32>
      %add3A_120 = arith.addi %iota3A, %add3A_119 : vector<16xi32>
      %broadcast_in_dim3A_121 = arith.constant 0 : i32
      %broadcast_in_dim3A_122 = vector.broadcast %broadcast_in_dim3A_121 : i32 to vector<16xi32>
      %gather3A_123 = tpu.vector_load_idx %arg14[%add3A_120, %broadcast_in_dim3A_122] : memref<64x17xf32, #tpu.memory_space<vmem>>[vector<16xi32>, vector<16xi32>], vector<16xf32>,
      %broadcast_in_dim3A_124 = arith.constant 1 : i32
      %broadcast_in_dim3A_125 = vector.broadcast %broadcast_in_dim3A_124 : i32 to vector<16xi32>
      %gather3A_126 = tpu.vector_load_idx %arg14[%add3A_120, %broadcast_in_dim3A_125] : memref<64x17xf32, #tpu.memory_space<vmem>>[vector<16xi32>, vector<16xi32>], vector<16xf32>,
      %add3A_127 = arith.addf %gather3A_123, %gather3A_126 : vector<16xf32>
      %broadcast_in_dim3A_128 = arith.constant 2 : i32
      %broadcast_in_dim3A_129 = vector.broadcast %broadcast_in_dim3A_128 : i32 to vector<16xi32>
      %gather3A_130 = tpu.vector_load_idx %arg14[%add3A_120, %broadcast_in_dim3A_129] : memref<64x17xf32, #tpu.memory_space<vmem>>[vector<16xi32>, vector<16xi32>], vector<16xf32>,
      %add3A_131 = arith.addf %add3A_127, %gather3A_130 : vector<16xf32>
      %broadcast_in_dim3A_132 = arith.constant 3 : i32
      %broadcast_in_dim3A_133 = vector.broadcast %broadcast_in_dim3A_132 : i32 to vector<16xi32>
      %gather3A_134 = tpu.vector_load_idx %arg14[%add3A_120, %broadcast_in_dim3A_133] : memref<64x17xf32, #tpu.memory_space<vmem>>[vector<16xi32>, vector<16xi32>], vector<16xf32>,
      %add3A_135 = arith.addf %add3A_131, %gather3A_134 : vector<16xf32>
      %broadcast_in_dim3A_136 = arith.constant 4 : i32
      %broadcast_in_dim3A_137 = vector.broadcast %broadcast_in_dim3A_136 : i32 to vector<16xi32>
      %gather3A_138 = tpu.vector_load_idx %arg14[%add3A_120, %broadcast_in_dim3A_137] : memref<64x17xf32, #tpu.memory_space<vmem>>[vector<16xi32>, vector<16xi32>], vector<16xf32>,
      %add3A_139 = arith.addf %add3A_135, %gather3A_138 : vector<16xf32>
      %broadcast_in_dim3A_140 = arith.constant 5 : i32
      %broadcast_in_dim3A_141 = vector.broadcast %broadcast_in_dim3A_140 : i32 to vector<16xi32>
      %gather3A_142 = tpu.vector_load_idx %arg14[%add3A_120, %broadcast_in_dim3A_141] : memref<64x17xf32, #tpu.memory_space<vmem>>[vector<16xi32>, vector<16xi32>], vector<16xf32>,
      %add3A_143 = arith.addf %add3A_139, %gather3A_142 : vector<16xf32>
      %broadcast_in_dim3A_144 = arith.constant 6 : i32
      %broadcast_in_dim3A_145 = vector.broadcast %broadcast_in_dim3A_144 : i32 to vector<16xi32>
      %gather3A_146 = tpu.vector_load_idx %arg14[%add3A_120, %broadcast_in_dim3A_145] : memref<64x17xf32, #tpu.memory_space<vmem>>[vector<16xi32>, vector<16xi32>], vector<16xf32>,
      %add3A_147 = arith.addf %add3A_143, %gather3A_146 : vector<16xf32>
      %broadcast_in_dim3A_148 = arith.constant 7 : i32
      %broadcast_in_dim3A_149 = vector.broadcast %broadcast_in_dim3A_148 : i32 to vector<16xi32>
      %gather3A_150 = tpu.vector_load_idx %arg14[%add3A_120, %broadcast_in_dim3A_149] : memref<64x17xf32, #tpu.memory_space<vmem>>[vector<16xi32>, vector<16xi32>], vector<16xf32>,
      %add3A_151 = arith.addf %add3A_147, %gather3A_150 : vector<16xf32>
      %broadcast_in_dim3A_152 = arith.constant 8 : i32
      %broadcast_in_dim3A_153 = vector.broadcast %broadcast_in_dim3A_152 : i32 to vector<16xi32>
      %gather3A_154 = tpu.vector_load_idx %arg14[%add3A_120, %broadcast_in_dim3A_153] : memref<64x17xf32, #tpu.memory_space<vmem>>[vector<16xi32>, vector<16xi32>], vector<16xf32>,
      %add3A_155 = arith.addf %add3A_151, %gather3A_154 : vector<16xf32>
      %broadcast_in_dim3A_156 = arith.constant 9 : i32
      %broadcast_in_dim3A_157 = vector.broadcast %broadcast_in_dim3A_156 : i32 to vector<16xi32>
      %gather3A_158 = tpu.vector_load_idx %arg14[%add3A_120, %broadcast_in_dim3A_157] : memref<64x17xf32, #tpu.memory_space<vmem>>[vector<16xi32>, vector<16xi32>], vector<16xf32>,
      %add3A_159 = arith.addf %add3A_155, %gather3A_158 : vector<16xf32>
      %broadcast_in_dim3A_160 = arith.constant 10 : i32
      %broadcast_in_dim3A_161 = vector.broadcast %broadcast_in_dim3A_160 : i32 to vector<16xi32>
      %gather3A_162 = tpu.vector_load_idx %arg14[%add3A_120, %broadcast_in_dim3A_161] : memref<64x17xf32, #tpu.memory_space<vmem>>[vector<16xi32>, vector<16xi32>], vector<16xf32>,
      %add3A_163 = arith.addf %add3A_159, %gather3A_162 : vector<16xf32>
      %broadcast_in_dim3A_164 = arith.constant 11 : i32
      %broadcast_in_dim3A_165 = vector.broadcast %broadcast_in_dim3A_164 : i32 to vector<16xi32>
      %gather3A_166 = tpu.vector_load_idx %arg14[%add3A_120, %broadcast_in_dim3A_165] : memref<64x17xf32, #tpu.memory_space<vmem>>[vector<16xi32>, vector<16xi32>], vector<16xf32>,
      %add3A_167 = arith.addf %add3A_163, %gather3A_166 : vector<16xf32>
      %broadcast_in_dim3A_168 = arith.constant 12 : i32
      %broadcast_in_dim3A_169 = vector.broadcast %broadcast_in_dim3A_168 : i32 to vector<16xi32>
      %gather3A_170 = tpu.vector_load_idx %arg14[%add3A_120, %broadcast_in_dim3A_169] : memref<64x17xf32, #tpu.memory_space<vmem>>[vector<16xi32>, vector<16xi32>], vector<16xf32>,
      %add3A_171 = arith.addf %add3A_167, %gather3A_170 : vector<16xf32>
      %broadcast_in_dim3A_172 = arith.constant 13 : i32
      %broadcast_in_dim3A_173 = vector.broadcast %broadcast_in_dim3A_172 : i32 to vector<16xi32>
      %gather3A_174 = tpu.vector_load_idx %arg14[%add3A_120, %broadcast_in_dim3A_173] : memref<64x17xf32, #tpu.memory_space<vmem>>[vector<16xi32>, vector<16xi32>], vector<16xf32>,
      %add3A_175 = arith.addf %add3A_171, %gather3A_174 : vector<16xf32>
      %broadcast_in_dim3A_176 = arith.constant 14 : i32
      %broadcast_in_dim3A_177 = vector.broadcast %broadcast_in_dim3A_176 : i32 to vector<16xi32>
      %gather3A_178 = tpu.vector_load_idx %arg14[%add3A_120, %broadcast_in_dim3A_177] : memref<64x17xf32, #tpu.memory_space<vmem>>[vector<16xi32>, vector<16xi32>], vector<16xf32>,
      %add3A_179 = arith.addf %add3A_175, %gather3A_178 : vector<16xf32>
      %broadcast_in_dim3A_180 = arith.constant 15 : i32
      %broadcast_in_dim3A_181 = vector.broadcast %broadcast_in_dim3A_180 : i32 to vector<16xi32>
      %gather3A_182 = tpu.vector_load_idx %arg14[%add3A_120, %broadcast_in_dim3A_181] : memref<64x17xf32, #tpu.memory_space<vmem>>[vector<16xi32>, vector<16xi32>], vector<16xf32>,
      %add3A_183 = arith.addf %add3A_179, %gather3A_182 : vector<16xf32>
      %swap3A_184 = arith.constant 16 : index
      %swap3A_185 = tpu.vector_load %arg15[%swap3A_184] {strides = array<i32>} : memref<64xf32, #tpu.memory_space<vmem>>, vector<16xf32>,
      tpu.vector_store %arg15[%swap3A_184], %add3A_183 {strides = array<i32>} : memref<64xf32, #tpu.memory_space<vmem>>, vector<16xf32>,
      %add3A_186 = arith.constant 32 : i32
      %add3A_187 = vector.broadcast %add3A_186 : i32 to vector<16xi32>
      %add3A_188 = arith.addi %iota3A, %add3A_187 : vector<16xi32>
      %broadcast_in_dim3A_189 = arith.constant 0 : i32
      %broadcast_in_dim3A_190 = vector.broadcast %broadcast_in_dim3A_189 : i32 to vector<16xi32>
      %gather3A_191 = tpu.vector_load_idx %arg14[%add3A_188, %broadcast_in_dim3A_190] : memref<64x17xf32, #tpu.memory_space<vmem>>[vector<16xi32>, vector<16xi32>], vector<16xf32>,
      %broadcast_in_dim3A_192 = arith.constant 1 : i32
      %broadcast_in_dim3A_193 = vector.broadcast %broadcast_in_dim3A_192 : i32 to vector<16xi32>
      %gather3A_194 = tpu.vector_load_idx %arg14[%add3A_188, %broadcast_in_dim3A_193] : memref<64x17xf32, #tpu.memory_space<vmem>>[vector<16xi32>, vector<16xi32>], vector<16xf32>,
      %add3A_195 = arith.addf %gather3A_191, %gather3A_194 : vector<16xf32>
      %broadcast_in_dim3A_196 = arith.constant 2 : i32
      %broadcast_in_dim3A_197 = vector.broadcast %broadcast_in_dim3A_196 : i32 to vector<16xi32>
      %gather3A_198 = tpu.vector_load_idx %arg14[%add3A_188, %broadcast_in_dim3A_197] : memref<64x17xf32, #tpu.memory_space<vmem>>[vector<16xi32>, vector<16xi32>], vector<16xf32>,
      %add3A_199 = arith.addf %add3A_195, %gather3A_198 : vector<16xf32>
      %broadcast_in_dim3A_200 = arith.constant 3 : i32
      %broadcast_in_dim3A_201 = vector.broadcast %broadcast_in_dim3A_200 : i32 to vector<16xi32>
      %gather3A_202 = tpu.vector_load_idx %arg14[%add3A_188, %broadcast_in_dim3A_201] : memref<64x17xf32, #tpu.memory_space<vmem>>[vector<16xi32>, vector<16xi32>], vector<16xf32>,
      %add3A_203 = arith.addf %add3A_199, %gather3A_202 : vector<16xf32>
      %broadcast_in_dim3A_204 = arith.constant 4 : i32
      %broadcast_in_dim3A_205 = vector.broadcast %broadcast_in_dim3A_204 : i32 to vector<16xi32>
      %gather3A_206 = tpu.vector_load_idx %arg14[%add3A_188, %broadcast_in_dim3A_205] : memref<64x17xf32, #tpu.memory_space<vmem>>[vector<16xi32>, vector<16xi32>], vector<16xf32>,
      %add3A_207 = arith.addf %add3A_203, %gather3A_206 : vector<16xf32>
      %broadcast_in_dim3A_208 = arith.constant 5 : i32
      %broadcast_in_dim3A_209 = vector.broadcast %broadcast_in_dim3A_208 : i32 to vector<16xi32>
      %gather3A_210 = tpu.vector_load_idx %arg14[%add3A_188, %broadcast_in_dim3A_209] : memref<64x17xf32, #tpu.memory_space<vmem>>[vector<16xi32>, vector<16xi32>], vector<16xf32>,
      %add3A_211 = arith.addf %add3A_207, %gather3A_210 : vector<16xf32>
      %broadcast_in_dim3A_212 = arith.constant 6 : i32
      %broadcast_in_dim3A_213 = vector.broadcast %broadcast_in_dim3A_212 : i32 to vector<16xi32>
      %gather3A_214 = tpu.vector_load_idx %arg14[%add3A_188, %broadcast_in_dim3A_213] : memref<64x17xf32, #tpu.memory_space<vmem>>[vector<16xi32>, vector<16xi32>], vector<16xf32>,
      %add3A_215 = arith.addf %add3A_211, %gather3A_214 : vector<16xf32>
      %broadcast_in_dim3A_216 = arith.constant 7 : i32
      %broadcast_in_dim3A_217 = vector.broadcast %broadcast_in_dim3A_216 : i32 to vector<16xi32>
      %gather3A_218 = tpu.vector_load_idx %arg14[%add3A_188, %broadcast_in_dim3A_217] : memref<64x17xf32, #tpu.memory_space<vmem>>[vector<16xi32>, vector<16xi32>], vector<16xf32>,
      %add3A_219 = arith.addf %add3A_215, %gather3A_218 : vector<16xf32>
      %broadcast_in_dim3A_220 = arith.constant 8 : i32
      %broadcast_in_dim3A_221 = vector.broadcast %broadcast_in_dim3A_220 : i32 to vector<16xi32>
      %gather3A_222 = tpu.vector_load_idx %arg14[%add3A_188, %broadcast_in_dim3A_221] : memref<64x17xf32, #tpu.memory_space<vmem>>[vector<16xi32>, vector<16xi32>], vector<16xf32>,
      %add3A_223 = arith.addf %add3A_219, %gather3A_222 : vector<16xf32>
      %broadcast_in_dim3A_224 = arith.constant 9 : i32
      %broadcast_in_dim3A_225 = vector.broadcast %broadcast_in_dim3A_224 : i32 to vector<16xi32>
      %gather3A_226 = tpu.vector_load_idx %arg14[%add3A_188, %broadcast_in_dim3A_225] : memref<64x17xf32, #tpu.memory_space<vmem>>[vector<16xi32>, vector<16xi32>], vector<16xf32>,
      %add3A_227 = arith.addf %add3A_223, %gather3A_226 : vector<16xf32>
      %broadcast_in_dim3A_228 = arith.constant 10 : i32
      %broadcast_in_dim3A_229 = vector.broadcast %broadcast_in_dim3A_228 : i32 to vector<16xi32>
      %gather3A_230 = tpu.vector_load_idx %arg14[%add3A_188, %broadcast_in_dim3A_229] : memref<64x17xf32, #tpu.memory_space<vmem>>[vector<16xi32>, vector<16xi32>], vector<16xf32>,
      %add3A_231 = arith.addf %add3A_227, %gather3A_230 : vector<16xf32>
      %broadcast_in_dim3A_232 = arith.constant 11 : i32
      %broadcast_in_dim3A_233 = vector.broadcast %broadcast_in_dim3A_232 : i32 to vector<16xi32>
      %gather3A_234 = tpu.vector_load_idx %arg14[%add3A_188, %broadcast_in_dim3A_233] : memref<64x17xf32, #tpu.memory_space<vmem>>[vector<16xi32>, vector<16xi32>], vector<16xf32>,
      %add3A_235 = arith.addf %add3A_231, %gather3A_234 : vector<16xf32>
      %broadcast_in_dim3A_236 = arith.constant 12 : i32
      %broadcast_in_dim3A_237 = vector.broadcast %broadcast_in_dim3A_236 : i32 to vector<16xi32>
      %gather3A_238 = tpu.vector_load_idx %arg14[%add3A_188, %broadcast_in_dim3A_237] : memref<64x17xf32, #tpu.memory_space<vmem>>[vector<16xi32>, vector<16xi32>], vector<16xf32>,
      %add3A_239 = arith.addf %add3A_235, %gather3A_238 : vector<16xf32>
      %broadcast_in_dim3A_240 = arith.constant 13 : i32
      %broadcast_in_dim3A_241 = vector.broadcast %broadcast_in_dim3A_240 : i32 to vector<16xi32>
      %gather3A_242 = tpu.vector_load_idx %arg14[%add3A_188, %broadcast_in_dim3A_241] : memref<64x17xf32, #tpu.memory_space<vmem>>[vector<16xi32>, vector<16xi32>], vector<16xf32>,
      %add3A_243 = arith.addf %add3A_239, %gather3A_242 : vector<16xf32>
      %broadcast_in_dim3A_244 = arith.constant 14 : i32
      %broadcast_in_dim3A_245 = vector.broadcast %broadcast_in_dim3A_244 : i32 to vector<16xi32>
      %gather3A_246 = tpu.vector_load_idx %arg14[%add3A_188, %broadcast_in_dim3A_245] : memref<64x17xf32, #tpu.memory_space<vmem>>[vector<16xi32>, vector<16xi32>], vector<16xf32>,
      %add3A_247 = arith.addf %add3A_243, %gather3A_246 : vector<16xf32>
      %broadcast_in_dim3A_248 = arith.constant 15 : i32
      %broadcast_in_dim3A_249 = vector.broadcast %broadcast_in_dim3A_248 : i32 to vector<16xi32>
      %gather3A_250 = tpu.vector_load_idx %arg14[%add3A_188, %broadcast_in_dim3A_249] : memref<64x17xf32, #tpu.memory_space<vmem>>[vector<16xi32>, vector<16xi32>], vector<16xf32>,
      %add3A_251 = arith.addf %add3A_247, %gather3A_250 : vector<16xf32>
      %swap3A_252 = arith.constant 32 : index
      %swap3A_253 = tpu.vector_load %arg15[%swap3A_252] {strides = array<i32>} : memref<64xf32, #tpu.memory_space<vmem>>, vector<16xf32>,
      tpu.vector_store %arg15[%swap3A_252], %add3A_251 {strides = array<i32>} : memref<64xf32, #tpu.memory_space<vmem>>, vector<16xf32>,
      %add3A_254 = arith.constant 48 : i32
      %add3A_255 = vector.broadcast %add3A_254 : i32 to vector<16xi32>
      %add3A_256 = arith.addi %iota3A, %add3A_255 : vector<16xi32>
      %broadcast_in_dim3A_257 = arith.constant 0 : i32
      %broadcast_in_dim3A_258 = vector.broadcast %broadcast_in_dim3A_257 : i32 to vector<16xi32>
      %gather3A_259 = tpu.vector_load_idx %arg14[%add3A_256, %broadcast_in_dim3A_258] : memref<64x17xf32, #tpu.memory_space<vmem>>[vector<16xi32>, vector<16xi32>], vector<16xf32>,
      %broadcast_in_dim3A_260 = arith.constant 1 : i32
      %broadcast_in_dim3A_261 = vector.broadcast %broadcast_in_dim3A_260 : i32 to vector<16xi32>
      %gather3A_262 = tpu.vector_load_idx %arg14[%add3A_256, %broadcast_in_dim3A_261] : memref<64x17xf32, #tpu.memory_space<vmem>>[vector<16xi32>, vector<16xi32>], vector<16xf32>,
      %add3A_263 = arith.addf %gather3A_259, %gather3A_262 : vector<16xf32>
      %broadcast_in_dim3A_264 = arith.constant 2 : i32
      %broadcast_in_dim3A_265 = vector.broadcast %broadcast_in_dim3A_264 : i32 to vector<16xi32>
      %gather3A_266 = tpu.vector_load_idx %arg14[%add3A_256, %broadcast_in_dim3A_265] : memref<64x17xf32, #tpu.memory_space<vmem>>[vector<16xi32>, vector<16xi32>], vector<16xf32>,
      %add3A_267 = arith.addf %add3A_263, %gather3A_266 : vector<16xf32>
      %broadcast_in_dim3A_268 = arith.constant 3 : i32
      %broadcast_in_dim3A_269 = vector.broadcast %broadcast_in_dim3A_268 : i32 to vector<16xi32>
      %gather3A_270 = tpu.vector_load_idx %arg14[%add3A_256, %broadcast_in_dim3A_269] : memref<64x17xf32, #tpu.memory_space<vmem>>[vector<16xi32>, vector<16xi32>], vector<16xf32>,
      %add3A_271 = arith.addf %add3A_267, %gather3A_270 : vector<16xf32>
      %broadcast_in_dim3A_272 = arith.constant 4 : i32
      %broadcast_in_dim3A_273 = vector.broadcast %broadcast_in_dim3A_272 : i32 to vector<16xi32>
      %gather3A_274 = tpu.vector_load_idx %arg14[%add3A_256, %broadcast_in_dim3A_273] : memref<64x17xf32, #tpu.memory_space<vmem>>[vector<16xi32>, vector<16xi32>], vector<16xf32>,
      %add3A_275 = arith.addf %add3A_271, %gather3A_274 : vector<16xf32>
      %broadcast_in_dim3A_276 = arith.constant 5 : i32
      %broadcast_in_dim3A_277 = vector.broadcast %broadcast_in_dim3A_276 : i32 to vector<16xi32>
      %gather3A_278 = tpu.vector_load_idx %arg14[%add3A_256, %broadcast_in_dim3A_277] : memref<64x17xf32, #tpu.memory_space<vmem>>[vector<16xi32>, vector<16xi32>], vector<16xf32>,
      %add3A_279 = arith.addf %add3A_275, %gather3A_278 : vector<16xf32>
      %broadcast_in_dim3A_280 = arith.constant 6 : i32
      %broadcast_in_dim3A_281 = vector.broadcast %broadcast_in_dim3A_280 : i32 to vector<16xi32>
      %gather3A_282 = tpu.vector_load_idx %arg14[%add3A_256, %broadcast_in_dim3A_281] : memref<64x17xf32, #tpu.memory_space<vmem>>[vector<16xi32>, vector<16xi32>], vector<16xf32>,
      %add3A_283 = arith.addf %add3A_279, %gather3A_282 : vector<16xf32>
      %broadcast_in_dim3A_284 = arith.constant 7 : i32
      %broadcast_in_dim3A_285 = vector.broadcast %broadcast_in_dim3A_284 : i32 to vector<16xi32>
      %gather3A_286 = tpu.vector_load_idx %arg14[%add3A_256, %broadcast_in_dim3A_285] : memref<64x17xf32, #tpu.memory_space<vmem>>[vector<16xi32>, vector<16xi32>], vector<16xf32>,
      %add3A_287 = arith.addf %add3A_283, %gather3A_286 : vector<16xf32>
      %broadcast_in_dim3A_288 = arith.constant 8 : i32
      %broadcast_in_dim3A_289 = vector.broadcast %broadcast_in_dim3A_288 : i32 to vector<16xi32>
      %gather3A_290 = tpu.vector_load_idx %arg14[%add3A_256, %broadcast_in_dim3A_289] : memref<64x17xf32, #tpu.memory_space<vmem>>[vector<16xi32>, vector<16xi32>], vector<16xf32>,
      %add3A_291 = arith.addf %add3A_287, %gather3A_290 : vector<16xf32>
      %broadcast_in_dim3A_292 = arith.constant 9 : i32
      %broadcast_in_dim3A_293 = vector.broadcast %broadcast_in_dim3A_292 : i32 to vector<16xi32>
      %gather3A_294 = tpu.vector_load_idx %arg14[%add3A_256, %broadcast_in_dim3A_293] : memref<64x17xf32, #tpu.memory_space<vmem>>[vector<16xi32>, vector<16xi32>], vector<16xf32>,
      %add3A_295 = arith.addf %add3A_291, %gather3A_294 : vector<16xf32>
      %broadcast_in_dim3A_296 = arith.constant 10 : i32
      %broadcast_in_dim3A_297 = vector.broadcast %broadcast_in_dim3A_296 : i32 to vector<16xi32>
      %gather3A_298 = tpu.vector_load_idx %arg14[%add3A_256, %broadcast_in_dim3A_297] : memref<64x17xf32, #tpu.memory_space<vmem>>[vector<16xi32>, vector<16xi32>], vector<16xf32>,
      %add3A_299 = arith.addf %add3A_295, %gather3A_298 : vector<16xf32>
      %broadcast_in_dim3A_300 = arith.constant 11 : i32
      %broadcast_in_dim3A_301 = vector.broadcast %broadcast_in_dim3A_300 : i32 to vector<16xi32>
      %gather3A_302 = tpu.vector_load_idx %arg14[%add3A_256, %broadcast_in_dim3A_301] : memref<64x17xf32, #tpu.memory_space<vmem>>[vector<16xi32>, vector<16xi32>], vector<16xf32>,
      %add3A_303 = arith.addf %add3A_299, %gather3A_302 : vector<16xf32>
      %broadcast_in_dim3A_304 = arith.constant 12 : i32
      %broadcast_in_dim3A_305 = vector.broadcast %broadcast_in_dim3A_304 : i32 to vector<16xi32>
      %gather3A_306 = tpu.vector_load_idx %arg14[%add3A_256, %broadcast_in_dim3A_305] : memref<64x17xf32, #tpu.memory_space<vmem>>[vector<16xi32>, vector<16xi32>], vector<16xf32>,
      %add3A_307 = arith.addf %add3A_303, %gather3A_306 : vector<16xf32>
      %broadcast_in_dim3A_308 = arith.constant 13 : i32
      %broadcast_in_dim3A_309 = vector.broadcast %broadcast_in_dim3A_308 : i32 to vector<16xi32>
      %gather3A_310 = tpu.vector_load_idx %arg14[%add3A_256, %broadcast_in_dim3A_309] : memref<64x17xf32, #tpu.memory_space<vmem>>[vector<16xi32>, vector<16xi32>], vector<16xf32>,
      %add3A_311 = arith.addf %add3A_307, %gather3A_310 : vector<16xf32>
      %broadcast_in_dim3A_312 = arith.constant 14 : i32
      %broadcast_in_dim3A_313 = vector.broadcast %broadcast_in_dim3A_312 : i32 to vector<16xi32>
      %gather3A_314 = tpu.vector_load_idx %arg14[%add3A_256, %broadcast_in_dim3A_313] : memref<64x17xf32, #tpu.memory_space<vmem>>[vector<16xi32>, vector<16xi32>], vector<16xf32>,
      %add3A_315 = arith.addf %add3A_311, %gather3A_314 : vector<16xf32>
      %broadcast_in_dim3A_316 = arith.constant 15 : i32
      %broadcast_in_dim3A_317 = vector.broadcast %broadcast_in_dim3A_316 : i32 to vector<16xi32>
      %gather3A_318 = tpu.vector_load_idx %arg14[%add3A_256, %broadcast_in_dim3A_317] : memref<64x17xf32, #tpu.memory_space<vmem>>[vector<16xi32>, vector<16xi32>], vector<16xf32>,
      %add3A_319 = arith.addf %add3A_315, %gather3A_318 : vector<16xf32>
      %swap3A_320 = arith.constant 48 : index
      %swap3A_321 = tpu.vector_load %arg15[%swap3A_320] {strides = array<i32>} : memref<64xf32, #tpu.memory_space<vmem>>, vector<16xf32>,
      tpu.vector_store %arg15[%swap3A_320], %add3A_319 {strides = array<i32>} : memref<64xf32, #tpu.memory_space<vmem>>, vector<16xf32>,
      %mul3A_322 = arith.constant 64 : i32
      %mul3A_323 = arith.muli %mul3A_29, %mul3A_322 : i32
      %add3A_324 = arith.addi %mul3A_2, %mul3A_323 : i32
      "tpu.region"() ({
        %run_scoped3A = tpu.sem_alloc : memref<!tpu.dma_semaphore, #tpu.memory_space<semaphore_mem>>
        %dma_start3A_629 = tpu.memref_slice %arg5[%add3A_324] : memref<327680xf32, #tpu.memory_space<hbm>> -> memref<64xf32, #tpu.memory_space<hbm>>
        %dma_start3A_630 = tpu.memref_slice %arg5[%add3A_324] : memref<327680xf32, #tpu.memory_space<hbm>> -> memref<64xf32, #tpu.memory_space<hbm>>
        tpu.enqueue_dma source(%arg15 : memref<64xf32, #tpu.memory_space<vmem>>) target(%dma_start3A_630 : memref<64xf32, #tpu.memory_space<hbm>>) target_semaphore(%run_scoped3A : memref<!tpu.dma_semaphore, #tpu.memory_space<semaphore_mem>>)
        %dma_wait3A_631 = tpu.memref_slice %arg5[%add3A_324] : memref<327680xf32, #tpu.memory_space<hbm>> -> memref<64xf32, #tpu.memory_space<hbm>>
        %dma_wait3A_632 = tpu.memref_slice %arg5[%add3A_324] : memref<327680xf32, #tpu.memory_space<hbm>> -> memref<64xf32, #tpu.memory_space<hbm>>
        tpu.wait_dma2 semaphore(%run_scoped3A : memref<!tpu.dma_semaphore, #tpu.memory_space<semaphore_mem>>) src(%arg15 : memref<64xf32, #tpu.memory_space<vmem>>) dst(%dma_wait3A_632 : memref<64xf32, #tpu.memory_space<hbm>>)
        tpu.yield
      }) : () -> ()
      %add3A_325 = arith.constant 1 : i32
      %add3A_326 = arith.addi %scan3A_27, %add3A_325 : i32
      %lt3A_327 = arith.constant 80 : i32
      %lt3A_328 = arith.cmpi slt, %add3A_326, %lt3A_327 : i32
      %convert_element_type3A_329 = arith.extui %lt3A_328 : i1 to i32
      %cond3A_330 = arith.constant 0 : i32
      %cond3A_331 = arith.cmpi ne, %convert_element_type3A_329, %cond3A_330 : i32
      scf.if %cond3A_331 {
        %dma_start3A_629 = arith.constant 0 : i32
        %dma_start3A_630 = arith.constant 0 : i32
        %dma_start3A_631 = tpu.memref_slice %arg16[%dma_start3A_629, %dma_start3A_630] : memref<10000x128xf32, #tpu.memory_space<vmem_shared>> -> memref<10000x128xf32, #tpu.memory_space<vmem_shared>>
        tpu.enqueue_indirect_dma source(%dma_start3A_631 : memref<10000x128xf32, #tpu.memory_space<vmem_shared>>) target(%arg10 : memref<64x128xf32, #tpu.memory_space<vmem>>) offsets(%arg6 : memref<64xi32, #tpu.memory_space<vmem>>) semaphore(%arg17 : memref<!tpu.dma_semaphore, #tpu.memory_space<semaphore_mem>>)
        %dma_start3A_632 = arith.constant 0 : i32
        %dma_start3A_633 = arith.constant 0 : i32
        %dma_start3A_634 = tpu.memref_slice %arg16[%dma_start3A_632, %dma_start3A_633] : memref<10000x128xf32, #tpu.memory_space<vmem_shared>> -> memref<10000x128xf32, #tpu.memory_space<vmem_shared>>
        tpu.enqueue_indirect_dma source(%dma_start3A_634 : memref<10000x128xf32, #tpu.memory_space<vmem_shared>>) target(%arg11 : memref<64x128xf32, #tpu.memory_space<vmem>>) offsets(%arg7 : memref<64xi32, #tpu.memory_space<vmem>>) semaphore(%arg17 : memref<!tpu.dma_semaphore, #tpu.memory_space<semaphore_mem>>)
      } else {
      }
      %dma_wait3A_332 = arith.constant 0 : i32
      %dma_wait3A_333 = arith.constant 0 : i32
      %dma_wait3A_334 = tpu.memref_slice %arg16[%dma_wait3A_332, %dma_wait3A_333] : memref<10000x128xf32, #tpu.memory_space<vmem_shared>> -> memref<10000x128xf32, #tpu.memory_space<vmem_shared>>
      tpu.wait_indirect_dma semaphore(%arg18 : memref<!tpu.dma_semaphore, #tpu.memory_space<semaphore_mem>>) src(%dma_wait3A_334 : memref<10000x128xf32, #tpu.memory_space<vmem_shared>>) dst(%arg12 : memref<64x128xf32, #tpu.memory_space<vmem>>)
      %dma_wait3A_335 = arith.constant 0 : i32
      %dma_wait3A_336 = arith.constant 0 : i32
      %dma_wait3A_337 = tpu.memref_slice %arg16[%dma_wait3A_335, %dma_wait3A_336] : memref<10000x128xf32, #tpu.memory_space<vmem_shared>> -> memref<10000x128xf32, #tpu.memory_space<vmem_shared>>
      tpu.wait_indirect_dma semaphore(%arg18 : memref<!tpu.dma_semaphore, #tpu.memory_space<semaphore_mem>>) src(%dma_wait3A_337 : memref<10000x128xf32, #tpu.memory_space<vmem_shared>>) dst(%arg13 : memref<64x128xf32, #tpu.memory_space<vmem>>)
      %add3A_338 = arith.constant 1 : i32
      %add3A_339 = arith.addi %scan3A_27, %add3A_338 : i32
      %lt3A_340 = arith.constant 80 : i32
      %lt3A_341 = arith.cmpi slt, %add3A_339, %lt3A_340 : i32
      %convert_element_type3A_342 = arith.extui %lt3A_341 : i1 to i32
      %cond3A_343 = arith.constant 0 : i32
      %cond3A_344 = arith.cmpi ne, %convert_element_type3A_342, %cond3A_343 : i32
      scf.if %cond3A_344 {
        %add3A_629 = arith.constant 3 : i32
        %add3A_630 = arith.addi %mul3A_29, %add3A_629 : i32
        %mul3A_631 = arith.constant 64 : i32
        %mul3A_632 = arith.muli %add3A_630, %mul3A_631 : i32
        %add3A_633 = arith.addi %mul3A_2, %mul3A_632 : i32
        "tpu.region"() ({
          %run_scoped3A = tpu.sem_alloc : memref<!tpu.dma_semaphore, #tpu.memory_space<semaphore_mem>>
          %dma_start3A_637 = tpu.memref_slice %arg2[%add3A_633] : memref<327680xi32, #tpu.memory_space<hbm>> -> memref<64xi32, #tpu.memory_space<hbm>>
          %dma_start3A_638 = tpu.memref_slice %arg2[%add3A_633] : memref<327680xi32, #tpu.memory_space<hbm>> -> memref<64xi32, #tpu.memory_space<hbm>>
          tpu.enqueue_dma source(%dma_start3A_638 : memref<64xi32, #tpu.memory_space<hbm>>) target(%arg8 : memref<64xi32, #tpu.memory_space<vmem>>) target_semaphore(%run_scoped3A : memref<!tpu.dma_semaphore, #tpu.memory_space<semaphore_mem>>)
          %dma_wait3A_639 = tpu.memref_slice %arg2[%add3A_633] : memref<327680xi32, #tpu.memory_space<hbm>> -> memref<64xi32, #tpu.memory_space<hbm>>
          %dma_wait3A_640 = tpu.memref_slice %arg2[%add3A_633] : memref<327680xi32, #tpu.memory_space<hbm>> -> memref<64xi32, #tpu.memory_space<hbm>>
          tpu.wait_dma2 semaphore(%run_scoped3A : memref<!tpu.dma_semaphore, #tpu.memory_space<semaphore_mem>>) src(%dma_wait3A_640 : memref<64xi32, #tpu.memory_space<hbm>>) dst(%arg8 : memref<64xi32, #tpu.memory_space<vmem>>)
          tpu.yield
        }) : () -> ()
        %mul3A_634 = arith.constant 64 : i32
        %mul3A_635 = arith.muli %add3A_630, %mul3A_634 : i32
        %add3A_636 = arith.addi %mul3A_2, %mul3A_635 : i32
        "tpu.region"() ({
          %run_scoped3A = tpu.sem_alloc : memref<!tpu.dma_semaphore, #tpu.memory_space<semaphore_mem>>
          %dma_start3A_637 = tpu.memref_slice %arg3[%add3A_636] : memref<327680xi32, #tpu.memory_space<hbm>> -> memref<64xi32, #tpu.memory_space<hbm>>
          %dma_start3A_638 = tpu.memref_slice %arg3[%add3A_636] : memref<327680xi32, #tpu.memory_space<hbm>> -> memref<64xi32, #tpu.memory_space<hbm>>
          tpu.enqueue_dma source(%dma_start3A_638 : memref<64xi32, #tpu.memory_space<hbm>>) target(%arg9 : memref<64xi32, #tpu.memory_space<vmem>>) target_semaphore(%run_scoped3A : memref<!tpu.dma_semaphore, #tpu.memory_space<semaphore_mem>>)
          %dma_wait3A_639 = tpu.memref_slice %arg3[%add3A_636] : memref<327680xi32, #tpu.memory_space<hbm>> -> memref<64xi32, #tpu.memory_space<hbm>>
          %dma_wait3A_640 = tpu.memref_slice %arg3[%add3A_636] : memref<327680xi32, #tpu.memory_space<hbm>> -> memref<64xi32, #tpu.memory_space<hbm>>
          tpu.wait_dma2 semaphore(%run_scoped3A : memref<!tpu.dma_semaphore, #tpu.memory_space<semaphore_mem>>) src(%dma_wait3A_640 : memref<64xi32, #tpu.memory_space<hbm>>) dst(%arg9 : memref<64xi32, #tpu.memory_space<vmem>>)
          tpu.yield
        }) : () -> ()
      } else {
      }
      %scan3A_345 = arith.constant 0 : i32
      %scan3A_346 = arith.constant 0 : i32
      %scan3A_347 = arith.constant 64 : i32
      %scan3A_348 = arith.addi %scan3A_346, %scan3A_347 : i32
      %scan3A_349 = arith.constant 8 : i32
      scf.for %scan3A_629 = %scan3A_346 to %scan3A_348 step %scan3A_349  : i32 {
        %get3A = arith.index_cast %scan3A_629 : i32 to index
        %get3A_630 = arith.constant 0 : index
        %get3A_631 = tpu.vector_load %arg12[%get3A, %get3A_630] {strides = array<i32>} : memref<64x128xf32, #tpu.memory_space<vmem>>, vector<16xf32>,
        %get3A_632 = arith.index_cast %scan3A_629 : i32 to index
        %get3A_633 = arith.constant 0 : index
        %get3A_634 = tpu.vector_load %arg13[%get3A_632, %get3A_633] {strides = array<i32>} : memref<64x128xf32, #tpu.memory_space<vmem>>, vector<16xf32>,
        %mul3A_635 = arith.mulf %get3A_631, %get3A_634 : vector<16xf32>
        %get3A_636 = arith.index_cast %scan3A_629 : i32 to index
        %get3A_637 = arith.constant 16 : index
        %get3A_638 = tpu.vector_load %arg12[%get3A_636, %get3A_637] {strides = array<i32>} : memref<64x128xf32, #tpu.memory_space<vmem>>, vector<16xf32>,
        %get3A_639 = arith.index_cast %scan3A_629 : i32 to index
        %get3A_640 = arith.constant 16 : index
        %get3A_641 = tpu.vector_load %arg13[%get3A_639, %get3A_640] {strides = array<i32>} : memref<64x128xf32, #tpu.memory_space<vmem>>, vector<16xf32>,
        %mul3A_642 = arith.mulf %get3A_638, %get3A_641 : vector<16xf32>
        %add3A_643 = arith.addf %mul3A_635, %mul3A_642 : vector<16xf32>
        %get3A_644 = arith.index_cast %scan3A_629 : i32 to index
        %get3A_645 = arith.constant 32 : index
        %get3A_646 = tpu.vector_load %arg12[%get3A_644, %get3A_645] {strides = array<i32>} : memref<64x128xf32, #tpu.memory_space<vmem>>, vector<16xf32>,
        %get3A_647 = arith.index_cast %scan3A_629 : i32 to index
        %get3A_648 = arith.constant 32 : index
        %get3A_649 = tpu.vector_load %arg13[%get3A_647, %get3A_648] {strides = array<i32>} : memref<64x128xf32, #tpu.memory_space<vmem>>, vector<16xf32>,
        %mul3A_650 = arith.mulf %get3A_646, %get3A_649 : vector<16xf32>
        %add3A_651 = arith.addf %add3A_643, %mul3A_650 : vector<16xf32>
        %get3A_652 = arith.index_cast %scan3A_629 : i32 to index
        %get3A_653 = arith.constant 48 : index
        %get3A_654 = tpu.vector_load %arg12[%get3A_652, %get3A_653] {strides = array<i32>} : memref<64x128xf32, #tpu.memory_space<vmem>>, vector<16xf32>,
        %get3A_655 = arith.index_cast %scan3A_629 : i32 to index
        %get3A_656 = arith.constant 48 : index
        %get3A_657 = tpu.vector_load %arg13[%get3A_655, %get3A_656] {strides = array<i32>} : memref<64x128xf32, #tpu.memory_space<vmem>>, vector<16xf32>,
        %mul3A_658 = arith.mulf %get3A_654, %get3A_657 : vector<16xf32>
        %add3A_659 = arith.addf %add3A_651, %mul3A_658 : vector<16xf32>
        %get3A_660 = arith.index_cast %scan3A_629 : i32 to index
        %get3A_661 = arith.constant 64 : index
        %get3A_662 = tpu.vector_load %arg12[%get3A_660, %get3A_661] {strides = array<i32>} : memref<64x128xf32, #tpu.memory_space<vmem>>, vector<16xf32>,
        %get3A_663 = arith.index_cast %scan3A_629 : i32 to index
        %get3A_664 = arith.constant 64 : index
        %get3A_665 = tpu.vector_load %arg13[%get3A_663, %get3A_664] {strides = array<i32>} : memref<64x128xf32, #tpu.memory_space<vmem>>, vector<16xf32>,
        %mul3A_666 = arith.mulf %get3A_662, %get3A_665 : vector<16xf32>
        %add3A_667 = arith.addf %add3A_659, %mul3A_666 : vector<16xf32>
        %get3A_668 = arith.index_cast %scan3A_629 : i32 to index
        %get3A_669 = arith.constant 80 : index
        %get3A_670 = tpu.vector_load %arg12[%get3A_668, %get3A_669] {strides = array<i32>} : memref<64x128xf32, #tpu.memory_space<vmem>>, vector<16xf32>,
        %get3A_671 = arith.index_cast %scan3A_629 : i32 to index
        %get3A_672 = arith.constant 80 : index
        %get3A_673 = tpu.vector_load %arg13[%get3A_671, %get3A_672] {strides = array<i32>} : memref<64x128xf32, #tpu.memory_space<vmem>>, vector<16xf32>,
        %mul3A_674 = arith.mulf %get3A_670, %get3A_673 : vector<16xf32>
        %add3A_675 = arith.addf %add3A_667, %mul3A_674 : vector<16xf32>
        %get3A_676 = arith.index_cast %scan3A_629 : i32 to index
        %get3A_677 = arith.constant 96 : index
        %get3A_678 = tpu.vector_load %arg12[%get3A_676, %get3A_677] {strides = array<i32>} : memref<64x128xf32, #tpu.memory_space<vmem>>, vector<16xf32>,
        %get3A_679 = arith.index_cast %scan3A_629 : i32 to index
        %get3A_680 = arith.constant 96 : index
        %get3A_681 = tpu.vector_load %arg13[%get3A_679, %get3A_680] {strides = array<i32>} : memref<64x128xf32, #tpu.memory_space<vmem>>, vector<16xf32>,
        %mul3A_682 = arith.mulf %get3A_678, %get3A_681 : vector<16xf32>
        %add3A_683 = arith.addf %add3A_675, %mul3A_682 : vector<16xf32>
        %get3A_684 = arith.index_cast %scan3A_629 : i32 to index
        %get3A_685 = arith.constant 112 : index
        %get3A_686 = tpu.vector_load %arg12[%get3A_684, %get3A_685] {strides = array<i32>} : memref<64x128xf32, #tpu.memory_space<vmem>>, vector<16xf32>,
        %get3A_687 = arith.index_cast %scan3A_629 : i32 to index
        %get3A_688 = arith.constant 112 : index
        %get3A_689 = tpu.vector_load %arg13[%get3A_687, %get3A_688] {strides = array<i32>} : memref<64x128xf32, #tpu.memory_space<vmem>>, vector<16xf32>,
        %mul3A_690 = arith.mulf %get3A_686, %get3A_689 : vector<16xf32>
        %add3A_691 = arith.addf %add3A_683, %mul3A_690 : vector<16xf32>
        %swap3A_692 = arith.index_cast %scan3A_629 : i32 to index
        %swap3A_693 = arith.constant 0 : index
        %swap3A_694 = tpu.vector_load %arg14[%swap3A_692, %swap3A_693] {strides = array<i32>} : memref<64x17xf32, #tpu.memory_space<vmem>>, vector<16xf32>,
        tpu.vector_store %arg14[%swap3A_692, %swap3A_693], %add3A_691 {strides = array<i32>} : memref<64x17xf32, #tpu.memory_space<vmem>>, vector<16xf32>,
        %scan3A_695 = arith.constant 1 : i32
        %scan3A_696 = arith.addi %scan3A_629, %scan3A_695 : i32
        %get3A_697 = arith.index_cast %scan3A_696 : i32 to index
        %get3A_698 = arith.constant 0 : index
        %get3A_699 = tpu.vector_load %arg12[%get3A_697, %get3A_698] {strides = array<i32>} : memref<64x128xf32, #tpu.memory_space<vmem>>, vector<16xf32>,
        %get3A_700 = arith.index_cast %scan3A_696 : i32 to index
        %get3A_701 = arith.constant 0 : index
        %get3A_702 = tpu.vector_load %arg13[%get3A_700, %get3A_701] {strides = array<i32>} : memref<64x128xf32, #tpu.memory_space<vmem>>, vector<16xf32>,
        %mul3A_703 = arith.mulf %get3A_699, %get3A_702 : vector<16xf32>
        %get3A_704 = arith.index_cast %scan3A_696 : i32 to index
        %get3A_705 = arith.constant 16 : index
        %get3A_706 = tpu.vector_load %arg12[%get3A_704, %get3A_705] {strides = array<i32>} : memref<64x128xf32, #tpu.memory_space<vmem>>, vector<16xf32>,
        %get3A_707 = arith.index_cast %scan3A_696 : i32 to index
        %get3A_708 = arith.constant 16 : index
        %get3A_709 = tpu.vector_load %arg13[%get3A_707, %get3A_708] {strides = array<i32>} : memref<64x128xf32, #tpu.memory_space<vmem>>, vector<16xf32>,
        %mul3A_710 = arith.mulf %get3A_706, %get3A_709 : vector<16xf32>
        %add3A_711 = arith.addf %mul3A_703, %mul3A_710 : vector<16xf32>
        %get3A_712 = arith.index_cast %scan3A_696 : i32 to index
        %get3A_713 = arith.constant 32 : index
        %get3A_714 = tpu.vector_load %arg12[%get3A_712, %get3A_713] {strides = array<i32>} : memref<64x128xf32, #tpu.memory_space<vmem>>, vector<16xf32>,
        %get3A_715 = arith.index_cast %scan3A_696 : i32 to index
        %get3A_716 = arith.constant 32 : index
        %get3A_717 = tpu.vector_load %arg13[%get3A_715, %get3A_716] {strides = array<i32>} : memref<64x128xf32, #tpu.memory_space<vmem>>, vector<16xf32>,
        %mul3A_718 = arith.mulf %get3A_714, %get3A_717 : vector<16xf32>
        %add3A_719 = arith.addf %add3A_711, %mul3A_718 : vector<16xf32>
        %get3A_720 = arith.index_cast %scan3A_696 : i32 to index
        %get3A_721 = arith.constant 48 : index
        %get3A_722 = tpu.vector_load %arg12[%get3A_720, %get3A_721] {strides = array<i32>} : memref<64x128xf32, #tpu.memory_space<vmem>>, vector<16xf32>,
        %get3A_723 = arith.index_cast %scan3A_696 : i32 to index
        %get3A_724 = arith.constant 48 : index
        %get3A_725 = tpu.vector_load %arg13[%get3A_723, %get3A_724] {strides = array<i32>} : memref<64x128xf32, #tpu.memory_space<vmem>>, vector<16xf32>,
        %mul3A_726 = arith.mulf %get3A_722, %get3A_725 : vector<16xf32>
        %add3A_727 = arith.addf %add3A_719, %mul3A_726 : vector<16xf32>
        %get3A_728 = arith.index_cast %scan3A_696 : i32 to index
        %get3A_729 = arith.constant 64 : index
        %get3A_730 = tpu.vector_load %arg12[%get3A_728, %get3A_729] {strides = array<i32>} : memref<64x128xf32, #tpu.memory_space<vmem>>, vector<16xf32>,
        %get3A_731 = arith.index_cast %scan3A_696 : i32 to index
        %get3A_732 = arith.constant 64 : index
        %get3A_733 = tpu.vector_load %arg13[%get3A_731, %get3A_732] {strides = array<i32>} : memref<64x128xf32, #tpu.memory_space<vmem>>, vector<16xf32>,
        %mul3A_734 = arith.mulf %get3A_730, %get3A_733 : vector<16xf32>
        %add3A_735 = arith.addf %add3A_727, %mul3A_734 : vector<16xf32>
        %get3A_736 = arith.index_cast %scan3A_696 : i32 to index
        %get3A_737 = arith.constant 80 : index
        %get3A_738 = tpu.vector_load %arg12[%get3A_736, %get3A_737] {strides = array<i32>} : memref<64x128xf32, #tpu.memory_space<vmem>>, vector<16xf32>,
        %get3A_739 = arith.index_cast %scan3A_696 : i32 to index
        %get3A_740 = arith.constant 80 : index
        %get3A_741 = tpu.vector_load %arg13[%get3A_739, %get3A_740] {strides = array<i32>} : memref<64x128xf32, #tpu.memory_space<vmem>>, vector<16xf32>,
        %mul3A_742 = arith.mulf %get3A_738, %get3A_741 : vector<16xf32>
        %add3A_743 = arith.addf %add3A_735, %mul3A_742 : vector<16xf32>
        %get3A_744 = arith.index_cast %scan3A_696 : i32 to index
        %get3A_745 = arith.constant 96 : index
        %get3A_746 = tpu.vector_load %arg12[%get3A_744, %get3A_745] {strides = array<i32>} : memref<64x128xf32, #tpu.memory_space<vmem>>, vector<16xf32>,
        %get3A_747 = arith.index_cast %scan3A_696 : i32 to index
        %get3A_748 = arith.constant 96 : index
        %get3A_749 = tpu.vector_load %arg13[%get3A_747, %get3A_748] {strides = array<i32>} : memref<64x128xf32, #tpu.memory_space<vmem>>, vector<16xf32>,
        %mul3A_750 = arith.mulf %get3A_746, %get3A_749 : vector<16xf32>
        %add3A_751 = arith.addf %add3A_743, %mul3A_750 : vector<16xf32>
        %get3A_752 = arith.index_cast %scan3A_696 : i32 to index
        %get3A_753 = arith.constant 112 : index
        %get3A_754 = tpu.vector_load %arg12[%get3A_752, %get3A_753] {strides = array<i32>} : memref<64x128xf32, #tpu.memory_space<vmem>>, vector<16xf32>,
        %get3A_755 = arith.index_cast %scan3A_696 : i32 to index
        %get3A_756 = arith.constant 112 : index
        %get3A_757 = tpu.vector_load %arg13[%get3A_755, %get3A_756] {strides = array<i32>} : memref<64x128xf32, #tpu.memory_space<vmem>>, vector<16xf32>,
        %mul3A_758 = arith.mulf %get3A_754, %get3A_757 : vector<16xf32>
        %add3A_759 = arith.addf %add3A_751, %mul3A_758 : vector<16xf32>
        %swap3A_760 = arith.index_cast %scan3A_696 : i32 to index
        %swap3A_761 = arith.constant 0 : index
        %swap3A_762 = tpu.vector_load %arg14[%swap3A_760, %swap3A_761] {strides = array<i32>} : memref<64x17xf32, #tpu.memory_space<vmem>>, vector<16xf32>,
        tpu.vector_store %arg14[%swap3A_760, %swap3A_761], %add3A_759 {strides = array<i32>} : memref<64x17xf32, #tpu.memory_space<vmem>>, vector<16xf32>,
        %scan3A_763 = arith.constant 2 : i32
        %scan3A_764 = arith.addi %scan3A_629, %scan3A_763 : i32
        %get3A_765 = arith.index_cast %scan3A_764 : i32 to index
        %get3A_766 = arith.constant 0 : index
        %get3A_767 = tpu.vector_load %arg12[%get3A_765, %get3A_766] {strides = array<i32>} : memref<64x128xf32, #tpu.memory_space<vmem>>, vector<16xf32>,
        %get3A_768 = arith.index_cast %scan3A_764 : i32 to index
        %get3A_769 = arith.constant 0 : index
        %get3A_770 = tpu.vector_load %arg13[%get3A_768, %get3A_769] {strides = array<i32>} : memref<64x128xf32, #tpu.memory_space<vmem>>, vector<16xf32>,
        %mul3A_771 = arith.mulf %get3A_767, %get3A_770 : vector<16xf32>
        %get3A_772 = arith.index_cast %scan3A_764 : i32 to index
        %get3A_773 = arith.constant 16 : index
        %get3A_774 = tpu.vector_load %arg12[%get3A_772, %get3A_773] {strides = array<i32>} : memref<64x128xf32, #tpu.memory_space<vmem>>, vector<16xf32>,
        %get3A_775 = arith.index_cast %scan3A_764 : i32 to index
        %get3A_776 = arith.constant 16 : index
        %get3A_777 = tpu.vector_load %arg13[%get3A_775, %get3A_776] {strides = array<i32>} : memref<64x128xf32, #tpu.memory_space<vmem>>, vector<16xf32>,
        %mul3A_778 = arith.mulf %get3A_774, %get3A_777 : vector<16xf32>
        %add3A_779 = arith.addf %mul3A_771, %mul3A_778 : vector<16xf32>
        %get3A_780 = arith.index_cast %scan3A_764 : i32 to index
        %get3A_781 = arith.constant 32 : index
        %get3A_782 = tpu.vector_load %arg12[%get3A_780, %get3A_781] {strides = array<i32>} : memref<64x128xf32, #tpu.memory_space<vmem>>, vector<16xf32>,
        %get3A_783 = arith.index_cast %scan3A_764 : i32 to index
        %get3A_784 = arith.constant 32 : index
        %get3A_785 = tpu.vector_load %arg13[%get3A_783, %get3A_784] {strides = array<i32>} : memref<64x128xf32, #tpu.memory_space<vmem>>, vector<16xf32>,
        %mul3A_786 = arith.mulf %get3A_782, %get3A_785 : vector<16xf32>
        %add3A_787 = arith.addf %add3A_779, %mul3A_786 : vector<16xf32>
        %get3A_788 = arith.index_cast %scan3A_764 : i32 to index
        %get3A_789 = arith.constant 48 : index
        %get3A_790 = tpu.vector_load %arg12[%get3A_788, %get3A_789] {strides = array<i32>} : memref<64x128xf32, #tpu.memory_space<vmem>>, vector<16xf32>,
        %get3A_791 = arith.index_cast %scan3A_764 : i32 to index
        %get3A_792 = arith.constant 48 : index
        %get3A_793 = tpu.vector_load %arg13[%get3A_791, %get3A_792] {strides = array<i32>} : memref<64x128xf32, #tpu.memory_space<vmem>>, vector<16xf32>,
        %mul3A_794 = arith.mulf %get3A_790, %get3A_793 : vector<16xf32>
        %add3A_795 = arith.addf %add3A_787, %mul3A_794 : vector<16xf32>
        %get3A_796 = arith.index_cast %scan3A_764 : i32 to index
        %get3A_797 = arith.constant 64 : index
        %get3A_798 = tpu.vector_load %arg12[%get3A_796, %get3A_797] {strides = array<i32>} : memref<64x128xf32, #tpu.memory_space<vmem>>, vector<16xf32>,
        %get3A_799 = arith.index_cast %scan3A_764 : i32 to index
        %get3A_800 = arith.constant 64 : index
        %get3A_801 = tpu.vector_load %arg13[%get3A_799, %get3A_800] {strides = array<i32>} : memref<64x128xf32, #tpu.memory_space<vmem>>, vector<16xf32>,
        %mul3A_802 = arith.mulf %get3A_798, %get3A_801 : vector<16xf32>
        %add3A_803 = arith.addf %add3A_795, %mul3A_802 : vector<16xf32>
        %get3A_804 = arith.index_cast %scan3A_764 : i32 to index
        %get3A_805 = arith.constant 80 : index
        %get3A_806 = tpu.vector_load %arg12[%get3A_804, %get3A_805] {strides = array<i32>} : memref<64x128xf32, #tpu.memory_space<vmem>>, vector<16xf32>,
        %get3A_807 = arith.index_cast %scan3A_764 : i32 to index
        %get3A_808 = arith.constant 80 : index
        %get3A_809 = tpu.vector_load %arg13[%get3A_807, %get3A_808] {strides = array<i32>} : memref<64x128xf32, #tpu.memory_space<vmem>>, vector<16xf32>,
        %mul3A_810 = arith.mulf %get3A_806, %get3A_809 : vector<16xf32>
        %add3A_811 = arith.addf %add3A_803, %mul3A_810 : vector<16xf32>
        %get3A_812 = arith.index_cast %scan3A_764 : i32 to index
        %get3A_813 = arith.constant 96 : index
        %get3A_814 = tpu.vector_load %arg12[%get3A_812, %get3A_813] {strides = array<i32>} : memref<64x128xf32, #tpu.memory_space<vmem>>, vector<16xf32>,
        %get3A_815 = arith.index_cast %scan3A_764 : i32 to index
        %get3A_816 = arith.constant 96 : index
        %get3A_817 = tpu.vector_load %arg13[%get3A_815, %get3A_816] {strides = array<i32>} : memref<64x128xf32, #tpu.memory_space<vmem>>, vector<16xf32>,
        %mul3A_818 = arith.mulf %get3A_814, %get3A_817 : vector<16xf32>
        %add3A_819 = arith.addf %add3A_811, %mul3A_818 : vector<16xf32>
        %get3A_820 = arith.index_cast %scan3A_764 : i32 to index
        %get3A_821 = arith.constant 112 : index
        %get3A_822 = tpu.vector_load %arg12[%get3A_820, %get3A_821] {strides = array<i32>} : memref<64x128xf32, #tpu.memory_space<vmem>>, vector<16xf32>,
        %get3A_823 = arith.index_cast %scan3A_764 : i32 to index
        %get3A_824 = arith.constant 112 : index
        %get3A_825 = tpu.vector_load %arg13[%get3A_823, %get3A_824] {strides = array<i32>} : memref<64x128xf32, #tpu.memory_space<vmem>>, vector<16xf32>,
        %mul3A_826 = arith.mulf %get3A_822, %get3A_825 : vector<16xf32>
        %add3A_827 = arith.addf %add3A_819, %mul3A_826 : vector<16xf32>
        %swap3A_828 = arith.index_cast %scan3A_764 : i32 to index
        %swap3A_829 = arith.constant 0 : index
        %swap3A_830 = tpu.vector_load %arg14[%swap3A_828, %swap3A_829] {strides = array<i32>} : memref<64x17xf32, #tpu.memory_space<vmem>>, vector<16xf32>,
        tpu.vector_store %arg14[%swap3A_828, %swap3A_829], %add3A_827 {strides = array<i32>} : memref<64x17xf32, #tpu.memory_space<vmem>>, vector<16xf32>,
        %scan3A_831 = arith.constant 3 : i32
        %scan3A_832 = arith.addi %scan3A_629, %scan3A_831 : i32
        %get3A_833 = arith.index_cast %scan3A_832 : i32 to index
        %get3A_834 = arith.constant 0 : index
        %get3A_835 = tpu.vector_load %arg12[%get3A_833, %get3A_834] {strides = array<i32>} : memref<64x128xf32, #tpu.memory_space<vmem>>, vector<16xf32>,
        %get3A_836 = arith.index_cast %scan3A_832 : i32 to index
        %get3A_837 = arith.constant 0 : index
        %get3A_838 = tpu.vector_load %arg13[%get3A_836, %get3A_837] {strides = array<i32>} : memref<64x128xf32, #tpu.memory_space<vmem>>, vector<16xf32>,
        %mul3A_839 = arith.mulf %get3A_835, %get3A_838 : vector<16xf32>
        %get3A_840 = arith.index_cast %scan3A_832 : i32 to index
        %get3A_841 = arith.constant 16 : index
        %get3A_842 = tpu.vector_load %arg12[%get3A_840, %get3A_841] {strides = array<i32>} : memref<64x128xf32, #tpu.memory_space<vmem>>, vector<16xf32>,
        %get3A_843 = arith.index_cast %scan3A_832 : i32 to index
        %get3A_844 = arith.constant 16 : index
        %get3A_845 = tpu.vector_load %arg13[%get3A_843, %get3A_844] {strides = array<i32>} : memref<64x128xf32, #tpu.memory_space<vmem>>, vector<16xf32>,
        %mul3A_846 = arith.mulf %get3A_842, %get3A_845 : vector<16xf32>
        %add3A_847 = arith.addf %mul3A_839, %mul3A_846 : vector<16xf32>
        %get3A_848 = arith.index_cast %scan3A_832 : i32 to index
        %get3A_849 = arith.constant 32 : index
        %get3A_850 = tpu.vector_load %arg12[%get3A_848, %get3A_849] {strides = array<i32>} : memref<64x128xf32, #tpu.memory_space<vmem>>, vector<16xf32>,
        %get3A_851 = arith.index_cast %scan3A_832 : i32 to index
        %get3A_852 = arith.constant 32 : index
        %get3A_853 = tpu.vector_load %arg13[%get3A_851, %get3A_852] {strides = array<i32>} : memref<64x128xf32, #tpu.memory_space<vmem>>, vector<16xf32>,
        %mul3A_854 = arith.mulf %get3A_850, %get3A_853 : vector<16xf32>
        %add3A_855 = arith.addf %add3A_847, %mul3A_854 : vector<16xf32>
        %get3A_856 = arith.index_cast %scan3A_832 : i32 to index
        %get3A_857 = arith.constant 48 : index
        %get3A_858 = tpu.vector_load %arg12[%get3A_856, %get3A_857] {strides = array<i32>} : memref<64x128xf32, #tpu.memory_space<vmem>>, vector<16xf32>,
        %get3A_859 = arith.index_cast %scan3A_832 : i32 to index
        %get3A_860 = arith.constant 48 : index
        %get3A_861 = tpu.vector_load %arg13[%get3A_859, %get3A_860] {strides = array<i32>} : memref<64x128xf32, #tpu.memory_space<vmem>>, vector<16xf32>,
        %mul3A_862 = arith.mulf %get3A_858, %get3A_861 : vector<16xf32>
        %add3A_863 = arith.addf %add3A_855, %mul3A_862 : vector<16xf32>
        %get3A_864 = arith.index_cast %scan3A_832 : i32 to index
        %get3A_865 = arith.constant 64 : index
        %get3A_866 = tpu.vector_load %arg12[%get3A_864, %get3A_865] {strides = array<i32>} : memref<64x128xf32, #tpu.memory_space<vmem>>, vector<16xf32>,
        %get3A_867 = arith.index_cast %scan3A_832 : i32 to index
        %get3A_868 = arith.constant 64 : index
        %get3A_869 = tpu.vector_load %arg13[%get3A_867, %get3A_868] {strides = array<i32>} : memref<64x128xf32, #tpu.memory_space<vmem>>, vector<16xf32>,
        %mul3A_870 = arith.mulf %get3A_866, %get3A_869 : vector<16xf32>
        %add3A_871 = arith.addf %add3A_863, %mul3A_870 : vector<16xf32>
        %get3A_872 = arith.index_cast %scan3A_832 : i32 to index
        %get3A_873 = arith.constant 80 : index
        %get3A_874 = tpu.vector_load %arg12[%get3A_872, %get3A_873] {strides = array<i32>} : memref<64x128xf32, #tpu.memory_space<vmem>>, vector<16xf32>,
        %get3A_875 = arith.index_cast %scan3A_832 : i32 to index
        %get3A_876 = arith.constant 80 : index
        %get3A_877 = tpu.vector_load %arg13[%get3A_875, %get3A_876] {strides = array<i32>} : memref<64x128xf32, #tpu.memory_space<vmem>>, vector<16xf32>,
        %mul3A_878 = arith.mulf %get3A_874, %get3A_877 : vector<16xf32>
        %add3A_879 = arith.addf %add3A_871, %mul3A_878 : vector<16xf32>
        %get3A_880 = arith.index_cast %scan3A_832 : i32 to index
        %get3A_881 = arith.constant 96 : index
        %get3A_882 = tpu.vector_load %arg12[%get3A_880, %get3A_881] {strides = array<i32>} : memref<64x128xf32, #tpu.memory_space<vmem>>, vector<16xf32>,
        %get3A_883 = arith.index_cast %scan3A_832 : i32 to index
        %get3A_884 = arith.constant 96 : index
        %get3A_885 = tpu.vector_load %arg13[%get3A_883, %get3A_884] {strides = array<i32>} : memref<64x128xf32, #tpu.memory_space<vmem>>, vector<16xf32>,
        %mul3A_886 = arith.mulf %get3A_882, %get3A_885 : vector<16xf32>
        %add3A_887 = arith.addf %add3A_879, %mul3A_886 : vector<16xf32>
        %get3A_888 = arith.index_cast %scan3A_832 : i32 to index
        %get3A_889 = arith.constant 112 : index
        %get3A_890 = tpu.vector_load %arg12[%get3A_888, %get3A_889] {strides = array<i32>} : memref<64x128xf32, #tpu.memory_space<vmem>>, vector<16xf32>,
        %get3A_891 = arith.index_cast %scan3A_832 : i32 to index
        %get3A_892 = arith.constant 112 : index
        %get3A_893 = tpu.vector_load %arg13[%get3A_891, %get3A_892] {strides = array<i32>} : memref<64x128xf32, #tpu.memory_space<vmem>>, vector<16xf32>,
        %mul3A_894 = arith.mulf %get3A_890, %get3A_893 : vector<16xf32>
        %add3A_895 = arith.addf %add3A_887, %mul3A_894 : vector<16xf32>
        %swap3A_896 = arith.index_cast %scan3A_832 : i32 to index
        %swap3A_897 = arith.constant 0 : index
        %swap3A_898 = tpu.vector_load %arg14[%swap3A_896, %swap3A_897] {strides = array<i32>} : memref<64x17xf32, #tpu.memory_space<vmem>>, vector<16xf32>,
        tpu.vector_store %arg14[%swap3A_896, %swap3A_897], %add3A_895 {strides = array<i32>} : memref<64x17xf32, #tpu.memory_space<vmem>>, vector<16xf32>,
        %scan3A_899 = arith.constant 4 : i32
        %scan3A_900 = arith.addi %scan3A_629, %scan3A_899 : i32
        %get3A_901 = arith.index_cast %scan3A_900 : i32 to index
        %get3A_902 = arith.constant 0 : index
        %get3A_903 = tpu.vector_load %arg12[%get3A_901, %get3A_902] {strides = array<i32>} : memref<64x128xf32, #tpu.memory_space<vmem>>, vector<16xf32>,
        %get3A_904 = arith.index_cast %scan3A_900 : i32 to index
        %get3A_905 = arith.constant 0 : index
        %get3A_906 = tpu.vector_load %arg13[%get3A_904, %get3A_905] {strides = array<i32>} : memref<64x128xf32, #tpu.memory_space<vmem>>, vector<16xf32>,
        %mul3A_907 = arith.mulf %get3A_903, %get3A_906 : vector<16xf32>
        %get3A_908 = arith.index_cast %scan3A_900 : i32 to index
        %get3A_909 = arith.constant 16 : index
        %get3A_910 = tpu.vector_load %arg12[%get3A_908, %get3A_909] {strides = array<i32>} : memref<64x128xf32, #tpu.memory_space<vmem>>, vector<16xf32>,
        %get3A_911 = arith.index_cast %scan3A_900 : i32 to index
        %get3A_912 = arith.constant 16 : index
        %get3A_913 = tpu.vector_load %arg13[%get3A_911, %get3A_912] {strides = array<i32>} : memref<64x128xf32, #tpu.memory_space<vmem>>, vector<16xf32>,
        %mul3A_914 = arith.mulf %get3A_910, %get3A_913 : vector<16xf32>
        %add3A_915 = arith.addf %mul3A_907, %mul3A_914 : vector<16xf32>
        %get3A_916 = arith.index_cast %scan3A_900 : i32 to index
        %get3A_917 = arith.constant 32 : index
        %get3A_918 = tpu.vector_load %arg12[%get3A_916, %get3A_917] {strides = array<i32>} : memref<64x128xf32, #tpu.memory_space<vmem>>, vector<16xf32>,
        %get3A_919 = arith.index_cast %scan3A_900 : i32 to index
        %get3A_920 = arith.constant 32 : index
        %get3A_921 = tpu.vector_load %arg13[%get3A_919, %get3A_920] {strides = array<i32>} : memref<64x128xf32, #tpu.memory_space<vmem>>, vector<16xf32>,
        %mul3A_922 = arith.mulf %get3A_918, %get3A_921 : vector<16xf32>
        %add3A_923 = arith.addf %add3A_915, %mul3A_922 : vector<16xf32>
        %get3A_924 = arith.index_cast %scan3A_900 : i32 to index
        %get3A_925 = arith.constant 48 : index
        %get3A_926 = tpu.vector_load %arg12[%get3A_924, %get3A_925] {strides = array<i32>} : memref<64x128xf32, #tpu.memory_space<vmem>>, vector<16xf32>,
        %get3A_927 = arith.index_cast %scan3A_900 : i32 to index
        %get3A_928 = arith.constant 48 : index
        %get3A_929 = tpu.vector_load %arg13[%get3A_927, %get3A_928] {strides = array<i32>} : memref<64x128xf32, #tpu.memory_space<vmem>>, vector<16xf32>,
        %mul3A_930 = arith.mulf %get3A_926, %get3A_929 : vector<16xf32>
        %add3A_931 = arith.addf %add3A_923, %mul3A_930 : vector<16xf32>
        %get3A_932 = arith.index_cast %scan3A_900 : i32 to index
        %get3A_933 = arith.constant 64 : index
        %get3A_934 = tpu.vector_load %arg12[%get3A_932, %get3A_933] {strides = array<i32>} : memref<64x128xf32, #tpu.memory_space<vmem>>, vector<16xf32>,
        %get3A_935 = arith.index_cast %scan3A_900 : i32 to index
        %get3A_936 = arith.constant 64 : index
        %get3A_937 = tpu.vector_load %arg13[%get3A_935, %get3A_936] {strides = array<i32>} : memref<64x128xf32, #tpu.memory_space<vmem>>, vector<16xf32>,
        %mul3A_938 = arith.mulf %get3A_934, %get3A_937 : vector<16xf32>
        %add3A_939 = arith.addf %add3A_931, %mul3A_938 : vector<16xf32>
        %get3A_940 = arith.index_cast %scan3A_900 : i32 to index
        %get3A_941 = arith.constant 80 : index
        %get3A_942 = tpu.vector_load %arg12[%get3A_940, %get3A_941] {strides = array<i32>} : memref<64x128xf32, #tpu.memory_space<vmem>>, vector<16xf32>,
        %get3A_943 = arith.index_cast %scan3A_900 : i32 to index
        %get3A_944 = arith.constant 80 : index
        %get3A_945 = tpu.vector_load %arg13[%get3A_943, %get3A_944] {strides = array<i32>} : memref<64x128xf32, #tpu.memory_space<vmem>>, vector<16xf32>,
        %mul3A_946 = arith.mulf %get3A_942, %get3A_945 : vector<16xf32>
        %add3A_947 = arith.addf %add3A_939, %mul3A_946 : vector<16xf32>
        %get3A_948 = arith.index_cast %scan3A_900 : i32 to index
        %get3A_949 = arith.constant 96 : index
        %get3A_950 = tpu.vector_load %arg12[%get3A_948, %get3A_949] {strides = array<i32>} : memref<64x128xf32, #tpu.memory_space<vmem>>, vector<16xf32>,
        %get3A_951 = arith.index_cast %scan3A_900 : i32 to index
        %get3A_952 = arith.constant 96 : index
        %get3A_953 = tpu.vector_load %arg13[%get3A_951, %get3A_952] {strides = array<i32>} : memref<64x128xf32, #tpu.memory_space<vmem>>, vector<16xf32>,
        %mul3A_954 = arith.mulf %get3A_950, %get3A_953 : vector<16xf32>
        %add3A_955 = arith.addf %add3A_947, %mul3A_954 : vector<16xf32>
        %get3A_956 = arith.index_cast %scan3A_900 : i32 to index
        %get3A_957 = arith.constant 112 : index
        %get3A_958 = tpu.vector_load %arg12[%get3A_956, %get3A_957] {strides = array<i32>} : memref<64x128xf32, #tpu.memory_space<vmem>>, vector<16xf32>,
        %get3A_959 = arith.index_cast %scan3A_900 : i32 to index
        %get3A_960 = arith.constant 112 : index
        %get3A_961 = tpu.vector_load %arg13[%get3A_959, %get3A_960] {strides = array<i32>} : memref<64x128xf32, #tpu.memory_space<vmem>>, vector<16xf32>,
        %mul3A_962 = arith.mulf %get3A_958, %get3A_961 : vector<16xf32>
        %add3A_963 = arith.addf %add3A_955, %mul3A_962 : vector<16xf32>
        %swap3A_964 = arith.index_cast %scan3A_900 : i32 to index
        %swap3A_965 = arith.constant 0 : index
        %swap3A_966 = tpu.vector_load %arg14[%swap3A_964, %swap3A_965] {strides = array<i32>} : memref<64x17xf32, #tpu.memory_space<vmem>>, vector<16xf32>,
        tpu.vector_store %arg14[%swap3A_964, %swap3A_965], %add3A_963 {strides = array<i32>} : memref<64x17xf32, #tpu.memory_space<vmem>>, vector<16xf32>,
        %scan3A_967 = arith.constant 5 : i32
        %scan3A_968 = arith.addi %scan3A_629, %scan3A_967 : i32
        %get3A_969 = arith.index_cast %scan3A_968 : i32 to index
        %get3A_970 = arith.constant 0 : index
        %get3A_971 = tpu.vector_load %arg12[%get3A_969, %get3A_970] {strides = array<i32>} : memref<64x128xf32, #tpu.memory_space<vmem>>, vector<16xf32>,
        %get3A_972 = arith.index_cast %scan3A_968 : i32 to index
        %get3A_973 = arith.constant 0 : index
        %get3A_974 = tpu.vector_load %arg13[%get3A_972, %get3A_973] {strides = array<i32>} : memref<64x128xf32, #tpu.memory_space<vmem>>, vector<16xf32>,
        %mul3A_975 = arith.mulf %get3A_971, %get3A_974 : vector<16xf32>
        %get3A_976 = arith.index_cast %scan3A_968 : i32 to index
        %get3A_977 = arith.constant 16 : index
        %get3A_978 = tpu.vector_load %arg12[%get3A_976, %get3A_977] {strides = array<i32>} : memref<64x128xf32, #tpu.memory_space<vmem>>, vector<16xf32>,
        %get3A_979 = arith.index_cast %scan3A_968 : i32 to index
        %get3A_980 = arith.constant 16 : index
        %get3A_981 = tpu.vector_load %arg13[%get3A_979, %get3A_980] {strides = array<i32>} : memref<64x128xf32, #tpu.memory_space<vmem>>, vector<16xf32>,
        %mul3A_982 = arith.mulf %get3A_978, %get3A_981 : vector<16xf32>
        %add3A_983 = arith.addf %mul3A_975, %mul3A_982 : vector<16xf32>
        %get3A_984 = arith.index_cast %scan3A_968 : i32 to index
        %get3A_985 = arith.constant 32 : index
        %get3A_986 = tpu.vector_load %arg12[%get3A_984, %get3A_985] {strides = array<i32>} : memref<64x128xf32, #tpu.memory_space<vmem>>, vector<16xf32>,
        %get3A_987 = arith.index_cast %scan3A_968 : i32 to index
        %get3A_988 = arith.constant 32 : index
        %get3A_989 = tpu.vector_load %arg13[%get3A_987, %get3A_988] {strides = array<i32>} : memref<64x128xf32, #tpu.memory_space<vmem>>, vector<16xf32>,
        %mul3A_990 = arith.mulf %get3A_986, %get3A_989 : vector<16xf32>
        %add3A_991 = arith.addf %add3A_983, %mul3A_990 : vector<16xf32>
        %get3A_992 = arith.index_cast %scan3A_968 : i32 to index
        %get3A_993 = arith.constant 48 : index
        %get3A_994 = tpu.vector_load %arg12[%get3A_992, %get3A_993] {strides = array<i32>} : memref<64x128xf32, #tpu.memory_space<vmem>>, vector<16xf32>,
        %get3A_995 = arith.index_cast %scan3A_968 : i32 to index
        %get3A_996 = arith.constant 48 : index
        %get3A_997 = tpu.vector_load %arg13[%get3A_995, %get3A_996] {strides = array<i32>} : memref<64x128xf32, #tpu.memory_space<vmem>>, vector<16xf32>,
        %mul3A_998 = arith.mulf %get3A_994, %get3A_997 : vector<16xf32>
        %add3A_999 = arith.addf %add3A_991, %mul3A_998 : vector<16xf32>
        %get3A_1000 = arith.index_cast %scan3A_968 : i32 to index
        %get3A_1001 = arith.constant 64 : index
        %get3A_1002 = tpu.vector_load %arg12[%get3A_1000, %get3A_1001] {strides = array<i32>} : memref<64x128xf32, #tpu.memory_space<vmem>>, vector<16xf32>,
        %get3A_1003 = arith.index_cast %scan3A_968 : i32 to index
        %get3A_1004 = arith.constant 64 : index
        %get3A_1005 = tpu.vector_load %arg13[%get3A_1003, %get3A_1004] {strides = array<i32>} : memref<64x128xf32, #tpu.memory_space<vmem>>, vector<16xf32>,
        %mul3A_1006 = arith.mulf %get3A_1002, %get3A_1005 : vector<16xf32>
        %add3A_1007 = arith.addf %add3A_999, %mul3A_1006 : vector<16xf32>
        %get3A_1008 = arith.index_cast %scan3A_968 : i32 to index
        %get3A_1009 = arith.constant 80 : index
        %get3A_1010 = tpu.vector_load %arg12[%get3A_1008, %get3A_1009] {strides = array<i32>} : memref<64x128xf32, #tpu.memory_space<vmem>>, vector<16xf32>,
        %get3A_1011 = arith.index_cast %scan3A_968 : i32 to index
        %get3A_1012 = arith.constant 80 : index
        %get3A_1013 = tpu.vector_load %arg13[%get3A_1011, %get3A_1012] {strides = array<i32>} : memref<64x128xf32, #tpu.memory_space<vmem>>, vector<16xf32>,
        %mul3A_1014 = arith.mulf %get3A_1010, %get3A_1013 : vector<16xf32>
        %add3A_1015 = arith.addf %add3A_1007, %mul3A_1014 : vector<16xf32>
        %get3A_1016 = arith.index_cast %scan3A_968 : i32 to index
        %get3A_1017 = arith.constant 96 : index
        %get3A_1018 = tpu.vector_load %arg12[%get3A_1016, %get3A_1017] {strides = array<i32>} : memref<64x128xf32, #tpu.memory_space<vmem>>, vector<16xf32>,
        %get3A_1019 = arith.index_cast %scan3A_968 : i32 to index
        %get3A_1020 = arith.constant 96 : index
        %get3A_1021 = tpu.vector_load %arg13[%get3A_1019, %get3A_1020] {strides = array<i32>} : memref<64x128xf32, #tpu.memory_space<vmem>>, vector<16xf32>,
        %mul3A_1022 = arith.mulf %get3A_1018, %get3A_1021 : vector<16xf32>
        %add3A_1023 = arith.addf %add3A_1015, %mul3A_1022 : vector<16xf32>
        %get3A_1024 = arith.index_cast %scan3A_968 : i32 to index
        %get3A_1025 = arith.constant 112 : index
        %get3A_1026 = tpu.vector_load %arg12[%get3A_1024, %get3A_1025] {strides = array<i32>} : memref<64x128xf32, #tpu.memory_space<vmem>>, vector<16xf32>,
        %get3A_1027 = arith.index_cast %scan3A_968 : i32 to index
        %get3A_1028 = arith.constant 112 : index
        %get3A_1029 = tpu.vector_load %arg13[%get3A_1027, %get3A_1028] {strides = array<i32>} : memref<64x128xf32, #tpu.memory_space<vmem>>, vector<16xf32>,
        %mul3A_1030 = arith.mulf %get3A_1026, %get3A_1029 : vector<16xf32>
        %add3A_1031 = arith.addf %add3A_1023, %mul3A_1030 : vector<16xf32>
        %swap3A_1032 = arith.index_cast %scan3A_968 : i32 to index
        %swap3A_1033 = arith.constant 0 : index
        %swap3A_1034 = tpu.vector_load %arg14[%swap3A_1032, %swap3A_1033] {strides = array<i32>} : memref<64x17xf32, #tpu.memory_space<vmem>>, vector<16xf32>,
        tpu.vector_store %arg14[%swap3A_1032, %swap3A_1033], %add3A_1031 {strides = array<i32>} : memref<64x17xf32, #tpu.memory_space<vmem>>, vector<16xf32>,
        %scan3A_1035 = arith.constant 6 : i32
        %scan3A_1036 = arith.addi %scan3A_629, %scan3A_1035 : i32
        %get3A_1037 = arith.index_cast %scan3A_1036 : i32 to index
        %get3A_1038 = arith.constant 0 : index
        %get3A_1039 = tpu.vector_load %arg12[%get3A_1037, %get3A_1038] {strides = array<i32>} : memref<64x128xf32, #tpu.memory_space<vmem>>, vector<16xf32>,
        %get3A_1040 = arith.index_cast %scan3A_1036 : i32 to index
        %get3A_1041 = arith.constant 0 : index
        %get3A_1042 = tpu.vector_load %arg13[%get3A_1040, %get3A_1041] {strides = array<i32>} : memref<64x128xf32, #tpu.memory_space<vmem>>, vector<16xf32>,
        %mul3A_1043 = arith.mulf %get3A_1039, %get3A_1042 : vector<16xf32>
        %get3A_1044 = arith.index_cast %scan3A_1036 : i32 to index
        %get3A_1045 = arith.constant 16 : index
        %get3A_1046 = tpu.vector_load %arg12[%get3A_1044, %get3A_1045] {strides = array<i32>} : memref<64x128xf32, #tpu.memory_space<vmem>>, vector<16xf32>,
        %get3A_1047 = arith.index_cast %scan3A_1036 : i32 to index
        %get3A_1048 = arith.constant 16 : index
        %get3A_1049 = tpu.vector_load %arg13[%get3A_1047, %get3A_1048] {strides = array<i32>} : memref<64x128xf32, #tpu.memory_space<vmem>>, vector<16xf32>,
        %mul3A_1050 = arith.mulf %get3A_1046, %get3A_1049 : vector<16xf32>
        %add3A_1051 = arith.addf %mul3A_1043, %mul3A_1050 : vector<16xf32>
        %get3A_1052 = arith.index_cast %scan3A_1036 : i32 to index
        %get3A_1053 = arith.constant 32 : index
        %get3A_1054 = tpu.vector_load %arg12[%get3A_1052, %get3A_1053] {strides = array<i32>} : memref<64x128xf32, #tpu.memory_space<vmem>>, vector<16xf32>,
        %get3A_1055 = arith.index_cast %scan3A_1036 : i32 to index
        %get3A_1056 = arith.constant 32 : index
        %get3A_1057 = tpu.vector_load %arg13[%get3A_1055, %get3A_1056] {strides = array<i32>} : memref<64x128xf32, #tpu.memory_space<vmem>>, vector<16xf32>,
        %mul3A_1058 = arith.mulf %get3A_1054, %get3A_1057 : vector<16xf32>
        %add3A_1059 = arith.addf %add3A_1051, %mul3A_1058 : vector<16xf32>
        %get3A_1060 = arith.index_cast %scan3A_1036 : i32 to index
        %get3A_1061 = arith.constant 48 : index
        %get3A_1062 = tpu.vector_load %arg12[%get3A_1060, %get3A_1061] {strides = array<i32>} : memref<64x128xf32, #tpu.memory_space<vmem>>, vector<16xf32>,
        %get3A_1063 = arith.index_cast %scan3A_1036 : i32 to index
        %get3A_1064 = arith.constant 48 : index
        %get3A_1065 = tpu.vector_load %arg13[%get3A_1063, %get3A_1064] {strides = array<i32>} : memref<64x128xf32, #tpu.memory_space<vmem>>, vector<16xf32>,
        %mul3A_1066 = arith.mulf %get3A_1062, %get3A_1065 : vector<16xf32>
        %add3A_1067 = arith.addf %add3A_1059, %mul3A_1066 : vector<16xf32>
        %get3A_1068 = arith.index_cast %scan3A_1036 : i32 to index
        %get3A_1069 = arith.constant 64 : index
        %get3A_1070 = tpu.vector_load %arg12[%get3A_1068, %get3A_1069] {strides = array<i32>} : memref<64x128xf32, #tpu.memory_space<vmem>>, vector<16xf32>,
        %get3A_1071 = arith.index_cast %scan3A_1036 : i32 to index
        %get3A_1072 = arith.constant 64 : index
        %get3A_1073 = tpu.vector_load %arg13[%get3A_1071, %get3A_1072] {strides = array<i32>} : memref<64x128xf32, #tpu.memory_space<vmem>>, vector<16xf32>,
        %mul3A_1074 = arith.mulf %get3A_1070, %get3A_1073 : vector<16xf32>
        %add3A_1075 = arith.addf %add3A_1067, %mul3A_1074 : vector<16xf32>
        %get3A_1076 = arith.index_cast %scan3A_1036 : i32 to index
        %get3A_1077 = arith.constant 80 : index
        %get3A_1078 = tpu.vector_load %arg12[%get3A_1076, %get3A_1077] {strides = array<i32>} : memref<64x128xf32, #tpu.memory_space<vmem>>, vector<16xf32>,
        %get3A_1079 = arith.index_cast %scan3A_1036 : i32 to index
        %get3A_1080 = arith.constant 80 : index
        %get3A_1081 = tpu.vector_load %arg13[%get3A_1079, %get3A_1080] {strides = array<i32>} : memref<64x128xf32, #tpu.memory_space<vmem>>, vector<16xf32>,
        %mul3A_1082 = arith.mulf %get3A_1078, %get3A_1081 : vector<16xf32>
        %add3A_1083 = arith.addf %add3A_1075, %mul3A_1082 : vector<16xf32>
        %get3A_1084 = arith.index_cast %scan3A_1036 : i32 to index
        %get3A_1085 = arith.constant 96 : index
        %get3A_1086 = tpu.vector_load %arg12[%get3A_1084, %get3A_1085] {strides = array<i32>} : memref<64x128xf32, #tpu.memory_space<vmem>>, vector<16xf32>,
        %get3A_1087 = arith.index_cast %scan3A_1036 : i32 to index
        %get3A_1088 = arith.constant 96 : index
        %get3A_1089 = tpu.vector_load %arg13[%get3A_1087, %get3A_1088] {strides = array<i32>} : memref<64x128xf32, #tpu.memory_space<vmem>>, vector<16xf32>,
        %mul3A_1090 = arith.mulf %get3A_1086, %get3A_1089 : vector<16xf32>
        %add3A_1091 = arith.addf %add3A_1083, %mul3A_1090 : vector<16xf32>
        %get3A_1092 = arith.index_cast %scan3A_1036 : i32 to index
        %get3A_1093 = arith.constant 112 : index
        %get3A_1094 = tpu.vector_load %arg12[%get3A_1092, %get3A_1093] {strides = array<i32>} : memref<64x128xf32, #tpu.memory_space<vmem>>, vector<16xf32>,
        %get3A_1095 = arith.index_cast %scan3A_1036 : i32 to index
        %get3A_1096 = arith.constant 112 : index
        %get3A_1097 = tpu.vector_load %arg13[%get3A_1095, %get3A_1096] {strides = array<i32>} : memref<64x128xf32, #tpu.memory_space<vmem>>, vector<16xf32>,
        %mul3A_1098 = arith.mulf %get3A_1094, %get3A_1097 : vector<16xf32>
        %add3A_1099 = arith.addf %add3A_1091, %mul3A_1098 : vector<16xf32>
        %swap3A_1100 = arith.index_cast %scan3A_1036 : i32 to index
        %swap3A_1101 = arith.constant 0 : index
        %swap3A_1102 = tpu.vector_load %arg14[%swap3A_1100, %swap3A_1101] {strides = array<i32>} : memref<64x17xf32, #tpu.memory_space<vmem>>, vector<16xf32>,
        tpu.vector_store %arg14[%swap3A_1100, %swap3A_1101], %add3A_1099 {strides = array<i32>} : memref<64x17xf32, #tpu.memory_space<vmem>>, vector<16xf32>,
        %scan3A_1103 = arith.constant 7 : i32
        %scan3A_1104 = arith.addi %scan3A_629, %scan3A_1103 : i32
        %get3A_1105 = arith.index_cast %scan3A_1104 : i32 to index
        %get3A_1106 = arith.constant 0 : index
        %get3A_1107 = tpu.vector_load %arg12[%get3A_1105, %get3A_1106] {strides = array<i32>} : memref<64x128xf32, #tpu.memory_space<vmem>>, vector<16xf32>,
        %get3A_1108 = arith.index_cast %scan3A_1104 : i32 to index
        %get3A_1109 = arith.constant 0 : index
        %get3A_1110 = tpu.vector_load %arg13[%get3A_1108, %get3A_1109] {strides = array<i32>} : memref<64x128xf32, #tpu.memory_space<vmem>>, vector<16xf32>,
        %mul3A_1111 = arith.mulf %get3A_1107, %get3A_1110 : vector<16xf32>
        %get3A_1112 = arith.index_cast %scan3A_1104 : i32 to index
        %get3A_1113 = arith.constant 16 : index
        %get3A_1114 = tpu.vector_load %arg12[%get3A_1112, %get3A_1113] {strides = array<i32>} : memref<64x128xf32, #tpu.memory_space<vmem>>, vector<16xf32>,
        %get3A_1115 = arith.index_cast %scan3A_1104 : i32 to index
        %get3A_1116 = arith.constant 16 : index
        %get3A_1117 = tpu.vector_load %arg13[%get3A_1115, %get3A_1116] {strides = array<i32>} : memref<64x128xf32, #tpu.memory_space<vmem>>, vector<16xf32>,
        %mul3A_1118 = arith.mulf %get3A_1114, %get3A_1117 : vector<16xf32>
        %add3A_1119 = arith.addf %mul3A_1111, %mul3A_1118 : vector<16xf32>
        %get3A_1120 = arith.index_cast %scan3A_1104 : i32 to index
        %get3A_1121 = arith.constant 32 : index
        %get3A_1122 = tpu.vector_load %arg12[%get3A_1120, %get3A_1121] {strides = array<i32>} : memref<64x128xf32, #tpu.memory_space<vmem>>, vector<16xf32>,
        %get3A_1123 = arith.index_cast %scan3A_1104 : i32 to index
        %get3A_1124 = arith.constant 32 : index
        %get3A_1125 = tpu.vector_load %arg13[%get3A_1123, %get3A_1124] {strides = array<i32>} : memref<64x128xf32, #tpu.memory_space<vmem>>, vector<16xf32>,
        %mul3A_1126 = arith.mulf %get3A_1122, %get3A_1125 : vector<16xf32>
        %add3A_1127 = arith.addf %add3A_1119, %mul3A_1126 : vector<16xf32>
        %get3A_1128 = arith.index_cast %scan3A_1104 : i32 to index
        %get3A_1129 = arith.constant 48 : index
        %get3A_1130 = tpu.vector_load %arg12[%get3A_1128, %get3A_1129] {strides = array<i32>} : memref<64x128xf32, #tpu.memory_space<vmem>>, vector<16xf32>,
        %get3A_1131 = arith.index_cast %scan3A_1104 : i32 to index
        %get3A_1132 = arith.constant 48 : index
        %get3A_1133 = tpu.vector_load %arg13[%get3A_1131, %get3A_1132] {strides = array<i32>} : memref<64x128xf32, #tpu.memory_space<vmem>>, vector<16xf32>,
        %mul3A_1134 = arith.mulf %get3A_1130, %get3A_1133 : vector<16xf32>
        %add3A_1135 = arith.addf %add3A_1127, %mul3A_1134 : vector<16xf32>
        %get3A_1136 = arith.index_cast %scan3A_1104 : i32 to index
        %get3A_1137 = arith.constant 64 : index
        %get3A_1138 = tpu.vector_load %arg12[%get3A_1136, %get3A_1137] {strides = array<i32>} : memref<64x128xf32, #tpu.memory_space<vmem>>, vector<16xf32>,
        %get3A_1139 = arith.index_cast %scan3A_1104 : i32 to index
        %get3A_1140 = arith.constant 64 : index
        %get3A_1141 = tpu.vector_load %arg13[%get3A_1139, %get3A_1140] {strides = array<i32>} : memref<64x128xf32, #tpu.memory_space<vmem>>, vector<16xf32>,
        %mul3A_1142 = arith.mulf %get3A_1138, %get3A_1141 : vector<16xf32>
        %add3A_1143 = arith.addf %add3A_1135, %mul3A_1142 : vector<16xf32>
        %get3A_1144 = arith.index_cast %scan3A_1104 : i32 to index
        %get3A_1145 = arith.constant 80 : index
        %get3A_1146 = tpu.vector_load %arg12[%get3A_1144, %get3A_1145] {strides = array<i32>} : memref<64x128xf32, #tpu.memory_space<vmem>>, vector<16xf32>,
        %get3A_1147 = arith.index_cast %scan3A_1104 : i32 to index
        %get3A_1148 = arith.constant 80 : index
        %get3A_1149 = tpu.vector_load %arg13[%get3A_1147, %get3A_1148] {strides = array<i32>} : memref<64x128xf32, #tpu.memory_space<vmem>>, vector<16xf32>,
        %mul3A_1150 = arith.mulf %get3A_1146, %get3A_1149 : vector<16xf32>
        %add3A_1151 = arith.addf %add3A_1143, %mul3A_1150 : vector<16xf32>
        %get3A_1152 = arith.index_cast %scan3A_1104 : i32 to index
        %get3A_1153 = arith.constant 96 : index
        %get3A_1154 = tpu.vector_load %arg12[%get3A_1152, %get3A_1153] {strides = array<i32>} : memref<64x128xf32, #tpu.memory_space<vmem>>, vector<16xf32>,
        %get3A_1155 = arith.index_cast %scan3A_1104 : i32 to index
        %get3A_1156 = arith.constant 96 : index
        %get3A_1157 = tpu.vector_load %arg13[%get3A_1155, %get3A_1156] {strides = array<i32>} : memref<64x128xf32, #tpu.memory_space<vmem>>, vector<16xf32>,
        %mul3A_1158 = arith.mulf %get3A_1154, %get3A_1157 : vector<16xf32>
        %add3A_1159 = arith.addf %add3A_1151, %mul3A_1158 : vector<16xf32>
        %get3A_1160 = arith.index_cast %scan3A_1104 : i32 to index
        %get3A_1161 = arith.constant 112 : index
        %get3A_1162 = tpu.vector_load %arg12[%get3A_1160, %get3A_1161] {strides = array<i32>} : memref<64x128xf32, #tpu.memory_space<vmem>>, vector<16xf32>,
        %get3A_1163 = arith.index_cast %scan3A_1104 : i32 to index
        %get3A_1164 = arith.constant 112 : index
        %get3A_1165 = tpu.vector_load %arg13[%get3A_1163, %get3A_1164] {strides = array<i32>} : memref<64x128xf32, #tpu.memory_space<vmem>>, vector<16xf32>,
        %mul3A_1166 = arith.mulf %get3A_1162, %get3A_1165 : vector<16xf32>
        %add3A_1167 = arith.addf %add3A_1159, %mul3A_1166 : vector<16xf32>
        %swap3A_1168 = arith.index_cast %scan3A_1104 : i32 to index
        %swap3A_1169 = arith.constant 0 : index
        %swap3A_1170 = tpu.vector_load %arg14[%swap3A_1168, %swap3A_1169] {strides = array<i32>} : memref<64x17xf32, #tpu.memory_space<vmem>>, vector<16xf32>,
        tpu.vector_store %arg14[%swap3A_1168, %swap3A_1169], %add3A_1167 {strides = array<i32>} : memref<64x17xf32, #tpu.memory_space<vmem>>, vector<16xf32>,
      }
      %scan3A_350 = arith.constant 64 : i32
      %iota3A_351 = tpu.iota {dimensions = array<i32: 0>} : vector<16xi32>
      %add3A_352 = arith.constant 0 : i32
      %add3A_353 = vector.broadcast %add3A_352 : i32 to vector<16xi32>
      %add3A_354 = arith.addi %iota3A_351, %add3A_353 : vector<16xi32>
      %broadcast_in_dim3A_355 = arith.constant 0 : i32
      %broadcast_in_dim3A_356 = vector.broadcast %broadcast_in_dim3A_355 : i32 to vector<16xi32>
      %gather3A_357 = tpu.vector_load_idx %arg14[%add3A_354, %broadcast_in_dim3A_356] : memref<64x17xf32, #tpu.memory_space<vmem>>[vector<16xi32>, vector<16xi32>], vector<16xf32>,
      %broadcast_in_dim3A_358 = arith.constant 1 : i32
      %broadcast_in_dim3A_359 = vector.broadcast %broadcast_in_dim3A_358 : i32 to vector<16xi32>
      %gather3A_360 = tpu.vector_load_idx %arg14[%add3A_354, %broadcast_in_dim3A_359] : memref<64x17xf32, #tpu.memory_space<vmem>>[vector<16xi32>, vector<16xi32>], vector<16xf32>,
      %add3A_361 = arith.addf %gather3A_357, %gather3A_360 : vector<16xf32>
      %broadcast_in_dim3A_362 = arith.constant 2 : i32
      %broadcast_in_dim3A_363 = vector.broadcast %broadcast_in_dim3A_362 : i32 to vector<16xi32>
      %gather3A_364 = tpu.vector_load_idx %arg14[%add3A_354, %broadcast_in_dim3A_363] : memref<64x17xf32, #tpu.memory_space<vmem>>[vector<16xi32>, vector<16xi32>], vector<16xf32>,
      %add3A_365 = arith.addf %add3A_361, %gather3A_364 : vector<16xf32>
      %broadcast_in_dim3A_366 = arith.constant 3 : i32
      %broadcast_in_dim3A_367 = vector.broadcast %broadcast_in_dim3A_366 : i32 to vector<16xi32>
      %gather3A_368 = tpu.vector_load_idx %arg14[%add3A_354, %broadcast_in_dim3A_367] : memref<64x17xf32, #tpu.memory_space<vmem>>[vector<16xi32>, vector<16xi32>], vector<16xf32>,
      %add3A_369 = arith.addf %add3A_365, %gather3A_368 : vector<16xf32>
      %broadcast_in_dim3A_370 = arith.constant 4 : i32
      %broadcast_in_dim3A_371 = vector.broadcast %broadcast_in_dim3A_370 : i32 to vector<16xi32>
      %gather3A_372 = tpu.vector_load_idx %arg14[%add3A_354, %broadcast_in_dim3A_371] : memref<64x17xf32, #tpu.memory_space<vmem>>[vector<16xi32>, vector<16xi32>], vector<16xf32>,
      %add3A_373 = arith.addf %add3A_369, %gather3A_372 : vector<16xf32>
      %broadcast_in_dim3A_374 = arith.constant 5 : i32
      %broadcast_in_dim3A_375 = vector.broadcast %broadcast_in_dim3A_374 : i32 to vector<16xi32>
      %gather3A_376 = tpu.vector_load_idx %arg14[%add3A_354, %broadcast_in_dim3A_375] : memref<64x17xf32, #tpu.memory_space<vmem>>[vector<16xi32>, vector<16xi32>], vector<16xf32>,
      %add3A_377 = arith.addf %add3A_373, %gather3A_376 : vector<16xf32>
      %broadcast_in_dim3A_378 = arith.constant 6 : i32
      %broadcast_in_dim3A_379 = vector.broadcast %broadcast_in_dim3A_378 : i32 to vector<16xi32>
      %gather3A_380 = tpu.vector_load_idx %arg14[%add3A_354, %broadcast_in_dim3A_379] : memref<64x17xf32, #tpu.memory_space<vmem>>[vector<16xi32>, vector<16xi32>], vector<16xf32>,
      %add3A_381 = arith.addf %add3A_377, %gather3A_380 : vector<16xf32>
      %broadcast_in_dim3A_382 = arith.constant 7 : i32
      %broadcast_in_dim3A_383 = vector.broadcast %broadcast_in_dim3A_382 : i32 to vector<16xi32>
      %gather3A_384 = tpu.vector_load_idx %arg14[%add3A_354, %broadcast_in_dim3A_383] : memref<64x17xf32, #tpu.memory_space<vmem>>[vector<16xi32>, vector<16xi32>], vector<16xf32>,
      %add3A_385 = arith.addf %add3A_381, %gather3A_384 : vector<16xf32>
      %broadcast_in_dim3A_386 = arith.constant 8 : i32
      %broadcast_in_dim3A_387 = vector.broadcast %broadcast_in_dim3A_386 : i32 to vector<16xi32>
      %gather3A_388 = tpu.vector_load_idx %arg14[%add3A_354, %broadcast_in_dim3A_387] : memref<64x17xf32, #tpu.memory_space<vmem>>[vector<16xi32>, vector<16xi32>], vector<16xf32>,
      %add3A_389 = arith.addf %add3A_385, %gather3A_388 : vector<16xf32>
      %broadcast_in_dim3A_390 = arith.constant 9 : i32
      %broadcast_in_dim3A_391 = vector.broadcast %broadcast_in_dim3A_390 : i32 to vector<16xi32>
      %gather3A_392 = tpu.vector_load_idx %arg14[%add3A_354, %broadcast_in_dim3A_391] : memref<64x17xf32, #tpu.memory_space<vmem>>[vector<16xi32>, vector<16xi32>], vector<16xf32>,
      %add3A_393 = arith.addf %add3A_389, %gather3A_392 : vector<16xf32>
      %broadcast_in_dim3A_394 = arith.constant 10 : i32
      %broadcast_in_dim3A_395 = vector.broadcast %broadcast_in_dim3A_394 : i32 to vector<16xi32>
      %gather3A_396 = tpu.vector_load_idx %arg14[%add3A_354, %broadcast_in_dim3A_395] : memref<64x17xf32, #tpu.memory_space<vmem>>[vector<16xi32>, vector<16xi32>], vector<16xf32>,
      %add3A_397 = arith.addf %add3A_393, %gather3A_396 : vector<16xf32>
      %broadcast_in_dim3A_398 = arith.constant 11 : i32
      %broadcast_in_dim3A_399 = vector.broadcast %broadcast_in_dim3A_398 : i32 to vector<16xi32>
      %gather3A_400 = tpu.vector_load_idx %arg14[%add3A_354, %broadcast_in_dim3A_399] : memref<64x17xf32, #tpu.memory_space<vmem>>[vector<16xi32>, vector<16xi32>], vector<16xf32>,
      %add3A_401 = arith.addf %add3A_397, %gather3A_400 : vector<16xf32>
      %broadcast_in_dim3A_402 = arith.constant 12 : i32
      %broadcast_in_dim3A_403 = vector.broadcast %broadcast_in_dim3A_402 : i32 to vector<16xi32>
      %gather3A_404 = tpu.vector_load_idx %arg14[%add3A_354, %broadcast_in_dim3A_403] : memref<64x17xf32, #tpu.memory_space<vmem>>[vector<16xi32>, vector<16xi32>], vector<16xf32>,
      %add3A_405 = arith.addf %add3A_401, %gather3A_404 : vector<16xf32>
      %broadcast_in_dim3A_406 = arith.constant 13 : i32
      %broadcast_in_dim3A_407 = vector.broadcast %broadcast_in_dim3A_406 : i32 to vector<16xi32>
      %gather3A_408 = tpu.vector_load_idx %arg14[%add3A_354, %broadcast_in_dim3A_407] : memref<64x17xf32, #tpu.memory_space<vmem>>[vector<16xi32>, vector<16xi32>], vector<16xf32>,
      %add3A_409 = arith.addf %add3A_405, %gather3A_408 : vector<16xf32>
      %broadcast_in_dim3A_410 = arith.constant 14 : i32
      %broadcast_in_dim3A_411 = vector.broadcast %broadcast_in_dim3A_410 : i32 to vector<16xi32>
      %gather3A_412 = tpu.vector_load_idx %arg14[%add3A_354, %broadcast_in_dim3A_411] : memref<64x17xf32, #tpu.memory_space<vmem>>[vector<16xi32>, vector<16xi32>], vector<16xf32>,
      %add3A_413 = arith.addf %add3A_409, %gather3A_412 : vector<16xf32>
      %broadcast_in_dim3A_414 = arith.constant 15 : i32
      %broadcast_in_dim3A_415 = vector.broadcast %broadcast_in_dim3A_414 : i32 to vector<16xi32>
      %gather3A_416 = tpu.vector_load_idx %arg14[%add3A_354, %broadcast_in_dim3A_415] : memref<64x17xf32, #tpu.memory_space<vmem>>[vector<16xi32>, vector<16xi32>], vector<16xf32>,
      %add3A_417 = arith.addf %add3A_413, %gather3A_416 : vector<16xf32>
      %swap3A_418 = arith.constant 0 : index
      %swap3A_419 = tpu.vector_load %arg15[%swap3A_418] {strides = array<i32>} : memref<64xf32, #tpu.memory_space<vmem>>, vector<16xf32>,
      tpu.vector_store %arg15[%swap3A_418], %add3A_417 {strides = array<i32>} : memref<64xf32, #tpu.memory_space<vmem>>, vector<16xf32>,
      %add3A_420 = arith.constant 16 : i32
      %add3A_421 = vector.broadcast %add3A_420 : i32 to vector<16xi32>
      %add3A_422 = arith.addi %iota3A_351, %add3A_421 : vector<16xi32>
      %broadcast_in_dim3A_423 = arith.constant 0 : i32
      %broadcast_in_dim3A_424 = vector.broadcast %broadcast_in_dim3A_423 : i32 to vector<16xi32>
      %gather3A_425 = tpu.vector_load_idx %arg14[%add3A_422, %broadcast_in_dim3A_424] : memref<64x17xf32, #tpu.memory_space<vmem>>[vector<16xi32>, vector<16xi32>], vector<16xf32>,
      %broadcast_in_dim3A_426 = arith.constant 1 : i32
      %broadcast_in_dim3A_427 = vector.broadcast %broadcast_in_dim3A_426 : i32 to vector<16xi32>
      %gather3A_428 = tpu.vector_load_idx %arg14[%add3A_422, %broadcast_in_dim3A_427] : memref<64x17xf32, #tpu.memory_space<vmem>>[vector<16xi32>, vector<16xi32>], vector<16xf32>,
      %add3A_429 = arith.addf %gather3A_425, %gather3A_428 : vector<16xf32>
      %broadcast_in_dim3A_430 = arith.constant 2 : i32
      %broadcast_in_dim3A_431 = vector.broadcast %broadcast_in_dim3A_430 : i32 to vector<16xi32>
      %gather3A_432 = tpu.vector_load_idx %arg14[%add3A_422, %broadcast_in_dim3A_431] : memref<64x17xf32, #tpu.memory_space<vmem>>[vector<16xi32>, vector<16xi32>], vector<16xf32>,
      %add3A_433 = arith.addf %add3A_429, %gather3A_432 : vector<16xf32>
      %broadcast_in_dim3A_434 = arith.constant 3 : i32
      %broadcast_in_dim3A_435 = vector.broadcast %broadcast_in_dim3A_434 : i32 to vector<16xi32>
      %gather3A_436 = tpu.vector_load_idx %arg14[%add3A_422, %broadcast_in_dim3A_435] : memref<64x17xf32, #tpu.memory_space<vmem>>[vector<16xi32>, vector<16xi32>], vector<16xf32>,
      %add3A_437 = arith.addf %add3A_433, %gather3A_436 : vector<16xf32>
      %broadcast_in_dim3A_438 = arith.constant 4 : i32
      %broadcast_in_dim3A_439 = vector.broadcast %broadcast_in_dim3A_438 : i32 to vector<16xi32>
      %gather3A_440 = tpu.vector_load_idx %arg14[%add3A_422, %broadcast_in_dim3A_439] : memref<64x17xf32, #tpu.memory_space<vmem>>[vector<16xi32>, vector<16xi32>], vector<16xf32>,
      %add3A_441 = arith.addf %add3A_437, %gather3A_440 : vector<16xf32>
      %broadcast_in_dim3A_442 = arith.constant 5 : i32
      %broadcast_in_dim3A_443 = vector.broadcast %broadcast_in_dim3A_442 : i32 to vector<16xi32>
      %gather3A_444 = tpu.vector_load_idx %arg14[%add3A_422, %broadcast_in_dim3A_443] : memref<64x17xf32, #tpu.memory_space<vmem>>[vector<16xi32>, vector<16xi32>], vector<16xf32>,
      %add3A_445 = arith.addf %add3A_441, %gather3A_444 : vector<16xf32>
      %broadcast_in_dim3A_446 = arith.constant 6 : i32
      %broadcast_in_dim3A_447 = vector.broadcast %broadcast_in_dim3A_446 : i32 to vector<16xi32>
      %gather3A_448 = tpu.vector_load_idx %arg14[%add3A_422, %broadcast_in_dim3A_447] : memref<64x17xf32, #tpu.memory_space<vmem>>[vector<16xi32>, vector<16xi32>], vector<16xf32>,
      %add3A_449 = arith.addf %add3A_445, %gather3A_448 : vector<16xf32>
      %broadcast_in_dim3A_450 = arith.constant 7 : i32
      %broadcast_in_dim3A_451 = vector.broadcast %broadcast_in_dim3A_450 : i32 to vector<16xi32>
      %gather3A_452 = tpu.vector_load_idx %arg14[%add3A_422, %broadcast_in_dim3A_451] : memref<64x17xf32, #tpu.memory_space<vmem>>[vector<16xi32>, vector<16xi32>], vector<16xf32>,
      %add3A_453 = arith.addf %add3A_449, %gather3A_452 : vector<16xf32>
      %broadcast_in_dim3A_454 = arith.constant 8 : i32
      %broadcast_in_dim3A_455 = vector.broadcast %broadcast_in_dim3A_454 : i32 to vector<16xi32>
      %gather3A_456 = tpu.vector_load_idx %arg14[%add3A_422, %broadcast_in_dim3A_455] : memref<64x17xf32, #tpu.memory_space<vmem>>[vector<16xi32>, vector<16xi32>], vector<16xf32>,
      %add3A_457 = arith.addf %add3A_453, %gather3A_456 : vector<16xf32>
      %broadcast_in_dim3A_458 = arith.constant 9 : i32
      %broadcast_in_dim3A_459 = vector.broadcast %broadcast_in_dim3A_458 : i32 to vector<16xi32>
      %gather3A_460 = tpu.vector_load_idx %arg14[%add3A_422, %broadcast_in_dim3A_459] : memref<64x17xf32, #tpu.memory_space<vmem>>[vector<16xi32>, vector<16xi32>], vector<16xf32>,
      %add3A_461 = arith.addf %add3A_457, %gather3A_460 : vector<16xf32>
      %broadcast_in_dim3A_462 = arith.constant 10 : i32
      %broadcast_in_dim3A_463 = vector.broadcast %broadcast_in_dim3A_462 : i32 to vector<16xi32>
      %gather3A_464 = tpu.vector_load_idx %arg14[%add3A_422, %broadcast_in_dim3A_463] : memref<64x17xf32, #tpu.memory_space<vmem>>[vector<16xi32>, vector<16xi32>], vector<16xf32>,
      %add3A_465 = arith.addf %add3A_461, %gather3A_464 : vector<16xf32>
      %broadcast_in_dim3A_466 = arith.constant 11 : i32
      %broadcast_in_dim3A_467 = vector.broadcast %broadcast_in_dim3A_466 : i32 to vector<16xi32>
      %gather3A_468 = tpu.vector_load_idx %arg14[%add3A_422, %broadcast_in_dim3A_467] : memref<64x17xf32, #tpu.memory_space<vmem>>[vector<16xi32>, vector<16xi32>], vector<16xf32>,
      %add3A_469 = arith.addf %add3A_465, %gather3A_468 : vector<16xf32>
      %broadcast_in_dim3A_470 = arith.constant 12 : i32
      %broadcast_in_dim3A_471 = vector.broadcast %broadcast_in_dim3A_470 : i32 to vector<16xi32>
      %gather3A_472 = tpu.vector_load_idx %arg14[%add3A_422, %broadcast_in_dim3A_471] : memref<64x17xf32, #tpu.memory_space<vmem>>[vector<16xi32>, vector<16xi32>], vector<16xf32>,
      %add3A_473 = arith.addf %add3A_469, %gather3A_472 : vector<16xf32>
      %broadcast_in_dim3A_474 = arith.constant 13 : i32
      %broadcast_in_dim3A_475 = vector.broadcast %broadcast_in_dim3A_474 : i32 to vector<16xi32>
      %gather3A_476 = tpu.vector_load_idx %arg14[%add3A_422, %broadcast_in_dim3A_475] : memref<64x17xf32, #tpu.memory_space<vmem>>[vector<16xi32>, vector<16xi32>], vector<16xf32>,
      %add3A_477 = arith.addf %add3A_473, %gather3A_476 : vector<16xf32>
      %broadcast_in_dim3A_478 = arith.constant 14 : i32
      %broadcast_in_dim3A_479 = vector.broadcast %broadcast_in_dim3A_478 : i32 to vector<16xi32>
      %gather3A_480 = tpu.vector_load_idx %arg14[%add3A_422, %broadcast_in_dim3A_479] : memref<64x17xf32, #tpu.memory_space<vmem>>[vector<16xi32>, vector<16xi32>], vector<16xf32>,
      %add3A_481 = arith.addf %add3A_477, %gather3A_480 : vector<16xf32>
      %broadcast_in_dim3A_482 = arith.constant 15 : i32
      %broadcast_in_dim3A_483 = vector.broadcast %broadcast_in_dim3A_482 : i32 to vector<16xi32>
      %gather3A_484 = tpu.vector_load_idx %arg14[%add3A_422, %broadcast_in_dim3A_483] : memref<64x17xf32, #tpu.memory_space<vmem>>[vector<16xi32>, vector<16xi32>], vector<16xf32>,
      %add3A_485 = arith.addf %add3A_481, %gather3A_484 : vector<16xf32>
      %swap3A_486 = arith.constant 16 : index
      %swap3A_487 = tpu.vector_load %arg15[%swap3A_486] {strides = array<i32>} : memref<64xf32, #tpu.memory_space<vmem>>, vector<16xf32>,
      tpu.vector_store %arg15[%swap3A_486], %add3A_485 {strides = array<i32>} : memref<64xf32, #tpu.memory_space<vmem>>, vector<16xf32>,
      %add3A_488 = arith.constant 32 : i32
      %add3A_489 = vector.broadcast %add3A_488 : i32 to vector<16xi32>
      %add3A_490 = arith.addi %iota3A_351, %add3A_489 : vector<16xi32>
      %broadcast_in_dim3A_491 = arith.constant 0 : i32
      %broadcast_in_dim3A_492 = vector.broadcast %broadcast_in_dim3A_491 : i32 to vector<16xi32>
      %gather3A_493 = tpu.vector_load_idx %arg14[%add3A_490, %broadcast_in_dim3A_492] : memref<64x17xf32, #tpu.memory_space<vmem>>[vector<16xi32>, vector<16xi32>], vector<16xf32>,
      %broadcast_in_dim3A_494 = arith.constant 1 : i32
      %broadcast_in_dim3A_495 = vector.broadcast %broadcast_in_dim3A_494 : i32 to vector<16xi32>
      %gather3A_496 = tpu.vector_load_idx %arg14[%add3A_490, %broadcast_in_dim3A_495] : memref<64x17xf32, #tpu.memory_space<vmem>>[vector<16xi32>, vector<16xi32>], vector<16xf32>,
      %add3A_497 = arith.addf %gather3A_493, %gather3A_496 : vector<16xf32>
      %broadcast_in_dim3A_498 = arith.constant 2 : i32
      %broadcast_in_dim3A_499 = vector.broadcast %broadcast_in_dim3A_498 : i32 to vector<16xi32>
      %gather3A_500 = tpu.vector_load_idx %arg14[%add3A_490, %broadcast_in_dim3A_499] : memref<64x17xf32, #tpu.memory_space<vmem>>[vector<16xi32>, vector<16xi32>], vector<16xf32>,
      %add3A_501 = arith.addf %add3A_497, %gather3A_500 : vector<16xf32>
      %broadcast_in_dim3A_502 = arith.constant 3 : i32
      %broadcast_in_dim3A_503 = vector.broadcast %broadcast_in_dim3A_502 : i32 to vector<16xi32>
      %gather3A_504 = tpu.vector_load_idx %arg14[%add3A_490, %broadcast_in_dim3A_503] : memref<64x17xf32, #tpu.memory_space<vmem>>[vector<16xi32>, vector<16xi32>], vector<16xf32>,
      %add3A_505 = arith.addf %add3A_501, %gather3A_504 : vector<16xf32>
      %broadcast_in_dim3A_506 = arith.constant 4 : i32
      %broadcast_in_dim3A_507 = vector.broadcast %broadcast_in_dim3A_506 : i32 to vector<16xi32>
      %gather3A_508 = tpu.vector_load_idx %arg14[%add3A_490, %broadcast_in_dim3A_507] : memref<64x17xf32, #tpu.memory_space<vmem>>[vector<16xi32>, vector<16xi32>], vector<16xf32>,
      %add3A_509 = arith.addf %add3A_505, %gather3A_508 : vector<16xf32>
      %broadcast_in_dim3A_510 = arith.constant 5 : i32
      %broadcast_in_dim3A_511 = vector.broadcast %broadcast_in_dim3A_510 : i32 to vector<16xi32>
      %gather3A_512 = tpu.vector_load_idx %arg14[%add3A_490, %broadcast_in_dim3A_511] : memref<64x17xf32, #tpu.memory_space<vmem>>[vector<16xi32>, vector<16xi32>], vector<16xf32>,
      %add3A_513 = arith.addf %add3A_509, %gather3A_512 : vector<16xf32>
      %broadcast_in_dim3A_514 = arith.constant 6 : i32
      %broadcast_in_dim3A_515 = vector.broadcast %broadcast_in_dim3A_514 : i32 to vector<16xi32>
      %gather3A_516 = tpu.vector_load_idx %arg14[%add3A_490, %broadcast_in_dim3A_515] : memref<64x17xf32, #tpu.memory_space<vmem>>[vector<16xi32>, vector<16xi32>], vector<16xf32>,
      %add3A_517 = arith.addf %add3A_513, %gather3A_516 : vector<16xf32>
      %broadcast_in_dim3A_518 = arith.constant 7 : i32
      %broadcast_in_dim3A_519 = vector.broadcast %broadcast_in_dim3A_518 : i32 to vector<16xi32>
      %gather3A_520 = tpu.vector_load_idx %arg14[%add3A_490, %broadcast_in_dim3A_519] : memref<64x17xf32, #tpu.memory_space<vmem>>[vector<16xi32>, vector<16xi32>], vector<16xf32>,
      %add3A_521 = arith.addf %add3A_517, %gather3A_520 : vector<16xf32>
      %broadcast_in_dim3A_522 = arith.constant 8 : i32
      %broadcast_in_dim3A_523 = vector.broadcast %broadcast_in_dim3A_522 : i32 to vector<16xi32>
      %gather3A_524 = tpu.vector_load_idx %arg14[%add3A_490, %broadcast_in_dim3A_523] : memref<64x17xf32, #tpu.memory_space<vmem>>[vector<16xi32>, vector<16xi32>], vector<16xf32>,
      %add3A_525 = arith.addf %add3A_521, %gather3A_524 : vector<16xf32>
      %broadcast_in_dim3A_526 = arith.constant 9 : i32
      %broadcast_in_dim3A_527 = vector.broadcast %broadcast_in_dim3A_526 : i32 to vector<16xi32>
      %gather3A_528 = tpu.vector_load_idx %arg14[%add3A_490, %broadcast_in_dim3A_527] : memref<64x17xf32, #tpu.memory_space<vmem>>[vector<16xi32>, vector<16xi32>], vector<16xf32>,
      %add3A_529 = arith.addf %add3A_525, %gather3A_528 : vector<16xf32>
      %broadcast_in_dim3A_530 = arith.constant 10 : i32
      %broadcast_in_dim3A_531 = vector.broadcast %broadcast_in_dim3A_530 : i32 to vector<16xi32>
      %gather3A_532 = tpu.vector_load_idx %arg14[%add3A_490, %broadcast_in_dim3A_531] : memref<64x17xf32, #tpu.memory_space<vmem>>[vector<16xi32>, vector<16xi32>], vector<16xf32>,
      %add3A_533 = arith.addf %add3A_529, %gather3A_532 : vector<16xf32>
      %broadcast_in_dim3A_534 = arith.constant 11 : i32
      %broadcast_in_dim3A_535 = vector.broadcast %broadcast_in_dim3A_534 : i32 to vector<16xi32>
      %gather3A_536 = tpu.vector_load_idx %arg14[%add3A_490, %broadcast_in_dim3A_535] : memref<64x17xf32, #tpu.memory_space<vmem>>[vector<16xi32>, vector<16xi32>], vector<16xf32>,
      %add3A_537 = arith.addf %add3A_533, %gather3A_536 : vector<16xf32>
      %broadcast_in_dim3A_538 = arith.constant 12 : i32
      %broadcast_in_dim3A_539 = vector.broadcast %broadcast_in_dim3A_538 : i32 to vector<16xi32>
      %gather3A_540 = tpu.vector_load_idx %arg14[%add3A_490, %broadcast_in_dim3A_539] : memref<64x17xf32, #tpu.memory_space<vmem>>[vector<16xi32>, vector<16xi32>], vector<16xf32>,
      %add3A_541 = arith.addf %add3A_537, %gather3A_540 : vector<16xf32>
      %broadcast_in_dim3A_542 = arith.constant 13 : i32
      %broadcast_in_dim3A_543 = vector.broadcast %broadcast_in_dim3A_542 : i32 to vector<16xi32>
      %gather3A_544 = tpu.vector_load_idx %arg14[%add3A_490, %broadcast_in_dim3A_543] : memref<64x17xf32, #tpu.memory_space<vmem>>[vector<16xi32>, vector<16xi32>], vector<16xf32>,
      %add3A_545 = arith.addf %add3A_541, %gather3A_544 : vector<16xf32>
      %broadcast_in_dim3A_546 = arith.constant 14 : i32
      %broadcast_in_dim3A_547 = vector.broadcast %broadcast_in_dim3A_546 : i32 to vector<16xi32>
      %gather3A_548 = tpu.vector_load_idx %arg14[%add3A_490, %broadcast_in_dim3A_547] : memref<64x17xf32, #tpu.memory_space<vmem>>[vector<16xi32>, vector<16xi32>], vector<16xf32>,
      %add3A_549 = arith.addf %add3A_545, %gather3A_548 : vector<16xf32>
      %broadcast_in_dim3A_550 = arith.constant 15 : i32
      %broadcast_in_dim3A_551 = vector.broadcast %broadcast_in_dim3A_550 : i32 to vector<16xi32>
      %gather3A_552 = tpu.vector_load_idx %arg14[%add3A_490, %broadcast_in_dim3A_551] : memref<64x17xf32, #tpu.memory_space<vmem>>[vector<16xi32>, vector<16xi32>], vector<16xf32>,
      %add3A_553 = arith.addf %add3A_549, %gather3A_552 : vector<16xf32>
      %swap3A_554 = arith.constant 32 : index
      %swap3A_555 = tpu.vector_load %arg15[%swap3A_554] {strides = array<i32>} : memref<64xf32, #tpu.memory_space<vmem>>, vector<16xf32>,
      tpu.vector_store %arg15[%swap3A_554], %add3A_553 {strides = array<i32>} : memref<64xf32, #tpu.memory_space<vmem>>, vector<16xf32>,
      %add3A_556 = arith.constant 48 : i32
      %add3A_557 = vector.broadcast %add3A_556 : i32 to vector<16xi32>
      %add3A_558 = arith.addi %iota3A_351, %add3A_557 : vector<16xi32>
      %broadcast_in_dim3A_559 = arith.constant 0 : i32
      %broadcast_in_dim3A_560 = vector.broadcast %broadcast_in_dim3A_559 : i32 to vector<16xi32>
      %gather3A_561 = tpu.vector_load_idx %arg14[%add3A_558, %broadcast_in_dim3A_560] : memref<64x17xf32, #tpu.memory_space<vmem>>[vector<16xi32>, vector<16xi32>], vector<16xf32>,
      %broadcast_in_dim3A_562 = arith.constant 1 : i32
      %broadcast_in_dim3A_563 = vector.broadcast %broadcast_in_dim3A_562 : i32 to vector<16xi32>
      %gather3A_564 = tpu.vector_load_idx %arg14[%add3A_558, %broadcast_in_dim3A_563] : memref<64x17xf32, #tpu.memory_space<vmem>>[vector<16xi32>, vector<16xi32>], vector<16xf32>,
      %add3A_565 = arith.addf %gather3A_561, %gather3A_564 : vector<16xf32>
      %broadcast_in_dim3A_566 = arith.constant 2 : i32
      %broadcast_in_dim3A_567 = vector.broadcast %broadcast_in_dim3A_566 : i32 to vector<16xi32>
      %gather3A_568 = tpu.vector_load_idx %arg14[%add3A_558, %broadcast_in_dim3A_567] : memref<64x17xf32, #tpu.memory_space<vmem>>[vector<16xi32>, vector<16xi32>], vector<16xf32>,
      %add3A_569 = arith.addf %add3A_565, %gather3A_568 : vector<16xf32>
      %broadcast_in_dim3A_570 = arith.constant 3 : i32
      %broadcast_in_dim3A_571 = vector.broadcast %broadcast_in_dim3A_570 : i32 to vector<16xi32>
      %gather3A_572 = tpu.vector_load_idx %arg14[%add3A_558, %broadcast_in_dim3A_571] : memref<64x17xf32, #tpu.memory_space<vmem>>[vector<16xi32>, vector<16xi32>], vector<16xf32>,
      %add3A_573 = arith.addf %add3A_569, %gather3A_572 : vector<16xf32>
      %broadcast_in_dim3A_574 = arith.constant 4 : i32
      %broadcast_in_dim3A_575 = vector.broadcast %broadcast_in_dim3A_574 : i32 to vector<16xi32>
      %gather3A_576 = tpu.vector_load_idx %arg14[%add3A_558, %broadcast_in_dim3A_575] : memref<64x17xf32, #tpu.memory_space<vmem>>[vector<16xi32>, vector<16xi32>], vector<16xf32>,
      %add3A_577 = arith.addf %add3A_573, %gather3A_576 : vector<16xf32>
      %broadcast_in_dim3A_578 = arith.constant 5 : i32
      %broadcast_in_dim3A_579 = vector.broadcast %broadcast_in_dim3A_578 : i32 to vector<16xi32>
      %gather3A_580 = tpu.vector_load_idx %arg14[%add3A_558, %broadcast_in_dim3A_579] : memref<64x17xf32, #tpu.memory_space<vmem>>[vector<16xi32>, vector<16xi32>], vector<16xf32>,
      %add3A_581 = arith.addf %add3A_577, %gather3A_580 : vector<16xf32>
      %broadcast_in_dim3A_582 = arith.constant 6 : i32
      %broadcast_in_dim3A_583 = vector.broadcast %broadcast_in_dim3A_582 : i32 to vector<16xi32>
      %gather3A_584 = tpu.vector_load_idx %arg14[%add3A_558, %broadcast_in_dim3A_583] : memref<64x17xf32, #tpu.memory_space<vmem>>[vector<16xi32>, vector<16xi32>], vector<16xf32>,
      %add3A_585 = arith.addf %add3A_581, %gather3A_584 : vector<16xf32>
      %broadcast_in_dim3A_586 = arith.constant 7 : i32
      %broadcast_in_dim3A_587 = vector.broadcast %broadcast_in_dim3A_586 : i32 to vector<16xi32>
      %gather3A_588 = tpu.vector_load_idx %arg14[%add3A_558, %broadcast_in_dim3A_587] : memref<64x17xf32, #tpu.memory_space<vmem>>[vector<16xi32>, vector<16xi32>], vector<16xf32>,
      %add3A_589 = arith.addf %add3A_585, %gather3A_588 : vector<16xf32>
      %broadcast_in_dim3A_590 = arith.constant 8 : i32
      %broadcast_in_dim3A_591 = vector.broadcast %broadcast_in_dim3A_590 : i32 to vector<16xi32>
      %gather3A_592 = tpu.vector_load_idx %arg14[%add3A_558, %broadcast_in_dim3A_591] : memref<64x17xf32, #tpu.memory_space<vmem>>[vector<16xi32>, vector<16xi32>], vector<16xf32>,
      %add3A_593 = arith.addf %add3A_589, %gather3A_592 : vector<16xf32>
      %broadcast_in_dim3A_594 = arith.constant 9 : i32
      %broadcast_in_dim3A_595 = vector.broadcast %broadcast_in_dim3A_594 : i32 to vector<16xi32>
      %gather3A_596 = tpu.vector_load_idx %arg14[%add3A_558, %broadcast_in_dim3A_595] : memref<64x17xf32, #tpu.memory_space<vmem>>[vector<16xi32>, vector<16xi32>], vector<16xf32>,
      %add3A_597 = arith.addf %add3A_593, %gather3A_596 : vector<16xf32>
      %broadcast_in_dim3A_598 = arith.constant 10 : i32
      %broadcast_in_dim3A_599 = vector.broadcast %broadcast_in_dim3A_598 : i32 to vector<16xi32>
      %gather3A_600 = tpu.vector_load_idx %arg14[%add3A_558, %broadcast_in_dim3A_599] : memref<64x17xf32, #tpu.memory_space<vmem>>[vector<16xi32>, vector<16xi32>], vector<16xf32>,
      %add3A_601 = arith.addf %add3A_597, %gather3A_600 : vector<16xf32>
      %broadcast_in_dim3A_602 = arith.constant 11 : i32
      %broadcast_in_dim3A_603 = vector.broadcast %broadcast_in_dim3A_602 : i32 to vector<16xi32>
      %gather3A_604 = tpu.vector_load_idx %arg14[%add3A_558, %broadcast_in_dim3A_603] : memref<64x17xf32, #tpu.memory_space<vmem>>[vector<16xi32>, vector<16xi32>], vector<16xf32>,
      %add3A_605 = arith.addf %add3A_601, %gather3A_604 : vector<16xf32>
      %broadcast_in_dim3A_606 = arith.constant 12 : i32
      %broadcast_in_dim3A_607 = vector.broadcast %broadcast_in_dim3A_606 : i32 to vector<16xi32>
      %gather3A_608 = tpu.vector_load_idx %arg14[%add3A_558, %broadcast_in_dim3A_607] : memref<64x17xf32, #tpu.memory_space<vmem>>[vector<16xi32>, vector<16xi32>], vector<16xf32>,
      %add3A_609 = arith.addf %add3A_605, %gather3A_608 : vector<16xf32>
      %broadcast_in_dim3A_610 = arith.constant 13 : i32
      %broadcast_in_dim3A_611 = vector.broadcast %broadcast_in_dim3A_610 : i32 to vector<16xi32>
      %gather3A_612 = tpu.vector_load_idx %arg14[%add3A_558, %broadcast_in_dim3A_611] : memref<64x17xf32, #tpu.memory_space<vmem>>[vector<16xi32>, vector<16xi32>], vector<16xf32>,
      %add3A_613 = arith.addf %add3A_609, %gather3A_612 : vector<16xf32>
      %broadcast_in_dim3A_614 = arith.constant 14 : i32
      %broadcast_in_dim3A_615 = vector.broadcast %broadcast_in_dim3A_614 : i32 to vector<16xi32>
      %gather3A_616 = tpu.vector_load_idx %arg14[%add3A_558, %broadcast_in_dim3A_615] : memref<64x17xf32, #tpu.memory_space<vmem>>[vector<16xi32>, vector<16xi32>], vector<16xf32>,
      %add3A_617 = arith.addf %add3A_613, %gather3A_616 : vector<16xf32>
      %broadcast_in_dim3A_618 = arith.constant 15 : i32
      %broadcast_in_dim3A_619 = vector.broadcast %broadcast_in_dim3A_618 : i32 to vector<16xi32>
      %gather3A_620 = tpu.vector_load_idx %arg14[%add3A_558, %broadcast_in_dim3A_619] : memref<64x17xf32, #tpu.memory_space<vmem>>[vector<16xi32>, vector<16xi32>], vector<16xf32>,
      %add3A_621 = arith.addf %add3A_617, %gather3A_620 : vector<16xf32>
      %swap3A_622 = arith.constant 48 : index
      %swap3A_623 = tpu.vector_load %arg15[%swap3A_622] {strides = array<i32>} : memref<64xf32, #tpu.memory_space<vmem>>, vector<16xf32>,
      tpu.vector_store %arg15[%swap3A_622], %add3A_621 {strides = array<i32>} : memref<64xf32, #tpu.memory_space<vmem>>, vector<16xf32>,
      %add3A_624 = arith.constant 1 : i32
      %add3A_625 = arith.addi %mul3A_29, %add3A_624 : i32
      %mul3A_626 = arith.constant 64 : i32
      %mul3A_627 = arith.muli %add3A_625, %mul3A_626 : i32
      %add3A_628 = arith.addi %mul3A_2, %mul3A_627 : i32
      "tpu.region"() ({
        %run_scoped3A = tpu.sem_alloc : memref<!tpu.dma_semaphore, #tpu.memory_space<semaphore_mem>>
        %dma_start3A_629 = tpu.memref_slice %arg5[%add3A_628] : memref<327680xf32, #tpu.memory_space<hbm>> -> memref<64xf32, #tpu.memory_space<hbm>>
        %dma_start3A_630 = tpu.memref_slice %arg5[%add3A_628] : memref<327680xf32, #tpu.memory_space<hbm>> -> memref<64xf32, #tpu.memory_space<hbm>>
        tpu.enqueue_dma source(%arg15 : memref<64xf32, #tpu.memory_space<vmem>>) target(%dma_start3A_630 : memref<64xf32, #tpu.memory_space<hbm>>) target_semaphore(%run_scoped3A : memref<!tpu.dma_semaphore, #tpu.memory_space<semaphore_mem>>)
        %dma_wait3A_631 = tpu.memref_slice %arg5[%add3A_628] : memref<327680xf32, #tpu.memory_space<hbm>> -> memref<64xf32, #tpu.memory_space<hbm>>
        %dma_wait3A_632 = tpu.memref_slice %arg5[%add3A_628] : memref<327680xf32, #tpu.memory_space<hbm>> -> memref<64xf32, #tpu.memory_space<hbm>>
        tpu.wait_dma2 semaphore(%run_scoped3A : memref<!tpu.dma_semaphore, #tpu.memory_space<semaphore_mem>>) src(%arg15 : memref<64xf32, #tpu.memory_space<vmem>>) dst(%dma_wait3A_632 : memref<64xf32, #tpu.memory_space<hbm>>)
        tpu.yield
      }) : () -> ()
    }
    %scan3A_26 = arith.constant 80 : i32
    return
  }
}

</mosaic_0001>

<sc_bundles>
// kernel: kernel.3.cloned.1.call-start
scs
__scs_entry_jumppad:
0x0: {  	(pc) =	sbr.rel $0x88, $3  }
0x1: {  	(tag) =	ssettag $0x0;
	lr =	simm.s32 $0x1  }
0x2: {  	[smem:$0x3F9F] =	sst lr;
	_ =	strace $0xD0000000  }
0x3: {  	_ = 	snop  }
0x4: {  	_ = 	snop  }
0x5: {  	_ = 	snop  }
0x6: {  	_ = 	snop  }
0x7: {  	_ = 	snop  }
__scs_overlays_trampoline_lowered:
0x8: {  	[smem:$0x3FAE] =	sst s0  }
0x9: {  	[smem:$0x3FAF] =	sst s1  }
0xa: {  	[smem:$0x3FB0] =	sst s2  }
0xb: {  	[smem:$0x3FB1] =	sst s3  }
0xc: {  	[smem:$0x3FB2] =	sst s4  }
0xd: {  	[smem:$0x3FB3] =	sst s5  }
0xe: {  	[smem:$0x3FB4] =	sst s6  }
0xf: {  	[smem:$0x3FB5] =	sst s7  }
0x10: {  	[smem:$0x3FB6] =	sst s8  }
0x11: {  	[smem:$0x3FB7] =	sst s9;
	s0 =	simm.s32 @!p0 $0x0  }
0x12: {  	s1 =	sld [smem:$0x3F9D];
	s0 =	simm.s32 @p0 $0x1  }
0x13: {  	[smem:$0x3FB8] =	sst s0;
	s0 =	simm.s32 @!p1 $0x0  }
0x14: {  	s2 =	sld [smem:$0x3F9C];
	s0 =	simm.s32 @p1 $0x1  }
0x15: {  	[smem:$0x3FB9] =	sst s0;
	s0 =	simm.s32 @!p2 $0x0  }
0x16: {  	s3 =	sld [smem:$0x3FDB];
	s0 =	simm.s32 @p2 $0x1  }
0x17: {  	s4 =	simm.s32 $0x1BF5;
	[smem:$0x3FBB] =	sst s0  }
0x18: {  	s0 =	sld [smem:$0x3F9E];
	_ =	swait.ge [sflag:s4], $0x0  }
0x19: {  	s7 =	sld [smem:$0x3F9F]  }
0x1a: {  	s8 =	sadd.s32 $0xFFFFE003, lr  }
0x1b: {  	s9 =	sadd.s32 $0xFFFFFEF7, lr;
	s5 =	simm.s32 $0xFFFFFFFF;
	p2 =	slt.u32 s8, $0xFFFFF086  }
0x1c: {  	p1 =	slt.u32 s9, $0xF7A;
	s5 =	simm.s32 @!p2 $0x0  }
0x1d: {  	s5 =	simm.s32 @p1 $0x1;
	p0 =	seq.s32 s7, s2  }
0x1e: {  	s7 =	smul.u32 @!p0 $0xF7A, s2;
	p2 =	seq.s32 @!p0 s5, $0x0  }
0x1f: {  	s9 =	smul.u32 $0xF7A, s1;
	s8 =	simm.s32 @!p0 $0x1BF5;
	p2 =	por !p2, p0  }
0x20: {  	[sflag:s8] =	ssyncset.s32 @!p0 $0xFFFFF086;
	s6 =	sadd.s32 @!p0 s3, s7;
	s7 =	simm.s32 @!p0 $0x108  }
0x21: {  	s3 =	sadd.s32 s3, s9;
	s6 =	sadd.s32 @!p0 $0x88, s6;
	s7 =	simm.s32 @p2 $0x1082  }
0x22: {  	[simem:s7], [sflag:s8] =	dma.local @!p0 [hbm:s6], $0xF7A  }
0x23: {  	s9 =	sor.u32 $0xD0000000, s2;
	s6 =	simm.s32 $0x108;
	_ =	swait.ge @!p0 [sflag:s8], $0x0  }
0x24: {  	s3 =	sadd.s32 $0x88, s3;
	s6 =	simm.s32 @!p1 $0x1082;
	[sflag:s4] =	ssyncset.s32 $0xFFFFF086  }
0x25: {  	[simem:s6], [sflag:s4] =	dma.local [hbm:s3], $0xF7A  }
0x26: {  	[smem:$0x3F9F] =	sst s1;
	(tag) =	ssettag s2;
	_ =	strace s9  }
0x27: {  	s1 =	sld [smem:$0x3FAF]  }
0x28: {  	s2 =	sld [smem:$0x3FB0]  }
0x29: {  	s4 =	sld [smem:$0x3FB2]  }
0x2a: {  	p0 =	seq.s32 s5, $0x0;
	s5 =	sld [smem:$0x3FB3]  }
0x2b: {  	s6 =	sld [smem:$0x3FB4]  }
0x2c: {  	s7 =	sld [smem:$0x3FB5]  }
0x2d: {  	s3 =	simm.s32 $0x108;
	s8 =	sld [smem:$0x3FB6]  }
0x2e: {  	s3 =	simm.s32 @!p0 $0x1082;
	s9 =	sld [smem:$0x3FB7]  }
0x2f: {  	lr =	sadd.s32 s0, s3;
	s0 =	sld [smem:$0x3FAE]  }
0x30: {  	s3 =	sld [smem:$0x3FB1]  }
0x31: {  	[smem:$0x3FBA] =	sst s10  }
0x32: {  	s10 =	sld [smem:$0x3FB8];
	_ =	sdelay $0x3  }
0x33: {  	p0 =	seq.s32 s10, $0x1;
	s10 =	sld [smem:$0x3FBA];
	_ =	sdelay $0x3  }
0x34: {  	[smem:$0x3FBA] =	sst s10  }
0x35: {  	s10 =	sld [smem:$0x3FB9];
	_ =	sdelay $0x3  }
0x36: {  	p1 =	seq.s32 s10, $0x1;
	s10 =	sld [smem:$0x3FBA];
	_ =	sdelay $0x3  }
0x37: {  	[smem:$0x3FBA] =	sst s10  }
0x38: {  	s10 =	sld [smem:$0x3FBB]  }
0x39: {  	_ = 	snop;
	(pc) =	sbr.ind lr, $3  }
0x3a: {  	_ = 	snop  }
0x3b: {  	_ = 	snop  }
0x3c: {  	p2 =	seq.s32 s10, $0x1;
	s10 =	sld [smem:$0x3FBA]  }
0x3d: {  	_ =	shalt  }
0x3e: {  	_ =	shalt  }
0x3f: {  	_ =	shalt  }
0x40: {  	_ =	shalt  }
0x41: {  	_ =	shalt  }
0x42: {  	_ =	shalt  }
0x43: {  	_ =	shalt  }
0x44: {  	_ =	shalt  }
0x45: {  	_ =	shalt  }
0x46: {  	_ =	shalt  }
0x47: {  	_ =	shalt  }
0x48: {  	_ =	shalt  }
0x49: {  	_ =	shalt  }
0x4a: {  	_ =	shalt  }
0x4b: {  	_ =	shalt  }
0x4c: {  	_ =	shalt  }
0x4d: {  	_ =	shalt  }
0x4e: {  	_ =	shalt  }
0x4f: {  	_ =	shalt  }
0x50: {  	_ =	shalt  }
0x51: {  	_ =	shalt  }
0x52: {  	_ =	shalt  }
0x53: {  	_ =	shalt  }
0x54: {  	_ =	shalt  }
0x55: {  	_ =	shalt  }
0x56: {  	_ =	shalt  }
0x57: {  	_ =	shalt  }
0x58: {  	_ =	shalt  }
0x59: {  	_ =	shalt  }
0x5a: {  	_ =	shalt  }
0x5b: {  	_ =	shalt  }
0x5c: {  	_ =	shalt  }
0x5d: {  	_ =	shalt  }
0x5e: {  	_ =	shalt  }
0x5f: {  	_ =	shalt  }
0x60: {  	_ =	shalt  }
0x61: {  	_ =	shalt  }
0x62: {  	_ =	shalt  }
0x63: {  	_ =	shalt  }
0x64: {  	_ =	shalt  }
0x65: {  	_ =	shalt  }
0x66: {  	_ =	shalt  }
0x67: {  	_ =	shalt  }
0x68: {  	_ =	shalt  }
0x69: {  	_ =	shalt  }
0x6a: {  	_ =	shalt  }
0x6b: {  	_ =	shalt  }
0x6c: {  	_ =	shalt  }
0x6d: {  	_ =	shalt  }
0x6e: {  	_ =	shalt  }
0x6f: {  	_ =	shalt  }
0x70: {  	_ =	shalt  }
0x71: {  	_ =	shalt  }
0x72: {  	_ =	shalt  }
0x73: {  	_ =	shalt  }
0x74: {  	_ =	shalt  }
0x75: {  	_ =	shalt  }
0x76: {  	_ =	shalt  }
0x77: {  	_ =	shalt  }
0x78: {  	_ =	shalt  }
0x79: {  	_ =	shalt  }
0x7a: {  	_ =	shalt  }
0x7b: {  	_ =	shalt  }
0x7c: {  	_ =	shalt  }
0x7d: {  	_ =	shalt  }
0x7e: {  	_ =	shalt  }
0x7f: {  	_ =	shalt  }
0x80: {  	_ =	shalt  }
0x81: {  	_ =	shalt  }
0x82: {  	_ =	shalt  }
0x83: {  	_ =	shalt  }
0x84: {  	_ =	shalt  }
0x85: {  	_ =	shalt  }
0x86: {  	_ =	shalt  }
0x87: {  	_ =	shalt  }
.Lfunc_end0:
.L_simem_size_0:
called_computation_lowered:
.L_overlay_start_0:
0x88: {  	s2 =	sld [smem:$0x3FD9]  }
0x89: {  	s3 =	sld [smem:$0x3FFE];
	_ =	sdelay $0x1  }
0x8a: {  	s1 =	srdreg.scid  }
0x8b: {  	s0 =	sand.u32 $0x1, s1  }
0x8c: {  	s17 =	sshll.u32 s0, $0xA;
	s2 =	sadd.s32 s3, s2  }
0x8d: {  	s2 =	sadd.s32 s2, s17  }
0x8e: {  	[smem:$0x3FC6] =	sst s2  }
0x8f: {  	_ = 	snop  }
0x90: {  	s2 =	sld [smem:$0x3FC8];
	(tm) =	ssettm $0x1  }
0x91: {  	s18 =	sld [smem:$0x3FFB];
	_ =	sdelay $0x3  }
0x92: {  	_ =	strace s18  }
0x93: {  	s3 =	sld [smem:$0x3FFC];
	_ =	sdelay $0x3  }
0x94: {  	_ =	strace s3  }
0x95: {  	s3 =	sld [smem:$0x3FFD];
	_ =	sdelay $0x3  }
0x96: {  	_ =	strace s3  }
0x97: {  	_ =	strace $0x8FFFFFFF  }
0x98: {  	s19 =	sld [smem:$0x3FDB];
	_ =	sdelay $0x1  }
0x99: {  	s4 =	simm.s32 $_scs_section_size  }
0x9a: {  	s5 =	simm.s32 $_size__tile_overlayer_lowered;
	s6 =	simm.s32 $_tile_overlayer_lowered  }
0x9b: {  	s22 =	simm.s32 $0x1BFF;
	s21 =	sshll.u32 s6, $0x1;
	s3 =	sadd.s32 s4, s19  }
0x9c: {  	s7 =	simm.s32 $0x0;
	s20 =	sshll.u32 s5, $0x1;
	s5 =	sadd.s32 s21, s3  }
0x9d: {  	[timem:s7], [sflag:s22] =	dma.local [hbm:s5], s20  }
0x9e: {  	_ =	swait.ge [sflag:s22], s20  }
0x9f: {  	s4 =	ssub.s32 $0x0, s20;
	[sflag:s22] =	ssyncset.done $0x0  }
0xa0: {  	[sflag:s22] =	ssyncadd.s32 s4;
	_ =	sdelay $0x1  }
0xa1: {  	s23 =	simm.s32 $0x1B8B  }
0xa2: {  	_ =	swait.ge [sflag:s23], $0x1  }
0xa3: {  	[sflag:s23] =	ssyncset.done $0x0  }
0xa4: {  	s25 =	simm.s32 $0x1B8E;
	s24 =	sld [smem:$0x3FFE];
	[sflag:s23] =	ssyncadd.s32 $0xFFFFFFFF  }
0xa5: {  	s26 =	simm.s32 $execute0_lowered;
	[smem:$0x3FD2] =	sst s25  }
0xa6: {  	s5 =	sshll.u32 s26, $0x1;
	_ =	strace $0x80000046;
	[dreg:$0x1] =	wrdreg $0xFFFFFFFF  }
0xa7: {  	s28 =	simm.s32 $_size_execute0_lowered;
	s3 =	sadd.s32 s3, s5;
	[dreg:$0x0] =	wrdreg $0x0  }
0xa8: {  	s5 =	sshll.u32 s28, $0x1;
	[dreg:$0x2] =	wrdreg s3  }
0xa9: {  	[dreg:$0x3] =	wrdreg s5  }
0xaa: {  	[dreg:$0x4] =	wrdreg $0xC0  }
0xab: {  	_ =	task [dreg:s7], $0x5FFFF  }
0xac: {  	[dreg:$0x1] =	wrdreg $0xFFFFFFFF  }
0xad: {  	[dreg:$0x0] =	wrdreg $0x60  }
0xae: {  	[dreg:$0x2] =	wrdreg s24  }
0xaf: {  	[dreg:$0x3] =	wrdreg s2  }
0xb0: {  	[dreg:$0x4] =	wrdreg $0xA2800  }
0xb1: {  	[dreg:$0x5] =	wrdreg $0x9  }
0xb2: {  	_ =	task.clear_ibuf [dreg:s7], $0x6FFFF;
	_ =	strace $0x90000046  }
0xb3: {  	s29 =	simm.s32 $0x9;
	_ =	strace $0x80000048  }
0xb4: {  	_ =	swait.ge [sflag:s29], $0x1  }
0xb5: {  	[sflag:s29] =	ssyncadd.s32 $0xFFFFFFFF  }
0xb6: {  	_ =	strace $0x90000048  }
0xb7: {  	_ =	sfence  }
0xb8: {  	s30 =	sld [smem:$0x0];
	_ =	sdelay $0x2  }
0xb9: {  	s31 =	sshll.u32 s1, $0xD;
	s1 =	sshrl.u32 s1, $0x2  }
0xba: {  	s3 =	sand.u32 $0x4000, s31;
	s1 =	sadd.s32 s1, s30  }
0xbb: {  	s0 =	sor.u32 s3, s0;
	s1 =	sshll.u32 s1, $0x11  }
0xbc: {  	s0 =	sor.u32 s1, s0  }
0xbd: {  	s0 =	sadd.s32 $0x8F2B, s0  }
0xbe: {  	[sflag:s0] =	ssyncadd.remote.s32 $0x1  }
0xbf: {  	_ =	sfence.sel $0xFFFF  }
0xc0: {  	[dreg:$0x0] =	wrdreg $0xFFFFFFFF;
	(pc) =	sbr.abs _section_cstart, $3  }
0xc1: {  	[dreg:$0x1] =	wrdreg $0xFFFFFFFF  }
0xc2: {  	_ =	task.clear_ibuf [dreg:s7], $0x2FFFF;
	_ =	strace $0x9FFFFFFF  }
0xc3: {  	(tm) =	ssettm $0x7FFFFFFF  }
tec
execute0_lowered:
.L_overlay_start_1:
0x0: {  	(tag) =	ssettag $0x1  }
0x1: {  	v0 =	vlaneseq.u32  }
0x2: {  	v0 =	vmul.u32 $0x80, v0;
	_ =	sdelay $0x1  }
0x3: {  	v1 =	vor.u32 $0x1, v0;
	v10 =	vor.u32 $0xA, v0;
	v11 =	vor.u32 $0xB, v0  }
0x4: {  	s0 =	rddreg [dreg:$0x0];
	v12 =	vor.u32 $0xC, v0;
	v13 =	vor.u32 $0xD, v0;
	v14 =	vor.u32 $0xE, v0  }
0x5: {  	s1 =	rddreg [dreg:$0x1];
	v15 =	vor.u32 $0xF, v0;
	v16 =	vor.u32 $0x800, v0;
	v17 =	vor.u32 $0x801, v0  }
0x6: {  	s2 =	rddreg [dreg:$0x2];
	s3 =	simm.s32 $0x0;
	s4 =	srdreg.scid;
	v18 =	vor.u32 $0x802, v0;
	v19 =	vor.u32 $0x803, v0;
	v20 =	vor.u32 $0x804, v0  }
0x7: {  	s12 =	stileid.u32;
	s20 =	simm.s32 $0x3;
	s28 =	simm.s32 $0x180;
	v21 =	vor.u32 $0x805, v0;
	v22 =	vor.u32 $0x806, v0;
	v23 =	vor.u32 $0x807, v0  }
0x8: {  	s29 =	simm.s32 $0x4200;
	s30 =	simm.s32 $0x6200;
	s31 =	simm.s32 $0x1;
	v24 =	vor.u32 $0x808, v0;
	v25 =	vor.u32 $0x809, v0;
	[tilespmem:$0x1FF70] =	vst v1;
	v1 =	vor.u32 $0x2, v0  }
0x9: {  	[smem:$0x7FF] =	sst s3;
	s4 =	sand.u32 $0x1, s4;
	s8 =	smul.u32 $0x4E000, s12;
	v26 =	vor.u32 $0x80A, v0;
	v27 =	vor.u32 $0x80B, v0;
	[tilespmem:$0x1FF80] =	vst v1;
	v1 =	vor.u32 $0x3, v0  }
0xa: {  	s6 =	sshll.u32 s12, $0x1;
	s5 =	sadd.s32 $0xA000, s0;
	s10 =	smul.u32 $0x2700, s12;
	v28 =	vor.u32 $0x80C, v0;
	v29 =	vor.u32 $0x80D, v0;
	[tilespmem:$0x1FF90] =	vst v1;
	v1 =	vor.u32 $0x4, v0  }
0xb: {  	s22 =	sshll.u32 s12, $0x6;
	s11 =	sadd.s32 $0x138000, s2;
	p0 =	sne.s32 s12, $0xF;
	v30 =	vor.u32 $0x80E, v0;
	v31 =	vor.u32 $0x80F, v0;
	[tilespmem:$0x1FFA0] =	vst v1;
	v1 =	vor.u32 $0x5, v0  }
0xc: {  	s7 =	sor.u32 s4, s6;
	s6 =	sadd.s32 $0x14000, s0;
	s4 =	ssub.s32 $0x2, s4;
	v32 =	vor.u32 $0x1000, v0;
	v33 =	vor.u32 $0x1001, v0;
	[tilespmem:$0x1FFB0] =	vst v1;
	v1 =	vor.u32 $0x6, v0  }
0xd: {  	s21 =	sshrl.u32 @!p0 s11, $0x3;
	s7 =	smul.u32 $0x2800, s7;
	s9 =	sshrl.u32 s4, $0x1;
	v34 =	vor.u32 $0x1002, v0;
	v35 =	vor.u32 $0x1003, v0;
	[tilespmem:$0x1FFC0] =	vst v1;
	v1 =	vor.u32 $0x7, v0  }
0xe: {  	s8 =	sshrl.u32 s8, $0x2;
	s10 =	sadd.s32 s1, s10;
	v36 =	vor.u32 $0x1004, v0;
	s1 =	sadd.s32 $0x27000, s1;
	v37 =	vor.u32 $0x1005, v0;
	[tilespmem:$0x1FFD0] =	vst v1;
	v1 =	vor.u32 $0x8, v0  }
0xf: {  	v38 =	vor.u32 $0x1006, v0;
	v39 =	vor.u32 $0x1007, v0;
	s4 =	ssub.s32 s4, s9;
	s8 =	sadd.s32 s8, s2;
	s9 =	sor.u32 $0x1C03, s22;
	[tilespmem:$0x1FFE0] =	vst v1;
	v1 =	vor.u32 $0x9, v0  }
0x10: {  	v40 =	vor.u32 $0x1008, v0;
	v41 =	vor.u32 $0x1009, v0;
	v42 =	vor.u32 $0x100A, v0;
	s23 =	sshrl.u32 s7, $0x3;
	s15 =	sor.u32 $0x80, s7;
	s16 =	sor.u32 $0xC0, s7;
	[tilespmem:$0x1FFF0] =	vst v1  }
0x11: {  	v43 =	vor.u32 $0x100B, v0;
	v44 =	vor.u32 $0x100C, v0;
	v45 =	vor.u32 $0x100D, v0;
	s17 =	sor.u32 $0x40, s7;
	_ =	strace $0x80000047;
	[dreg:$0x4] =	wrdreg s10  }
0x12: {  	v46 =	vor.u32 $0x100E, v0;
	v47 =	vor.u32 $0x100F, v0;
	v48 =	vor.u32 $0x1800, v0;
	s24 =	sor.u32 $0x8, s23;
	s13 =	sadd.s32 s5, s23;
	[dreg:$0x5] =	wrdreg s1  }
0x13: {  	v49 =	vor.u32 $0x1801, v0;
	v50 =	vor.u32 $0x1802, v0;
	v51 =	vor.u32 $0x1803, v0;
	s26 =	smax.u32 s4, $0x1;
	s25 =	sadd.s32 s5, s24;
	[dreg:$0x6] =	wrdreg s13  }
0x14: {  	v52 =	vor.u32 $0x1804, v0;
	v53 =	vor.u32 $0x1805, v0;
	v54 =	vor.u32 $0x1806, v0;
	s19 =	sshrl.u32 s8, $0x3;
	s4 =	simm.s32 $0xA200;
	[dreg:$0x8] =	wrdreg s25  }
0x15: {  	v55 =	vor.u32 $0x1807, v0;
	v56 =	vor.u32 $0x1808, v0;
	v57 =	vor.u32 $0x1809, v0;
	s10 =	sadd.s32 s0, s23;
	s1 =	sadd.s32 s0, s24;
	[dreg:$0xa] =	wrdreg s26  }
0x16: {  	v58 =	vor.u32 $0x180A, v0;
	v59 =	vor.u32 $0x180B, v0;
	v60 =	vor.u32 $0x180C, v0;
	s23 =	simm.s32 $0x40;
	s26 =	simm.s32 $0x100;
	[dreg:$0x7] =	wrdreg s10  }
0x17: {  	v61 =	vor.u32 $0x180D, v0;
	v62 =	vor.u32 $0x180E, v0;
	v63 =	vor.u32 $0x180F, v0;
	s24 =	simm.s32 $0x0;
	[dreg:$0x9] =	wrdreg s1;
	s1 =	simm.s32 $0x8200  }
.LBB2_1:
0x18: {  	s8 =	rddreg [dreg:$0x4]  }
0x19: {  	[spmem:s19], [sflag:s9] =	dma.local [hbm:s8], $0x2700  }
0x1a: {  	_ =	swait.ge [sflag:s20], $0x2700  }
0x1b: {  	[sflag:s20] =	ssyncset.done $0x0  }
0x1c: {  	s8 =	rddreg [dreg:$0x5];
	[sflag:s20] =	ssyncadd.s32 $0xFFFFD900  }
0x1d: {  	[spmem:s21], [sflag:s9] =	dma.local @!p0 [hbm:s8], $0x100  }
0x1e: {  	s8 =	simm.s32 @!p0 $0x3  }
0x1f: {  	_ =	swait.ge @!p0 [sflag:s8], $0x100  }
0x20: {  	[sflag:s8] =	ssyncset.done @!p0 $0x0  }
0x21: {  	[sflag:s8] =	ssyncadd.s32 @!p0 $0xFFFFFF00  }
0x22: {  	[bflag:$0x0] =	sbarrier.arrive $0xFFFF  }
0x23: {  	s12 =	rddreg [dreg:$0x6]  }
0x24: {  	[tilespmem:s3], [sflag:$0x3] =	stream.linear.gather [hbm4b:s12+s3], $0x40, $0x38;
	[tilespmem:$0x1DB00] =	vst v63  }
0x25: {  	_ =	swait.ge [sflag:s20], $0x40  }
0x26: {  	[sflag:s20] =	ssyncset.done $0x0  }
0x27: {  	s10 =	simm.s32 $0x80;
	s13 =	rddreg [dreg:$0x7];
	[sflag:s20] =	ssyncadd.s32 $0xFFFFFFC0  }
0x28: {  	[tilespmem:s10], [sflag:$0x3] =	stream.linear.gather [hbm4b:s13+s3], $0x40, $0x38;
	[tilespmem:$0x1DB00] =	vst v63  }
0x29: {  	_ =	swait.ge [sflag:s20], $0x40  }
0x2a: {  	[sflag:s20] =	ssyncset.done $0x0  }
0x2b: {  	s14 =	simm.s32 $0x200;
	[sflag:s20] =	ssyncadd.s32 $0xFFFFFFC0  }
0x2c: {  	[tilespmem:s14], [sflag:$0x1] =	stream.indirect.gather [spmem:s2], $0x80, s3, s23, $0xb8;
	[tilespmem:$0x1DB00] =	vst v63  }
0x2d: {  	s18 =	simm.s32 $0x2200  }
0x2e: {  	[tilespmem:s18], [sflag:$0x1] =	stream.indirect.gather [spmem:s2], $0x80, s10, s23, $0xb8;
	[tilespmem:$0x1DB00] =	vst v63  }
0x2f: {  	s22 =	rddreg [dreg:$0x8]  }
0x30: {  	[tilespmem:s26], [sflag:$0x3] =	stream.linear.gather [hbm4b:s22+s3], $0x40, $0x38;
	[tilespmem:$0x1DB00] =	vst v63  }
0x31: {  	_ =	swait.ge [sflag:s20], $0x40  }
0x32: {  	[sflag:s20] =	ssyncset.done $0x0  }
0x33: {  	s25 =	rddreg [dreg:$0x9];
	[sflag:s20] =	ssyncadd.s32 $0xFFFFFFC0  }
0x34: {  	[tilespmem:s28], [sflag:$0x3] =	stream.linear.gather [hbm4b:s25+s3], $0x40, $0x38;
	[tilespmem:$0x1DB00] =	vst v63  }
0x35: {  	_ =	swait.ge [sflag:s20], $0x40  }
0x36: {  	[sflag:s20] =	ssyncset.done $0x0  }
0x37: {  	s8 =	simm.s32 $0x0;
	[sflag:s20] =	ssyncadd.s32 $0xFFFFFFC0  }
.LBB2_2:
0x38: {  	[tilespmem:s29], [sflag:$0x2] =	stream.indirect.gather [spmem:s2], $0x80, s26, s23, $0xb8;
	[tilespmem:$0x1DB00] =	vst v63  }
0x39: {  	_ = 	snop  }
0x3a: {  	[tilespmem:s30], [sflag:$0x2] =	stream.indirect.gather [spmem:s2], $0x80, s28, s23, $0xb8;
	[tilespmem:$0x1DB00] =	vst v63  }
0x3b: {  	_ =	swait.ge [sflag:s31], $0x2000  }
0x3c: {  	[sflag:s31] =	ssyncset.done $0x0  }
0x3d: {  	s25 =	sshll.u32 s8, $0x7;
	p1 =	seq.s32 s8, $0x4F;
	[sflag:s31] =	ssyncadd.s32 $0xFFFFE000  }
0x3e: {  	s10 =	sadd.s32 @!p1 s25, s15;
	_ =	swait.ge [sflag:s31], $0x2000  }
0x3f: {  	s10 =	sshrl.u32 @!p1 s10, $0x3;
	[sflag:s31] =	ssyncset.done $0x0  }
0x40: {  	s12 =	simm.s32 @!p1 $0x0;
	s11 =	sadd.s32 @!p1 s5, s10;
	[sflag:s31] =	ssyncadd.s32 $0xFFFFE000  }
0x41: {  	[tilespmem:s12], [sflag:$0x3] =	stream.linear.gather @!p1 [hbm4b:s11+s12], $0x40, $0x38;
	[tilespmem:$0x1DB00] =	vst v63  }
0x42: {  	s11 =	simm.s32 @!p1 $0x3  }
0x43: {  	_ =	swait.ge @!p1 [sflag:s11], $0x40  }
0x44: {  	[sflag:s11] =	ssyncset.done @!p1 $0x0  }
0x45: {  	s13 =	simm.s32 @!p1 $0x80;
	s10 =	sadd.s32 @!p1 s0, s10;
	[sflag:s11] =	ssyncadd.s32 @!p1 $0xFFFFFFC0  }
0x46: {  	[tilespmem:s13], [sflag:$0x3] =	stream.linear.gather @!p1 [hbm4b:s10+s12], $0x40, $0x38;
	[tilespmem:$0x1DB00] =	vst v63  }
0x47: {  	_ =	swait.ge @!p1 [sflag:s11], $0x40  }
0x48: {  	[sflag:s11] =	ssyncset.done @!p1 $0x0  }
0x49: {  	s10 =	simm.s32 $0x400;
	[sflag:s11] =	ssyncadd.s32 @!p1 $0xFFFFFFC0  }
0x4a: {  	s22 =	simm.s32 $0x2400;
	v1 =	vld [tilespmem:s10+$0xFFFFFE00]  }
0x4b: {  	v2 =	vld [tilespmem:s22+$0xFFFFFE10]  }
0x4c: {  	v3 =	vld [tilespmem:s10+$0xFFFFFE10]  }
0x4d: {  	v4 =	vld [tilespmem:s22+$0xFFFFFE00]  }
0x4e: {  	v5 =	vld [tilespmem:s22+$0xFFFFFE20]  }
0x4f: {  	v6 =	vld [tilespmem:s10+$0xFFFFFE20]  }
0x50: {  	v7 =	vld [tilespmem:s22+$0xFFFFFE30]  }
0x51: {  	v8 =	vld [tilespmem:s10+$0xFFFFFE30]  }
0x52: {  	v2 =	vmul.f32 v2, v3;
	v1 =	vmul.f32 v4, v1;
	v3 =	vld [tilespmem:s22+$0xFFFFFE40]  }
0x53: {  	v4 =	vld [tilespmem:s10+$0xFFFFFE40]  }
0x54: {  	v1 =	vadd.f32 v2, v1;
	v2 =	vmul.f32 v5, v6;
	v5 =	vld [tilespmem:s22+$0xFFFFFE50]  }
0x55: {  	v6 =	vld [tilespmem:s10+$0xFFFFFE50]  }
0x56: {  	v1 =	vadd.f32 v2, v1;
	v2 =	vmul.f32 v7, v8;
	v7 =	vld [tilespmem:s22+$0xFFFFFE60]  }
0x57: {  	v8 =	vld [tilespmem:s10+$0xFFFFFE60]  }
0x58: {  	v1 =	vadd.f32 v2, v1;
	v2 =	vmul.f32 v3, v4;
	v3 =	vld [tilespmem:s22+$0xFFFFFE70]  }
0x59: {  	v4 =	vld [tilespmem:s10+$0xFFFFFE70]  }
0x5a: {  	v1 =	vadd.f32 v2, v1;
	v2 =	vmul.f32 v5, v6;
	_ =	sdelay $0x1  }
0x5b: {  	v1 =	vadd.f32 v2, v1;
	v2 =	vmul.f32 v7, v8;
	_ =	sdelay $0x1  }
0x5c: {  	v1 =	vadd.f32 v2, v1;
	v2 =	vmul.f32 v3, v4;
	_ =	sdelay $0x1  }
0x5d: {  	v1 =	vadd.f32 v2, v1  }
0x5e: {  	s11 =	simm.s32 $0x8400  }
0x5f: {  	[tilespmem:s11+$0xFFFFFE00] =	vst v1  }
0x60: {  	v1 =	vld [tilespmem:s22+$0xFFFFFE90]  }
0x61: {  	v2 =	vld [tilespmem:s10+$0xFFFFFE80]  }
0x62: {  	v3 =	vld [tilespmem:s10+$0xFFFFFE90]  }
0x63: {  	v4 =	vld [tilespmem:s22+$0xFFFFFE80]  }
0x64: {  	v5 =	vld [tilespmem:s22+$0xFFFFFEA0]  }
0x65: {  	v6 =	vld [tilespmem:s10+$0xFFFFFEA0]  }
0x66: {  	v7 =	vld [tilespmem:s22+$0xFFFFFEB0]  }
0x67: {  	v8 =	vld [tilespmem:s10+$0xFFFFFEB0]  }
0x68: {  	v1 =	vmul.f32 v1, v3;
	v2 =	vmul.f32 v4, v2;
	v3 =	vld [tilespmem:s22+$0xFFFFFEC0]  }
0x69: {  	v4 =	vld [tilespmem:s10+$0xFFFFFEC0]  }
0x6a: {  	v1 =	vadd.f32 v1, v2;
	v2 =	vmul.f32 v5, v6;
	v5 =	vld [tilespmem:s22+$0xFFFFFED0]  }
0x6b: {  	v6 =	vld [tilespmem:s10+$0xFFFFFED0]  }
0x6c: {  	v1 =	vadd.f32 v2, v1;
	v2 =	vmul.f32 v7, v8;
	v7 =	vld [tilespmem:s22+$0xFFFFFEE0]  }
0x6d: {  	v8 =	vld [tilespmem:s10+$0xFFFFFEE0]  }
0x6e: {  	v1 =	vadd.f32 v2, v1;
	v2 =	vmul.f32 v3, v4;
	v3 =	vld [tilespmem:s22+$0xFFFFFEF0]  }
0x6f: {  	v4 =	vld [tilespmem:s10+$0xFFFFFEF0]  }
0x70: {  	v1 =	vadd.f32 v2, v1;
	v2 =	vmul.f32 v5, v6;
	_ =	sdelay $0x1  }
0x71: {  	v1 =	vadd.f32 v2, v1;
	v2 =	vmul.f32 v7, v8;
	_ =	sdelay $0x1  }
0x72: {  	v1 =	vadd.f32 v2, v1;
	v2 =	vmul.f32 v3, v4;
	_ =	sdelay $0x1  }
0x73: {  	v1 =	vadd.f32 v2, v1;
	_ =	sdelay $0x1  }
0x74: {  	[tilespmem:s11+$0xFFFFFE80] =	vst v1  }
0x75: {  	v1 =	vld [tilespmem:s10+$0xFFFFFF00]  }
0x76: {  	v2 =	vld [tilespmem:s22+$0xFFFFFF00]  }
0x77: {  	v3 =	vld [tilespmem:s22+$0xFFFFFF10]  }
0x78: {  	v4 =	vld [tilespmem:s10+$0xFFFFFF10]  }
0x79: {  	v5 =	vld [tilespmem:s10+$0xFFFFFF20]  }
0x7a: {  	v6 =	vld [tilespmem:s22+$0xFFFFFF20]  }
0x7b: {  	v7 =	vld [tilespmem:s10+$0xFFFFFF30]  }
0x7c: {  	v8 =	vld [tilespmem:s22+$0xFFFFFF30]  }
0x7d: {  	v1 =	vmul.f32 v2, v1;
	v2 =	vmul.f32 v3, v4;
	v3 =	vld [tilespmem:s22+$0xFFFFFF40]  }
0x7e: {  	v4 =	vld [tilespmem:s10+$0xFFFFFF40]  }
0x7f: {  	v1 =	vadd.f32 v2, v1;
	v2 =	vmul.f32 v6, v5;
	v5 =	vld [tilespmem:s22+$0xFFFFFF50]  }
0x80: {  	v6 =	vld [tilespmem:s10+$0xFFFFFF50]  }
0x81: {  	v1 =	vadd.f32 v2, v1;
	v2 =	vmul.f32 v8, v7;
	v7 =	vld [tilespmem:s22+$0xFFFFFF60]  }
0x82: {  	v8 =	vld [tilespmem:s10+$0xFFFFFF60]  }
0x83: {  	v1 =	vadd.f32 v2, v1;
	v2 =	vmul.f32 v3, v4;
	v3 =	vld [tilespmem:s22+$0xFFFFFF70]  }
0x84: {  	v4 =	vld [tilespmem:s10+$0xFFFFFF70]  }
0x85: {  	v1 =	vadd.f32 v2, v1;
	v2 =	vmul.f32 v5, v6;
	_ =	sdelay $0x1  }
0x86: {  	v1 =	vadd.f32 v2, v1;
	v2 =	vmul.f32 v7, v8;
	_ =	sdelay $0x1  }
0x87: {  	v1 =	vadd.f32 v2, v1;
	v2 =	vmul.f32 v3, v4;
	_ =	sdelay $0x1  }
0x88: {  	v1 =	vadd.f32 v2, v1;
	_ =	sdelay $0x1  }
0x89: {  	[tilespmem:s11+$0xFFFFFF00] =	vst v1  }
0x8a: {  	v1 =	vld [tilespmem:s22+$0xFFFFFF80]  }
0x8b: {  	v2 =	vld [tilespmem:s10+$0xFFFFFF80]  }
0x8c: {  	v3 =	vld [tilespmem:s22+$0xFFFFFF90]  }
0x8d: {  	v4 =	vld [tilespmem:s10+$0xFFFFFF90]  }
0x8e: {  	v5 =	vld [tilespmem:s10+$0xFFFFFFA0]  }
0x8f: {  	v6 =	vld [tilespmem:s22+$0xFFFFFFA0]  }
0x90: {  	v7 =	vld [tilespmem:s22+$0xFFFFFFB0]  }
0x91: {  	v8 =	vld [tilespmem:s10+$0xFFFFFFB0]  }
0x92: {  	v1 =	vmul.f32 v1, v2;
	v2 =	vmul.f32 v3, v4;
	v3 =	vld [tilespmem:s22+$0xFFFFFFC0]  }
0x93: {  	v4 =	vld [tilespmem:s10+$0xFFFFFFC0]  }
0x94: {  	v1 =	vadd.f32 v2, v1;
	v2 =	vmul.f32 v6, v5;
	v5 =	vld [tilespmem:s22+$0xFFFFFFD0]  }
0x95: {  	v6 =	vld [tilespmem:s10+$0xFFFFFFD0]  }
0x96: {  	v1 =	vadd.f32 v2, v1;
	v2 =	vmul.f32 v7, v8;
	v7 =	vld [tilespmem:s22+$0xFFFFFFE0]  }
0x97: {  	v8 =	vld [tilespmem:s10+$0xFFFFFFE0]  }
0x98: {  	v1 =	vadd.f32 v2, v1;
	v2 =	vmul.f32 v3, v4;
	v3 =	vld [tilespmem:s22+$0xFFFFFFF0]  }
0x99: {  	v4 =	vld [tilespmem:s10+$0xFFFFFFF0]  }
0x9a: {  	v1 =	vadd.f32 v2, v1;
	v2 =	vmul.f32 v5, v6;
	_ =	sdelay $0x1  }
0x9b: {  	v1 =	vadd.f32 v2, v1;
	v2 =	vmul.f32 v7, v8;
	_ =	sdelay $0x1  }
0x9c: {  	v1 =	vadd.f32 v2, v1;
	v2 =	vmul.f32 v3, v4;
	_ =	sdelay $0x1  }
0x9d: {  	v1 =	vadd.f32 v2, v1;
	_ =	sdelay $0x1  }
0x9e: {  	[tilespmem:s11+$0xFFFFFF80] =	vst v1  }
0x9f: {  	v1 =	vld [tilespmem:s22+$0x0]  }
0xa0: {  	v2 =	vld [tilespmem:s10+$0x0]  }
0xa1: {  	v3 =	vld [tilespmem:s22+$0x10]  }
0xa2: {  	v4 =	vld [tilespmem:s10+$0x10]  }
0xa3: {  	v5 =	vld [tilespmem:s22+$0x20]  }
0xa4: {  	v6 =	vld [tilespmem:s10+$0x20]  }
0xa5: {  	v7 =	vld [tilespmem:s22+$0x30]  }
0xa6: {  	v8 =	vld [tilespmem:s10+$0x30]  }
0xa7: {  	v1 =	vmul.f32 v1, v2;
	v2 =	vmul.f32 v3, v4;
	v3 =	vld [tilespmem:s22+$0x40]  }
0xa8: {  	v4 =	vld [tilespmem:s10+$0x40]  }
0xa9: {  	v1 =	vadd.f32 v2, v1;
	v2 =	vmul.f32 v5, v6;
	v5 =	vld [tilespmem:s22+$0x50]  }
0xaa: {  	v6 =	vld [tilespmem:s10+$0x50]  }
0xab: {  	v1 =	vadd.f32 v2, v1;
	v2 =	vmul.f32 v7, v8;
	v7 =	vld [tilespmem:s22+$0x60]  }
0xac: {  	v8 =	vld [tilespmem:s10+$0x60]  }
0xad: {  	v1 =	vadd.f32 v2, v1;
	v2 =	vmul.f32 v3, v4;
	v3 =	vld [tilespmem:s22+$0x70]  }
0xae: {  	v4 =	vld [tilespmem:s10+$0x70]  }
0xaf: {  	v1 =	vadd.f32 v2, v1;
	v2 =	vmul.f32 v5, v6;
	_ =	sdelay $0x1  }
0xb0: {  	v1 =	vadd.f32 v2, v1;
	v2 =	vmul.f32 v7, v8;
	_ =	sdelay $0x1  }
0xb1: {  	v1 =	vadd.f32 v2, v1;
	v2 =	vmul.f32 v3, v4;
	_ =	sdelay $0x1  }
0xb2: {  	v1 =	vadd.f32 v2, v1;
	_ =	sdelay $0x1  }
0xb3: {  	[tilespmem:s11+$0x0] =	vst v1  }
0xb4: {  	v1 =	vld [tilespmem:s22+$0x80]  }
0xb5: {  	v2 =	vld [tilespmem:s10+$0x80]  }
0xb6: {  	v3 =	vld [tilespmem:s22+$0x90]  }
0xb7: {  	v4 =	vld [tilespmem:s10+$0x90]  }
0xb8: {  	v5 =	vld [tilespmem:s10+$0xA0]  }
0xb9: {  	v6 =	vld [tilespmem:s22+$0xA0]  }
0xba: {  	v7 =	vld [tilespmem:s10+$0xB0]  }
0xbb: {  	v8 =	vld [tilespmem:s22+$0xB0]  }
0xbc: {  	v1 =	vmul.f32 v1, v2;
	v2 =	vmul.f32 v3, v4;
	v3 =	vld [tilespmem:s10+$0xC0]  }
0xbd: {  	v4 =	vld [tilespmem:s22+$0xC0]  }
0xbe: {  	v1 =	vadd.f32 v2, v1;
	v2 =	vmul.f32 v6, v5;
	v5 =	vld [tilespmem:s10+$0xD0]  }
0xbf: {  	v6 =	vld [tilespmem:s22+$0xD0]  }
0xc0: {  	v1 =	vadd.f32 v2, v1;
	v2 =	vmul.f32 v8, v7;
	v7 =	vld [tilespmem:s10+$0xE0]  }
0xc1: {  	v8 =	vld [tilespmem:s22+$0xE0]  }
0xc2: {  	v1 =	vadd.f32 v2, v1;
	v2 =	vmul.f32 v4, v3;
	v3 =	vld [tilespmem:s10+$0xF0]  }
0xc3: {  	v4 =	vld [tilespmem:s22+$0xF0]  }
0xc4: {  	v1 =	vadd.f32 v2, v1;
	v2 =	vmul.f32 v6, v5;
	_ =	sdelay $0x1  }
0xc5: {  	v1 =	vadd.f32 v2, v1;
	v2 =	vmul.f32 v8, v7;
	_ =	sdelay $0x1  }
0xc6: {  	v1 =	vadd.f32 v2, v1;
	v2 =	vmul.f32 v4, v3;
	_ =	sdelay $0x1  }
0xc7: {  	v1 =	vadd.f32 v2, v1;
	_ =	sdelay $0x1  }
0xc8: {  	[tilespmem:s11+$0x80] =	vst v1  }
0xc9: {  	v1 =	vld [tilespmem:s10+$0x100]  }
0xca: {  	v2 =	vld [tilespmem:s22+$0x100]  }
0xcb: {  	v3 =	vld [tilespmem:s22+$0x110]  }
0xcc: {  	v4 =	vld [tilespmem:s10+$0x110]  }
0xcd: {  	v5 =	vld [tilespmem:s10+$0x120]  }
0xce: {  	v6 =	vld [tilespmem:s22+$0x120]  }
0xcf: {  	v7 =	vld [tilespmem:s10+$0x130]  }
0xd0: {  	v8 =	vld [tilespmem:s22+$0x130]  }
0xd1: {  	v1 =	vmul.f32 v2, v1;
	v2 =	vmul.f32 v3, v4;
	v3 =	vld [tilespmem:s10+$0x140]  }
0xd2: {  	v4 =	vld [tilespmem:s22+$0x140]  }
0xd3: {  	v1 =	vadd.f32 v2, v1;
	v2 =	vmul.f32 v6, v5;
	v5 =	vld [tilespmem:s10+$0x150]  }
0xd4: {  	v6 =	vld [tilespmem:s22+$0x150]  }
0xd5: {  	v1 =	vadd.f32 v2, v1;
	v2 =	vmul.f32 v8, v7;
	v7 =	vld [tilespmem:s10+$0x160]  }
0xd6: {  	v8 =	vld [tilespmem:s22+$0x160]  }
0xd7: {  	v1 =	vadd.f32 v2, v1;
	v2 =	vmul.f32 v4, v3;
	v3 =	vld [tilespmem:s10+$0x170]  }
0xd8: {  	v4 =	vld [tilespmem:s22+$0x170]  }
0xd9: {  	v1 =	vadd.f32 v2, v1;
	v2 =	vmul.f32 v6, v5;
	_ =	sdelay $0x1  }
0xda: {  	v1 =	vadd.f32 v2, v1;
	v2 =	vmul.f32 v8, v7;
	_ =	sdelay $0x1  }
0xdb: {  	v1 =	vadd.f32 v2, v1;
	v2 =	vmul.f32 v4, v3;
	_ =	sdelay $0x1  }
0xdc: {  	v1 =	vadd.f32 v2, v1;
	_ =	sdelay $0x1  }
0xdd: {  	[tilespmem:s11+$0x100] =	vst v1  }
0xde: {  	v1 =	vld [tilespmem:s10+$0x1A0]  }
0xdf: {  	s8 =	sadd.s32 $0x1, s8;
	s14 =	simm.s32 $0x0;
	v3 =	vld [tilespmem:s10+$0x180]  }
0xe0: {  	s18 =	simm.s32 $0x2800;
	s13 =	simm.s32 $0x400;
	s12 =	simm.s32 $0x8400;
	v2 =	vld [tilespmem:s22+$0x1A0]  }
.LBB2_3:
0xe1: {  	s14 =	sadd.s32 $0x8, s14;
	v4 =	vld [tilespmem:s22+$0x190];
	s11 =	sadd.s32 $0x400, s11;
	s10 =	sadd.s32 $0x400, s10  }
0xe2: {  	p2 =	slt.u32 s14, $0x38;
	v5 =	vld [tilespmem:s22+$0x180]  }
0xe3: {  	v6 =	vld [tilespmem:s13+$0x190]  }
0xe4: {  	v7 =	vld [tilespmem:s13+$0x1B0]  }
0xe5: {  	v8 =	vld [tilespmem:s22+$0x1B0]  }
0xe6: {  	v9 =	vld [tilespmem:s13+$0x1C0]  }
0xe7: {  	v1 =	vmul.f32 v2, v1;
	v3 =	vmul.f32 v5, v3;
	v2 =	vld [tilespmem:s22+$0x1C0]  }
0xe8: {  	v4 =	vmul.f32 v4, v6;
	v5 =	vld [tilespmem:s13+$0x1D0]  }
0xe9: {  	v6 =	vld [tilespmem:s22+$0x1D0]  }
0xea: {  	v3 =	vadd.f32 v4, v3;
	v4 =	vmul.f32 v8, v7;
	v7 =	vld [tilespmem:s13+$0x1E0]  }
0xeb: {  	v8 =	vld [tilespmem:s22+$0x1E0]  }
0xec: {  	v1 =	vadd.f32 v1, v3;
	v3 =	vld [tilespmem:s13+$0x1F0];
	s13 =	smov.u32 s10  }
0xed: {  	v2 =	vmul.f32 v2, v9;
	v9 =	vld [tilespmem:s22+$0x1F0];
	s22 =	smov.u32 s18  }
0xee: {  	v1 =	vadd.f32 v4, v1  }
0xef: {  	v4 =	vmul.f32 v6, v5  }
0xf0: {  	v1 =	vadd.f32 v2, v1;
	v2 =	vmul.f32 v8, v7;
	_ =	sdelay $0x1  }
0xf1: {  	v1 =	vadd.f32 v4, v1;
	v3 =	vmul.f32 v9, v3;
	_ =	sdelay $0x1  }
0xf2: {  	v1 =	vadd.f32 v2, v1;
	_ =	sdelay $0x1  }
0xf3: {  	v1 =	vadd.f32 v3, v1;
	_ =	sdelay $0x1  }
0xf4: {  	[tilespmem:s12+$0x180] =	vst v1;
	s12 =	smov.u32 s11  }
0xf5: {  	v1 =	vld [tilespmem:s10+$0xFFFFFE00]  }
0xf6: {  	v2 =	vld [tilespmem:s18+$0xFFFFFE10]  }
0xf7: {  	v3 =	vld [tilespmem:s10+$0xFFFFFE10]  }
0xf8: {  	v4 =	vld [tilespmem:s18+$0xFFFFFE00]  }
0xf9: {  	v5 =	vld [tilespmem:s18+$0xFFFFFE20]  }
0xfa: {  	v6 =	vld [tilespmem:s10+$0xFFFFFE20]  }
0xfb: {  	v7 =	vld [tilespmem:s18+$0xFFFFFE30]  }
0xfc: {  	v2 =	vmul.f32 v2, v3;
	v3 =	vld [tilespmem:s10+$0xFFFFFE30]  }
0xfd: {  	v1 =	vmul.f32 v4, v1;
	v4 =	vld [tilespmem:s18+$0xFFFFFE40]  }
0xfe: {  	v8 =	vld [tilespmem:s10+$0xFFFFFE40]  }
0xff: {  	v1 =	vadd.f32 v2, v1;
	v2 =	vmul.f32 v5, v6;
	v5 =	vld [tilespmem:s18+$0xFFFFFE50]  }
0x100: {  	v6 =	vld [tilespmem:s10+$0xFFFFFE50]  }
0x101: {  	v1 =	vadd.f32 v2, v1;
	v2 =	vmul.f32 v7, v3;
	v3 =	vld [tilespmem:s18+$0xFFFFFE60]  }
0x102: {  	v7 =	vld [tilespmem:s10+$0xFFFFFE60]  }
0x103: {  	v1 =	vadd.f32 v2, v1;
	v2 =	vmul.f32 v4, v8;
	v4 =	vld [tilespmem:s18+$0xFFFFFE70]  }
0x104: {  	v8 =	vld [tilespmem:s10+$0xFFFFFE70]  }
0x105: {  	v1 =	vadd.f32 v2, v1;
	v2 =	vmul.f32 v5, v6;
	_ =	sdelay $0x1  }
0x106: {  	v1 =	vadd.f32 v2, v1;
	v2 =	vmul.f32 v3, v7;
	_ =	sdelay $0x1  }
0x107: {  	v1 =	vadd.f32 v2, v1;
	v2 =	vmul.f32 v4, v8;
	_ =	sdelay $0x1  }
0x108: {  	v1 =	vadd.f32 v2, v1;
	_ =	sdelay $0x1  }
0x109: {  	[tilespmem:s11+$0xFFFFFE00] =	vst v1  }
0x10a: {  	v1 =	vld [tilespmem:s18+$0xFFFFFE90]  }
0x10b: {  	v2 =	vld [tilespmem:s10+$0xFFFFFE80]  }
0x10c: {  	v3 =	vld [tilespmem:s10+$0xFFFFFE90]  }
0x10d: {  	v4 =	vld [tilespmem:s18+$0xFFFFFE80]  }
0x10e: {  	v5 =	vld [tilespmem:s18+$0xFFFFFEA0]  }
0x10f: {  	v6 =	vld [tilespmem:s10+$0xFFFFFEA0]  }
0x110: {  	v7 =	vld [tilespmem:s18+$0xFFFFFEB0]  }
0x111: {  	v1 =	vmul.f32 v1, v3;
	v3 =	vld [tilespmem:s10+$0xFFFFFEB0]  }
0x112: {  	v2 =	vmul.f32 v4, v2;
	v4 =	vld [tilespmem:s18+$0xFFFFFEC0]  }
0x113: {  	v8 =	vld [tilespmem:s10+$0xFFFFFEC0]  }
0x114: {  	v1 =	vadd.f32 v1, v2;
	v2 =	vmul.f32 v5, v6;
	v5 =	vld [tilespmem:s18+$0xFFFFFED0]  }
0x115: {  	v6 =	vld [tilespmem:s10+$0xFFFFFED0]  }
0x116: {  	v1 =	vadd.f32 v2, v1;
	v2 =	vmul.f32 v7, v3;
	v3 =	vld [tilespmem:s18+$0xFFFFFEE0]  }
0x117: {  	v7 =	vld [tilespmem:s10+$0xFFFFFEE0]  }
0x118: {  	v1 =	vadd.f32 v2, v1;
	v2 =	vmul.f32 v4, v8;
	v4 =	vld [tilespmem:s18+$0xFFFFFEF0]  }
0x119: {  	v8 =	vld [tilespmem:s10+$0xFFFFFEF0]  }
0x11a: {  	v1 =	vadd.f32 v2, v1;
	v2 =	vmul.f32 v5, v6;
	_ =	sdelay $0x1  }
0x11b: {  	v1 =	vadd.f32 v2, v1;
	v2 =	vmul.f32 v3, v7;
	_ =	sdelay $0x1  }
0x11c: {  	v1 =	vadd.f32 v2, v1;
	v2 =	vmul.f32 v4, v8;
	_ =	sdelay $0x1  }
0x11d: {  	v1 =	vadd.f32 v2, v1;
	_ =	sdelay $0x1  }
0x11e: {  	[tilespmem:s11+$0xFFFFFE80] =	vst v1  }
0x11f: {  	v1 =	vld [tilespmem:s10+$0xFFFFFF00]  }
0x120: {  	v2 =	vld [tilespmem:s18+$0xFFFFFF00]  }
0x121: {  	v3 =	vld [tilespmem:s18+$0xFFFFFF10]  }
0x122: {  	v4 =	vld [tilespmem:s10+$0xFFFFFF10]  }
0x123: {  	v5 =	vld [tilespmem:s10+$0xFFFFFF20]  }
0x124: {  	v6 =	vld [tilespmem:s18+$0xFFFFFF20]  }
0x125: {  	v1 =	vmul.f32 v2, v1;
	v2 =	vld [tilespmem:s10+$0xFFFFFF30]  }
0x126: {  	v7 =	vld [tilespmem:s18+$0xFFFFFF30]  }
0x127: {  	v3 =	vmul.f32 v3, v4;
	v4 =	vld [tilespmem:s18+$0xFFFFFF40]  }
0x128: {  	v8 =	vld [tilespmem:s10+$0xFFFFFF40]  }
0x129: {  	v1 =	vadd.f32 v3, v1;
	v3 =	vmul.f32 v6, v5;
	v5 =	vld [tilespmem:s18+$0xFFFFFF50]  }
0x12a: {  	v6 =	vld [tilespmem:s10+$0xFFFFFF50]  }
0x12b: {  	v1 =	vadd.f32 v3, v1;
	v2 =	vmul.f32 v7, v2;
	v3 =	vld [tilespmem:s18+$0xFFFFFF60]  }
0x12c: {  	v7 =	vld [tilespmem:s10+$0xFFFFFF60]  }
0x12d: {  	v1 =	vadd.f32 v2, v1;
	v2 =	vmul.f32 v4, v8;
	v4 =	vld [tilespmem:s18+$0xFFFFFF70]  }
0x12e: {  	v8 =	vld [tilespmem:s10+$0xFFFFFF70]  }
0x12f: {  	v1 =	vadd.f32 v2, v1;
	v2 =	vmul.f32 v5, v6;
	_ =	sdelay $0x1  }
0x130: {  	v1 =	vadd.f32 v2, v1;
	v2 =	vmul.f32 v3, v7;
	_ =	sdelay $0x1  }
0x131: {  	v1 =	vadd.f32 v2, v1;
	v2 =	vmul.f32 v4, v8;
	_ =	sdelay $0x1  }
0x132: {  	v1 =	vadd.f32 v2, v1;
	_ =	sdelay $0x1  }
0x133: {  	[tilespmem:s11+$0xFFFFFF00] =	vst v1  }
0x134: {  	v1 =	vld [tilespmem:s18+$0xFFFFFF80]  }
0x135: {  	v2 =	vld [tilespmem:s10+$0xFFFFFF80]  }
0x136: {  	v3 =	vld [tilespmem:s18+$0xFFFFFF90]  }
0x137: {  	v4 =	vld [tilespmem:s10+$0xFFFFFF90]  }
0x138: {  	v5 =	vld [tilespmem:s10+$0xFFFFFFA0]  }
0x139: {  	v6 =	vld [tilespmem:s18+$0xFFFFFFA0]  }
0x13a: {  	v1 =	vmul.f32 v1, v2;
	v2 =	vld [tilespmem:s18+$0xFFFFFFB0]  }
0x13b: {  	v7 =	vld [tilespmem:s10+$0xFFFFFFB0]  }
0x13c: {  	v3 =	vmul.f32 v3, v4;
	v4 =	vld [tilespmem:s18+$0xFFFFFFC0]  }
0x13d: {  	v8 =	vld [tilespmem:s10+$0xFFFFFFC0]  }
0x13e: {  	v1 =	vadd.f32 v3, v1;
	v3 =	vmul.f32 v6, v5;
	v5 =	vld [tilespmem:s18+$0xFFFFFFD0]  }
0x13f: {  	v6 =	vld [tilespmem:s10+$0xFFFFFFD0]  }
0x140: {  	v1 =	vadd.f32 v3, v1;
	v2 =	vmul.f32 v2, v7;
	v3 =	vld [tilespmem:s18+$0xFFFFFFE0]  }
0x141: {  	v7 =	vld [tilespmem:s10+$0xFFFFFFE0]  }
0x142: {  	v1 =	vadd.f32 v2, v1;
	v2 =	vmul.f32 v4, v8;
	v4 =	vld [tilespmem:s18+$0xFFFFFFF0]  }
0x143: {  	v8 =	vld [tilespmem:s10+$0xFFFFFFF0]  }
0x144: {  	v1 =	vadd.f32 v2, v1;
	v2 =	vmul.f32 v5, v6;
	_ =	sdelay $0x1  }
0x145: {  	v1 =	vadd.f32 v2, v1;
	v2 =	vmul.f32 v3, v7;
	_ =	sdelay $0x1  }
0x146: {  	v1 =	vadd.f32 v2, v1;
	v2 =	vmul.f32 v4, v8;
	_ =	sdelay $0x1  }
0x147: {  	v1 =	vadd.f32 v2, v1;
	_ =	sdelay $0x1  }
0x148: {  	[tilespmem:s11+$0xFFFFFF80] =	vst v1  }
0x149: {  	v1 =	vld [tilespmem:s18+$0x0]  }
0x14a: {  	v2 =	vld [tilespmem:s10+$0x0]  }
0x14b: {  	v3 =	vld [tilespmem:s18+$0x10]  }
0x14c: {  	v4 =	vld [tilespmem:s10+$0x10]  }
0x14d: {  	v5 =	vld [tilespmem:s18+$0x20]  }
0x14e: {  	v6 =	vld [tilespmem:s10+$0x20]  }
0x14f: {  	v1 =	vmul.f32 v1, v2;
	v2 =	vld [tilespmem:s18+$0x30]  }
0x150: {  	v7 =	vld [tilespmem:s10+$0x30]  }
0x151: {  	v3 =	vmul.f32 v3, v4;
	v4 =	vld [tilespmem:s18+$0x40]  }
0x152: {  	v8 =	vld [tilespmem:s10+$0x40]  }
0x153: {  	v1 =	vadd.f32 v3, v1;
	v3 =	vmul.f32 v5, v6;
	v5 =	vld [tilespmem:s18+$0x50]  }
0x154: {  	v6 =	vld [tilespmem:s10+$0x50]  }
0x155: {  	v1 =	vadd.f32 v3, v1;
	v2 =	vmul.f32 v2, v7;
	v3 =	vld [tilespmem:s18+$0x60]  }
0x156: {  	v7 =	vld [tilespmem:s10+$0x60]  }
0x157: {  	v1 =	vadd.f32 v2, v1;
	v2 =	vmul.f32 v4, v8;
	v4 =	vld [tilespmem:s18+$0x70]  }
0x158: {  	v8 =	vld [tilespmem:s10+$0x70]  }
0x159: {  	v1 =	vadd.f32 v2, v1;
	v2 =	vmul.f32 v5, v6;
	_ =	sdelay $0x1  }
0x15a: {  	v1 =	vadd.f32 v2, v1;
	v2 =	vmul.f32 v3, v7;
	_ =	sdelay $0x1  }
0x15b: {  	v1 =	vadd.f32 v2, v1;
	v2 =	vmul.f32 v4, v8;
	_ =	sdelay $0x1  }
0x15c: {  	v1 =	vadd.f32 v2, v1;
	_ =	sdelay $0x1  }
0x15d: {  	[tilespmem:s11+$0x0] =	vst v1  }
0x15e: {  	v1 =	vld [tilespmem:s18+$0x80]  }
0x15f: {  	v2 =	vld [tilespmem:s10+$0x80]  }
0x160: {  	v3 =	vld [tilespmem:s18+$0x90]  }
0x161: {  	v4 =	vld [tilespmem:s10+$0x90]  }
0x162: {  	v5 =	vld [tilespmem:s10+$0xA0]  }
0x163: {  	v6 =	vld [tilespmem:s18+$0xA0]  }
0x164: {  	v1 =	vmul.f32 v1, v2;
	v2 =	vld [tilespmem:s10+$0xB0]  }
0x165: {  	v7 =	vld [tilespmem:s18+$0xB0]  }
0x166: {  	v3 =	vmul.f32 v3, v4;
	v4 =	vld [tilespmem:s10+$0xC0]  }
0x167: {  	v8 =	vld [tilespmem:s18+$0xC0]  }
0x168: {  	v1 =	vadd.f32 v3, v1;
	v3 =	vmul.f32 v6, v5;
	v5 =	vld [tilespmem:s10+$0xD0]  }
0x169: {  	v6 =	vld [tilespmem:s18+$0xD0]  }
0x16a: {  	v1 =	vadd.f32 v3, v1;
	v2 =	vmul.f32 v7, v2;
	v3 =	vld [tilespmem:s10+$0xE0]  }
0x16b: {  	v7 =	vld [tilespmem:s18+$0xE0]  }
0x16c: {  	v1 =	vadd.f32 v2, v1;
	v2 =	vmul.f32 v8, v4;
	v4 =	vld [tilespmem:s10+$0xF0]  }
0x16d: {  	v8 =	vld [tilespmem:s18+$0xF0]  }
0x16e: {  	v1 =	vadd.f32 v2, v1;
	v2 =	vmul.f32 v6, v5;
	_ =	sdelay $0x1  }
0x16f: {  	v1 =	vadd.f32 v2, v1;
	v2 =	vmul.f32 v7, v3;
	_ =	sdelay $0x1  }
0x170: {  	v1 =	vadd.f32 v2, v1;
	v2 =	vmul.f32 v8, v4;
	_ =	sdelay $0x1  }
0x171: {  	v1 =	vadd.f32 v2, v1;
	_ =	sdelay $0x1  }
0x172: {  	[tilespmem:s11+$0x80] =	vst v1  }
0x173: {  	v1 =	vld [tilespmem:s10+$0x100]  }
0x174: {  	v2 =	vld [tilespmem:s18+$0x100]  }
0x175: {  	v3 =	vld [tilespmem:s18+$0x110]  }
0x176: {  	v4 =	vld [tilespmem:s10+$0x110]  }
0x177: {  	v5 =	vld [tilespmem:s10+$0x120]  }
0x178: {  	v6 =	vld [tilespmem:s18+$0x120]  }
0x179: {  	v1 =	vmul.f32 v2, v1;
	v2 =	vld [tilespmem:s10+$0x130]  }
0x17a: {  	v7 =	vld [tilespmem:s18+$0x130]  }
0x17b: {  	v3 =	vmul.f32 v3, v4;
	v4 =	vld [tilespmem:s10+$0x140]  }
0x17c: {  	v8 =	vld [tilespmem:s18+$0x140]  }
0x17d: {  	v1 =	vadd.f32 v3, v1;
	v3 =	vmul.f32 v6, v5;
	v5 =	vld [tilespmem:s10+$0x150]  }
0x17e: {  	v6 =	vld [tilespmem:s18+$0x150]  }
0x17f: {  	v1 =	vadd.f32 v3, v1;
	v2 =	vmul.f32 v7, v2;
	v3 =	vld [tilespmem:s10+$0x160]  }
0x180: {  	v7 =	vld [tilespmem:s18+$0x160]  }
0x181: {  	v1 =	vadd.f32 v2, v1;
	v2 =	vmul.f32 v8, v4;
	v4 =	vld [tilespmem:s10+$0x170]  }
0x182: {  	v8 =	vld [tilespmem:s18+$0x170]  }
0x183: {  	v1 =	vadd.f32 v2, v1;
	v2 =	vmul.f32 v6, v5;
	_ =	sdelay $0x1  }
0x184: {  	v1 =	vadd.f32 v2, v1;
	v2 =	vmul.f32 v7, v3;
	_ =	sdelay $0x1  }
0x185: {  	v1 =	vadd.f32 v2, v1;
	v2 =	vmul.f32 v8, v4;
	_ =	sdelay $0x1  }
0x186: {  	v1 =	vadd.f32 v2, v1  }
.Ltmp0:
0x187: {  	(pc) =	sbr.rel @p2 .LBB2_3-.Ltmp0, $4  }
0x188: {  	[tilespmem:s11+$0x100] =	vst v1  }
0x189: {  	v1 =	vld [tilespmem:s10+$0x1A0]  }
0x18a: {  	v3 =	vld [tilespmem:s10+$0x180]  }
0x18b: {  	s18 =	sadd.s32 $0x400, s18;
	v2 =	vld [tilespmem:s22+$0x1A0]  }
0x18c: {  	v4 =	vld [tilespmem:s22+$0x190]  }
0x18d: {  	v5 =	vld [tilespmem:s22+$0x180]  }
0x18e: {  	v6 =	vld [tilespmem:s13+$0x190];
	_ =	sdelay $0x2  }
0x18f: {  	v7 =	vld [tilespmem:s13+$0x1B0]  }
0x190: {  	v8 =	vld [tilespmem:s22+$0x1B0]  }
0x191: {  	v3 =	vmul.f32 v5, v3;
	v5 =	vld [tilespmem:s13+$0x1C0];
	v4 =	vmul.f32 v4, v6  }
0x192: {  	v6 =	vld [tilespmem:s22+$0x1C0]  }
0x193: {  	v1 =	vmul.f32 v2, v1;
	v2 =	vld [tilespmem:s13+$0x1D0];
	v3 =	vadd.f32 v4, v3  }
0x194: {  	v4 =	vld [tilespmem:s22+$0x1D0]  }
0x195: {  	v7 =	vmul.f32 v8, v7;
	v8 =	vld [tilespmem:s13+$0x1E0];
	v1 =	vadd.f32 v1, v3  }
0x196: {  	v3 =	vld [tilespmem:s22+$0x1E0]  }
0x197: {  	v5 =	vmul.f32 v6, v5;
	v6 =	vld [tilespmem:s13+$0x1F0];
	v1 =	vadd.f32 v7, v1  }
0x198: {  	v7 =	vld [tilespmem:s22+$0x1F0]  }
0x199: {  	v2 =	vmul.f32 v4, v2;
	v1 =	vadd.f32 v5, v1;
	_ =	sdelay $0x1  }
0x19a: {  	v3 =	vmul.f32 v3, v8;
	v1 =	vadd.f32 v2, v1;
	_ =	sdelay $0x1  }
0x19b: {  	v2 =	vmul.f32 v7, v6;
	v1 =	vadd.f32 v3, v1;
	_ =	sdelay $0x1  }
0x19c: {  	v1 =	vadd.f32 v2, v1;
	v2 =	vld [tilespmem:$0x1FF70];
	_ =	sdelay $0x1  }
0x19d: {  	v3 =	vld [tilespmem:$0x1FF80];
	_ =	sdelay $0x1  }
0x19e: {  	v4 =	vld [tilespmem:$0x1FF90];
	_ =	sdelay $0x1  }
0x19f: {  	[tilespmem:s12+$0x180] =	vst v1  }
0x1a0: {  	v1 =	vld.idx.msk [tilespmem:v0+s1+$0x0], $0xffff  }
0x1a1: {  	v2 =	vld.idx.msk [tilespmem:v2+s1+$0x0], $0xffff;
	_ =	sdelay $0x1  }
0x1a2: {  	v3 =	vld.idx.msk [tilespmem:v3+s1+$0x0], $0xffff;
	_ =	sdelay $0x1  }
0x1a3: {  	v4 =	vld.idx.msk [tilespmem:v4+s1+$0x0], $0xffff  }
0x1a4: {  	v1 =	vadd.f32 v2, v1;
	v2 =	vld [tilespmem:$0x1FFA0];
	_ =	sdelay $0x1  }
0x1a5: {  	v1 =	vadd.f32 v3, v1;
	v3 =	vld [tilespmem:$0x1FFB0];
	_ =	sdelay $0x1  }
0x1a6: {  	v1 =	vadd.f32 v4, v1;
	v4 =	vld [tilespmem:$0x1FFC0];
	_ =	sdelay $0x3  }
0x1a7: {  	v2 =	vld.idx.msk [tilespmem:v2+s1+$0x0], $0xffff;
	_ =	sdelay $0x1  }
0x1a8: {  	v3 =	vld.idx.msk [tilespmem:v3+s1+$0x0], $0xffff;
	_ =	sdelay $0x1  }
0x1a9: {  	v4 =	vld.idx.msk [tilespmem:v4+s1+$0x0], $0xffff  }
0x1aa: {  	v1 =	vadd.f32 v2, v1;
	v2 =	vld [tilespmem:$0x1FFD0];
	_ =	sdelay $0x1  }
0x1ab: {  	v1 =	vadd.f32 v3, v1;
	v3 =	vld [tilespmem:$0x1FFE0];
	_ =	sdelay $0x1  }
0x1ac: {  	v1 =	vadd.f32 v4, v1;
	v4 =	vld [tilespmem:$0x1FFF0];
	_ =	sdelay $0x3  }
0x1ad: {  	v2 =	vld.idx.msk [tilespmem:v2+s1+$0x0], $0xffff;
	_ =	sdelay $0x1  }
0x1ae: {  	v3 =	vld.idx.msk [tilespmem:v3+s1+$0x0], $0xffff;
	_ =	sdelay $0x1  }
0x1af: {  	v4 =	vld.idx.msk [tilespmem:v4+s1+$0x0], $0xffff  }
0x1b0: {  	v1 =	vadd.f32 v2, v1  }
0x1b1: {  	v2 =	vld.idx.msk [tilespmem:v10+s1+$0x0], $0xffff  }
0x1b2: {  	v1 =	vadd.f32 v3, v1  }
0x1b3: {  	v3 =	vld.idx.msk [tilespmem:v11+s1+$0x0], $0xffff  }
0x1b4: {  	v1 =	vadd.f32 v4, v1  }
0x1b5: {  	v4 =	vld.idx.msk [tilespmem:v12+s1+$0x0], $0xffff  }
0x1b6: {  	v1 =	vadd.f32 v2, v1  }
0x1b7: {  	v2 =	vld.idx.msk [tilespmem:v13+s1+$0x0], $0xffff  }
0x1b8: {  	v1 =	vadd.f32 v3, v1  }
0x1b9: {  	v3 =	vld.idx.msk [tilespmem:v14+s1+$0x0], $0xffff  }
0x1ba: {  	v1 =	vadd.f32 v4, v1  }
0x1bb: {  	v4 =	vld.idx.msk [tilespmem:v15+s1+$0x0], $0xffff  }
0x1bc: {  	v1 =	vadd.f32 v2, v1;
	_ =	sdelay $0x1  }
0x1bd: {  	v1 =	vadd.f32 v3, v1;
	_ =	sdelay $0x1  }
0x1be: {  	v1 =	vadd.f32 v4, v1;
	_ =	sdelay $0x1  }
0x1bf: {  	[tilespmem:$0xA200] =	vst v1  }
0x1c0: {  	v1 =	vld.idx.msk [tilespmem:v16+s1+$0x0], $0xffff  }
0x1c1: {  	v2 =	vld.idx.msk [tilespmem:v17+s1+$0x0], $0xffff;
	_ =	sdelay $0x1  }
0x1c2: {  	v3 =	vld.idx.msk [tilespmem:v18+s1+$0x0], $0xffff;
	_ =	sdelay $0x1  }
0x1c3: {  	v4 =	vld.idx.msk [tilespmem:v19+s1+$0x0], $0xffff  }
0x1c4: {  	v1 =	vadd.f32 v2, v1  }
0x1c5: {  	v2 =	vld.idx.msk [tilespmem:v20+s1+$0x0], $0xffff  }
0x1c6: {  	v1 =	vadd.f32 v3, v1  }
0x1c7: {  	v3 =	vld.idx.msk [tilespmem:v21+s1+$0x0], $0xffff  }
0x1c8: {  	v1 =	vadd.f32 v4, v1  }
0x1c9: {  	v4 =	vld.idx.msk [tilespmem:v22+s1+$0x0], $0xffff  }
0x1ca: {  	v1 =	vadd.f32 v2, v1  }
0x1cb: {  	v2 =	vld.idx.msk [tilespmem:v23+s1+$0x0], $0xffff  }
0x1cc: {  	v1 =	vadd.f32 v3, v1  }
0x1cd: {  	v3 =	vld.idx.msk [tilespmem:v24+s1+$0x0], $0xffff  }
0x1ce: {  	v1 =	vadd.f32 v4, v1  }
0x1cf: {  	v4 =	vld.idx.msk [tilespmem:v25+s1+$0x0], $0xffff  }
0x1d0: {  	v1 =	vadd.f32 v2, v1  }
0x1d1: {  	v2 =	vld.idx.msk [tilespmem:v26+s1+$0x0], $0xffff  }
0x1d2: {  	v1 =	vadd.f32 v3, v1  }
0x1d3: {  	v3 =	vld.idx.msk [tilespmem:v27+s1+$0x0], $0xffff  }
0x1d4: {  	v1 =	vadd.f32 v4, v1  }
0x1d5: {  	v4 =	vld.idx.msk [tilespmem:v28+s1+$0x0], $0xffff  }
0x1d6: {  	v1 =	vadd.f32 v2, v1  }
0x1d7: {  	v2 =	vld.idx.msk [tilespmem:v29+s1+$0x0], $0xffff  }
0x1d8: {  	v1 =	vadd.f32 v3, v1  }
0x1d9: {  	v3 =	vld.idx.msk [tilespmem:v30+s1+$0x0], $0xffff  }
0x1da: {  	v1 =	vadd.f32 v4, v1  }
0x1db: {  	v4 =	vld.idx.msk [tilespmem:v31+s1+$0x0], $0xffff  }
0x1dc: {  	v1 =	vadd.f32 v2, v1;
	_ =	sdelay $0x1  }
0x1dd: {  	v1 =	vadd.f32 v3, v1;
	_ =	sdelay $0x1  }
0x1de: {  	v1 =	vadd.f32 v4, v1;
	_ =	sdelay $0x1  }
0x1df: {  	[tilespmem:$0xA210] =	vst v1  }
0x1e0: {  	v1 =	vld.idx.msk [tilespmem:v32+s1+$0x0], $0xffff  }
0x1e1: {  	v2 =	vld.idx.msk [tilespmem:v33+s1+$0x0], $0xffff;
	_ =	sdelay $0x1  }
0x1e2: {  	v3 =	vld.idx.msk [tilespmem:v34+s1+$0x0], $0xffff;
	_ =	sdelay $0x1  }
0x1e3: {  	v4 =	vld.idx.msk [tilespmem:v35+s1+$0x0], $0xffff  }
0x1e4: {  	v1 =	vadd.f32 v2, v1  }
0x1e5: {  	v2 =	vld.idx.msk [tilespmem:v36+s1+$0x0], $0xffff  }
0x1e6: {  	v1 =	vadd.f32 v3, v1  }
0x1e7: {  	v3 =	vld.idx.msk [tilespmem:v37+s1+$0x0], $0xffff  }
0x1e8: {  	v1 =	vadd.f32 v4, v1  }
0x1e9: {  	v4 =	vld.idx.msk [tilespmem:v38+s1+$0x0], $0xffff  }
0x1ea: {  	v1 =	vadd.f32 v2, v1  }
0x1eb: {  	v2 =	vld.idx.msk [tilespmem:v39+s1+$0x0], $0xffff  }
0x1ec: {  	v1 =	vadd.f32 v3, v1  }
0x1ed: {  	v3 =	vld.idx.msk [tilespmem:v40+s1+$0x0], $0xffff  }
0x1ee: {  	v1 =	vadd.f32 v4, v1  }
0x1ef: {  	v4 =	vld.idx.msk [tilespmem:v41+s1+$0x0], $0xffff  }
0x1f0: {  	v1 =	vadd.f32 v2, v1  }
0x1f1: {  	v2 =	vld.idx.msk [tilespmem:v42+s1+$0x0], $0xffff  }
0x1f2: {  	v1 =	vadd.f32 v3, v1  }
0x1f3: {  	v3 =	vld.idx.msk [tilespmem:v43+s1+$0x0], $0xffff  }
0x1f4: {  	v1 =	vadd.f32 v4, v1  }
0x1f5: {  	v4 =	vld.idx.msk [tilespmem:v44+s1+$0x0], $0xffff  }
0x1f6: {  	v1 =	vadd.f32 v2, v1  }
0x1f7: {  	v2 =	vld.idx.msk [tilespmem:v45+s1+$0x0], $0xffff  }
0x1f8: {  	v1 =	vadd.f32 v3, v1  }
0x1f9: {  	v3 =	vld.idx.msk [tilespmem:v46+s1+$0x0], $0xffff  }
0x1fa: {  	v1 =	vadd.f32 v4, v1  }
0x1fb: {  	v4 =	vld.idx.msk [tilespmem:v47+s1+$0x0], $0xffff  }
0x1fc: {  	v1 =	vadd.f32 v2, v1;
	_ =	sdelay $0x1  }
0x1fd: {  	v1 =	vadd.f32 v3, v1;
	_ =	sdelay $0x1  }
0x1fe: {  	v1 =	vadd.f32 v4, v1;
	_ =	sdelay $0x1  }
0x1ff: {  	[tilespmem:$0xA220] =	vst v1  }
0x200: {  	v1 =	vld.idx.msk [tilespmem:v48+s1+$0x0], $0xffff  }
0x201: {  	v2 =	vld.idx.msk [tilespmem:v49+s1+$0x0], $0xffff;
	_ =	sdelay $0x1  }
0x202: {  	v3 =	vld.idx.msk [tilespmem:v50+s1+$0x0], $0xffff;
	_ =	sdelay $0x1  }
0x203: {  	v4 =	vld.idx.msk [tilespmem:v51+s1+$0x0], $0xffff  }
0x204: {  	v1 =	vadd.f32 v2, v1  }
0x205: {  	v2 =	vld.idx.msk [tilespmem:v52+s1+$0x0], $0xffff  }
0x206: {  	v1 =	vadd.f32 v3, v1  }
0x207: {  	v3 =	vld.idx.msk [tilespmem:v53+s1+$0x0], $0xffff  }
0x208: {  	v1 =	vadd.f32 v4, v1  }
0x209: {  	v4 =	vld.idx.msk [tilespmem:v54+s1+$0x0], $0xffff  }
0x20a: {  	v1 =	vadd.f32 v2, v1  }
0x20b: {  	v2 =	vld.idx.msk [tilespmem:v55+s1+$0x0], $0xffff  }
0x20c: {  	v1 =	vadd.f32 v3, v1  }
0x20d: {  	v3 =	vld.idx.msk [tilespmem:v56+s1+$0x0], $0xffff  }
0x20e: {  	v1 =	vadd.f32 v4, v1  }
0x20f: {  	v4 =	vld.idx.msk [tilespmem:v57+s1+$0x0], $0xffff  }
0x210: {  	v1 =	vadd.f32 v2, v1  }
0x211: {  	v2 =	vld.idx.msk [tilespmem:v58+s1+$0x0], $0xffff  }
0x212: {  	v1 =	vadd.f32 v3, v1  }
0x213: {  	v3 =	vld.idx.msk [tilespmem:v59+s1+$0x0], $0xffff  }
0x214: {  	v1 =	vadd.f32 v4, v1  }
0x215: {  	v4 =	vld.idx.msk [tilespmem:v60+s1+$0x0], $0xffff  }
0x216: {  	v1 =	vadd.f32 v2, v1  }
0x217: {  	v2 =	vld.idx.msk [tilespmem:v61+s1+$0x0], $0xffff  }
0x218: {  	v1 =	vadd.f32 v3, v1  }
0x219: {  	v3 =	vld.idx.msk [tilespmem:v62+s1+$0x0], $0xffff  }
0x21a: {  	v1 =	vadd.f32 v4, v1  }
0x21b: {  	v4 =	vld.idx.msk [tilespmem:v63+s1+$0x0], $0xffff  }
0x21c: {  	v1 =	vadd.f32 v2, v1;
	_ =	sdelay $0x1  }
0x21d: {  	v1 =	vadd.f32 v3, v1;
	_ =	sdelay $0x1  }
0x21e: {  	s10 =	sadd.s32 s7, s25;
	v1 =	vadd.f32 v4, v1  }
0x21f: {  	s10 =	sshrl.u32 s10, $0x3  }
0x220: {  	s10 =	sadd.s32 s6, s10;
	[tilespmem:$0xA230] =	vst v1  }
0x221: {  	[hbm4b:s10+s3] =	stream.linear.scatter [tilespmem:s4], [sflag:$0x3], $0x40, $0x38;
	[tilespmem:$0x1DB00] =	vst v63  }
0x222: {  	_ =	swait.ge [sflag:s20], $0x40  }
0x223: {  	[sflag:s20] =	ssyncset.done $0x0  }
0x224: {  	s10 =	simm.s32 @p1 $0x2;
	[sflag:s20] =	ssyncadd.s32 $0xFFFFFFC0  }
0x225: {  	_ =	swait.ge @p1 [sflag:s10], $0x2000  }
0x226: {  	[sflag:s10] =	ssyncset.done @p1 $0x0  }
0x227: {  	[sflag:s10] =	ssyncadd.s32 @p1 $0xFFFFE000  }
0x228: {  	_ =	swait.ge @p1 [sflag:s10], $0x2000  }
0x229: {  	s11 =	simm.s32 @!p1 $0x0;
	[sflag:s10] =	ssyncset.done @p1 $0x0  }
0x22a: {  	s12 =	simm.s32 @!p1 $0x200;
	[sflag:s10] =	ssyncadd.s32 @p1 $0xFFFFE000;
	s10 =	simm.s32 @!p1 $0x40  }
0x22b: {  	[tilespmem:s12], [sflag:$0x1] =	stream.indirect.gather @!p1 [spmem:s2], $0x80, s11, s10, $0xb8;
	[tilespmem:$0x1DB00] =	vst v63  }
0x22c: {  	s13 =	simm.s32 @!p1 $0x2200;
	s12 =	simm.s32 @!p1 $0x80  }
0x22d: {  	[tilespmem:s13], [sflag:$0x1] =	stream.indirect.gather @!p1 [spmem:s2], $0x80, s12, s10, $0xb8;
	[tilespmem:$0x1DB00] =	vst v63  }
0x22e: {  	s10 =	simm.s32 @!p1 $0x2  }
0x22f: {  	_ =	swait.ge @!p1 [sflag:s10], $0x2000  }
0x230: {  	[sflag:s10] =	ssyncset.done @!p1 $0x0  }
0x231: {  	[sflag:s10] =	ssyncadd.s32 @!p1 $0xFFFFE000  }
0x232: {  	s12 =	sadd.s32 @!p1 s25, s16;
	_ =	swait.ge @!p1 [sflag:s10], $0x2000  }
0x233: {  	s12 =	sshrl.u32 @!p1 s12, $0x3;
	[sflag:s10] =	ssyncset.done @!p1 $0x0  }
0x234: {  	s13 =	simm.s32 @!p1 $0x100;
	[sflag:s10] =	ssyncadd.s32 @!p1 $0xFFFFE000;
	s10 =	sadd.s32 @!p1 s5, s12  }
0x235: {  	[tilespmem:s13], [sflag:$0x3] =	stream.linear.gather @!p1 [hbm4b:s10+s11], $0x40, $0x38;
	[tilespmem:$0x1DB00] =	vst v63  }
0x236: {  	s10 =	simm.s32 @!p1 $0x3  }
0x237: {  	_ =	swait.ge @!p1 [sflag:s10], $0x40  }
0x238: {  	[sflag:s10] =	ssyncset.done @!p1 $0x0  }
0x239: {  	s12 =	sadd.s32 @!p1 s0, s12;
	s13 =	simm.s32 @!p1 $0x180;
	[sflag:s10] =	ssyncadd.s32 @!p1 $0xFFFFFFC0  }
0x23a: {  	[tilespmem:s13], [sflag:$0x3] =	stream.linear.gather @!p1 [hbm4b:s12+s11], $0x40, $0x38;
	[tilespmem:$0x1DB00] =	vst v63  }
0x23b: {  	_ =	swait.ge @!p1 [sflag:s10], $0x40  }
0x23c: {  	[sflag:s10] =	ssyncset.done @!p1 $0x0  }
0x23d: {  	[sflag:s10] =	ssyncadd.s32 @!p1 $0xFFFFFFC0;
	s10 =	simm.s32 $0x4400  }
0x23e: {  	s22 =	simm.s32 $0x6400;
	v1 =	vld [tilespmem:s10+$0xFFFFFE00]  }
0x23f: {  	v2 =	vld [tilespmem:s22+$0xFFFFFE10]  }
0x240: {  	v3 =	vld [tilespmem:s10+$0xFFFFFE10]  }
0x241: {  	v4 =	vld [tilespmem:s22+$0xFFFFFE00]  }
0x242: {  	v5 =	vld [tilespmem:s22+$0xFFFFFE20]  }
0x243: {  	v6 =	vld [tilespmem:s10+$0xFFFFFE20]  }
0x244: {  	v7 =	vld [tilespmem:s22+$0xFFFFFE30]  }
0x245: {  	v8 =	vld [tilespmem:s10+$0xFFFFFE30]  }
0x246: {  	v2 =	vmul.f32 v2, v3;
	v1 =	vmul.f32 v4, v1;
	v3 =	vld [tilespmem:s22+$0xFFFFFE40]  }
0x247: {  	v4 =	vld [tilespmem:s10+$0xFFFFFE40]  }
0x248: {  	v1 =	vadd.f32 v2, v1;
	v2 =	vmul.f32 v5, v6;
	v5 =	vld [tilespmem:s22+$0xFFFFFE50]  }
0x249: {  	v6 =	vld [tilespmem:s10+$0xFFFFFE50]  }
0x24a: {  	v1 =	vadd.f32 v2, v1;
	v2 =	vmul.f32 v7, v8;
	v7 =	vld [tilespmem:s22+$0xFFFFFE60]  }
0x24b: {  	v8 =	vld [tilespmem:s10+$0xFFFFFE60]  }
0x24c: {  	v1 =	vadd.f32 v2, v1;
	v2 =	vmul.f32 v3, v4;
	v3 =	vld [tilespmem:s22+$0xFFFFFE70]  }
0x24d: {  	v4 =	vld [tilespmem:s10+$0xFFFFFE70]  }
0x24e: {  	v1 =	vadd.f32 v2, v1;
	v2 =	vmul.f32 v5, v6;
	_ =	sdelay $0x1  }
0x24f: {  	v1 =	vadd.f32 v2, v1;
	v2 =	vmul.f32 v7, v8;
	_ =	sdelay $0x1  }
0x250: {  	v1 =	vadd.f32 v2, v1;
	v2 =	vmul.f32 v3, v4;
	_ =	sdelay $0x1  }
0x251: {  	v1 =	vadd.f32 v2, v1  }
0x252: {  	s11 =	simm.s32 $0x8400  }
0x253: {  	[tilespmem:s11+$0xFFFFFE00] =	vst v1  }
0x254: {  	v1 =	vld [tilespmem:s22+$0xFFFFFE90]  }
0x255: {  	v2 =	vld [tilespmem:s10+$0xFFFFFE80]  }
0x256: {  	v3 =	vld [tilespmem:s10+$0xFFFFFE90]  }
0x257: {  	v4 =	vld [tilespmem:s22+$0xFFFFFE80]  }
0x258: {  	v5 =	vld [tilespmem:s22+$0xFFFFFEA0]  }
0x259: {  	v6 =	vld [tilespmem:s10+$0xFFFFFEA0]  }
0x25a: {  	v7 =	vld [tilespmem:s22+$0xFFFFFEB0]  }
0x25b: {  	v8 =	vld [tilespmem:s10+$0xFFFFFEB0]  }
0x25c: {  	v1 =	vmul.f32 v1, v3;
	v2 =	vmul.f32 v4, v2;
	v3 =	vld [tilespmem:s22+$0xFFFFFEC0]  }
0x25d: {  	v4 =	vld [tilespmem:s10+$0xFFFFFEC0]  }
0x25e: {  	v1 =	vadd.f32 v1, v2;
	v2 =	vmul.f32 v5, v6;
	v5 =	vld [tilespmem:s22+$0xFFFFFED0]  }
0x25f: {  	v6 =	vld [tilespmem:s10+$0xFFFFFED0]  }
0x260: {  	v1 =	vadd.f32 v2, v1;
	v2 =	vmul.f32 v7, v8;
	v7 =	vld [tilespmem:s22+$0xFFFFFEE0]  }
0x261: {  	v8 =	vld [tilespmem:s10+$0xFFFFFEE0]  }
0x262: {  	v1 =	vadd.f32 v2, v1;
	v2 =	vmul.f32 v3, v4;
	v3 =	vld [tilespmem:s22+$0xFFFFFEF0]  }
0x263: {  	v4 =	vld [tilespmem:s10+$0xFFFFFEF0]  }
0x264: {  	v1 =	vadd.f32 v2, v1;
	v2 =	vmul.f32 v5, v6;
	_ =	sdelay $0x1  }
0x265: {  	v1 =	vadd.f32 v2, v1;
	v2 =	vmul.f32 v7, v8;
	_ =	sdelay $0x1  }
0x266: {  	v1 =	vadd.f32 v2, v1;
	v2 =	vmul.f32 v3, v4;
	_ =	sdelay $0x1  }
0x267: {  	v1 =	vadd.f32 v2, v1;
	_ =	sdelay $0x1  }
0x268: {  	[tilespmem:s11+$0xFFFFFE80] =	vst v1  }
0x269: {  	v1 =	vld [tilespmem:s10+$0xFFFFFF00]  }
0x26a: {  	v2 =	vld [tilespmem:s22+$0xFFFFFF00]  }
0x26b: {  	v3 =	vld [tilespmem:s22+$0xFFFFFF10]  }
0x26c: {  	v4 =	vld [tilespmem:s10+$0xFFFFFF10]  }
0x26d: {  	v5 =	vld [tilespmem:s10+$0xFFFFFF20]  }
0x26e: {  	v6 =	vld [tilespmem:s22+$0xFFFFFF20]  }
0x26f: {  	v7 =	vld [tilespmem:s10+$0xFFFFFF30]  }
0x270: {  	v8 =	vld [tilespmem:s22+$0xFFFFFF30]  }
0x271: {  	v1 =	vmul.f32 v2, v1;
	v2 =	vmul.f32 v3, v4;
	v3 =	vld [tilespmem:s22+$0xFFFFFF40]  }
0x272: {  	v4 =	vld [tilespmem:s10+$0xFFFFFF40]  }
0x273: {  	v1 =	vadd.f32 v2, v1;
	v2 =	vmul.f32 v6, v5;
	v5 =	vld [tilespmem:s22+$0xFFFFFF50]  }
0x274: {  	v6 =	vld [tilespmem:s10+$0xFFFFFF50]  }
0x275: {  	v1 =	vadd.f32 v2, v1;
	v2 =	vmul.f32 v8, v7;
	v7 =	vld [tilespmem:s22+$0xFFFFFF60]  }
0x276: {  	v8 =	vld [tilespmem:s10+$0xFFFFFF60]  }
0x277: {  	v1 =	vadd.f32 v2, v1;
	v2 =	vmul.f32 v3, v4;
	v3 =	vld [tilespmem:s22+$0xFFFFFF70]  }
0x278: {  	v4 =	vld [tilespmem:s10+$0xFFFFFF70]  }
0x279: {  	v1 =	vadd.f32 v2, v1;
	v2 =	vmul.f32 v5, v6;
	_ =	sdelay $0x1  }
0x27a: {  	v1 =	vadd.f32 v2, v1;
	v2 =	vmul.f32 v7, v8;
	_ =	sdelay $0x1  }
0x27b: {  	v1 =	vadd.f32 v2, v1;
	v2 =	vmul.f32 v3, v4;
	_ =	sdelay $0x1  }
0x27c: {  	v1 =	vadd.f32 v2, v1;
	_ =	sdelay $0x1  }
0x27d: {  	[tilespmem:s11+$0xFFFFFF00] =	vst v1  }
0x27e: {  	v1 =	vld [tilespmem:s22+$0xFFFFFF80]  }
0x27f: {  	v2 =	vld [tilespmem:s10+$0xFFFFFF80]  }
0x280: {  	v3 =	vld [tilespmem:s22+$0xFFFFFF90]  }
0x281: {  	v4 =	vld [tilespmem:s10+$0xFFFFFF90]  }
0x282: {  	v5 =	vld [tilespmem:s10+$0xFFFFFFA0]  }
0x283: {  	v6 =	vld [tilespmem:s22+$0xFFFFFFA0]  }
0x284: {  	v7 =	vld [tilespmem:s22+$0xFFFFFFB0]  }
0x285: {  	v8 =	vld [tilespmem:s10+$0xFFFFFFB0]  }
0x286: {  	v1 =	vmul.f32 v1, v2;
	v2 =	vmul.f32 v3, v4;
	v3 =	vld [tilespmem:s22+$0xFFFFFFC0]  }
0x287: {  	v4 =	vld [tilespmem:s10+$0xFFFFFFC0]  }
0x288: {  	v1 =	vadd.f32 v2, v1;
	v2 =	vmul.f32 v6, v5;
	v5 =	vld [tilespmem:s22+$0xFFFFFFD0]  }
0x289: {  	v6 =	vld [tilespmem:s10+$0xFFFFFFD0]  }
0x28a: {  	v1 =	vadd.f32 v2, v1;
	v2 =	vmul.f32 v7, v8;
	v7 =	vld [tilespmem:s22+$0xFFFFFFE0]  }
0x28b: {  	v8 =	vld [tilespmem:s10+$0xFFFFFFE0]  }
0x28c: {  	v1 =	vadd.f32 v2, v1;
	v2 =	vmul.f32 v3, v4;
	v3 =	vld [tilespmem:s22+$0xFFFFFFF0]  }
0x28d: {  	v4 =	vld [tilespmem:s10+$0xFFFFFFF0]  }
0x28e: {  	v1 =	vadd.f32 v2, v1;
	v2 =	vmul.f32 v5, v6;
	_ =	sdelay $0x1  }
0x28f: {  	v1 =	vadd.f32 v2, v1;
	v2 =	vmul.f32 v7, v8;
	_ =	sdelay $0x1  }
0x290: {  	v1 =	vadd.f32 v2, v1;
	v2 =	vmul.f32 v3, v4;
	_ =	sdelay $0x1  }
0x291: {  	v1 =	vadd.f32 v2, v1;
	_ =	sdelay $0x1  }
0x292: {  	[tilespmem:s11+$0xFFFFFF80] =	vst v1  }
0x293: {  	v1 =	vld [tilespmem:s22+$0x0]  }
0x294: {  	v2 =	vld [tilespmem:s10+$0x0]  }
0x295: {  	v3 =	vld [tilespmem:s22+$0x10]  }
0x296: {  	v4 =	vld [tilespmem:s10+$0x10]  }
0x297: {  	v5 =	vld [tilespmem:s22+$0x20]  }
0x298: {  	v6 =	vld [tilespmem:s10+$0x20]  }
0x299: {  	v7 =	vld [tilespmem:s22+$0x30]  }
0x29a: {  	v8 =	vld [tilespmem:s10+$0x30]  }
0x29b: {  	v1 =	vmul.f32 v1, v2;
	v2 =	vmul.f32 v3, v4;
	v3 =	vld [tilespmem:s22+$0x40]  }
0x29c: {  	v4 =	vld [tilespmem:s10+$0x40]  }
0x29d: {  	v1 =	vadd.f32 v2, v1;
	v2 =	vmul.f32 v5, v6;
	v5 =	vld [tilespmem:s22+$0x50]  }
0x29e: {  	v6 =	vld [tilespmem:s10+$0x50]  }
0x29f: {  	v1 =	vadd.f32 v2, v1;
	v2 =	vmul.f32 v7, v8;
	v7 =	vld [tilespmem:s22+$0x60]  }
0x2a0: {  	v8 =	vld [tilespmem:s10+$0x60]  }
0x2a1: {  	v1 =	vadd.f32 v2, v1;
	v2 =	vmul.f32 v3, v4;
	v3 =	vld [tilespmem:s22+$0x70]  }
0x2a2: {  	v4 =	vld [tilespmem:s10+$0x70]  }
0x2a3: {  	v1 =	vadd.f32 v2, v1;
	v2 =	vmul.f32 v5, v6;
	_ =	sdelay $0x1  }
0x2a4: {  	v1 =	vadd.f32 v2, v1;
	v2 =	vmul.f32 v7, v8;
	_ =	sdelay $0x1  }
0x2a5: {  	v1 =	vadd.f32 v2, v1;
	v2 =	vmul.f32 v3, v4;
	_ =	sdelay $0x1  }
0x2a6: {  	v1 =	vadd.f32 v2, v1;
	_ =	sdelay $0x1  }
0x2a7: {  	[tilespmem:s11+$0x0] =	vst v1  }
0x2a8: {  	v1 =	vld [tilespmem:s22+$0x80]  }
0x2a9: {  	v2 =	vld [tilespmem:s10+$0x80]  }
0x2aa: {  	v3 =	vld [tilespmem:s22+$0x90]  }
0x2ab: {  	v4 =	vld [tilespmem:s10+$0x90]  }
0x2ac: {  	v5 =	vld [tilespmem:s10+$0xA0]  }
0x2ad: {  	v6 =	vld [tilespmem:s22+$0xA0]  }
0x2ae: {  	v7 =	vld [tilespmem:s10+$0xB0]  }
0x2af: {  	v8 =	vld [tilespmem:s22+$0xB0]  }
0x2b0: {  	v1 =	vmul.f32 v1, v2;
	v2 =	vmul.f32 v3, v4;
	v3 =	vld [tilespmem:s10+$0xC0]  }
0x2b1: {  	v4 =	vld [tilespmem:s22+$0xC0]  }
0x2b2: {  	v1 =	vadd.f32 v2, v1;
	v2 =	vmul.f32 v6, v5;
	v5 =	vld [tilespmem:s10+$0xD0]  }
0x2b3: {  	v6 =	vld [tilespmem:s22+$0xD0]  }
0x2b4: {  	v1 =	vadd.f32 v2, v1;
	v2 =	vmul.f32 v8, v7;
	v7 =	vld [tilespmem:s10+$0xE0]  }
0x2b5: {  	v8 =	vld [tilespmem:s22+$0xE0]  }
0x2b6: {  	v1 =	vadd.f32 v2, v1;
	v2 =	vmul.f32 v4, v3;
	v3 =	vld [tilespmem:s10+$0xF0]  }
0x2b7: {  	v4 =	vld [tilespmem:s22+$0xF0]  }
0x2b8: {  	v1 =	vadd.f32 v2, v1;
	v2 =	vmul.f32 v6, v5;
	_ =	sdelay $0x1  }
0x2b9: {  	v1 =	vadd.f32 v2, v1;
	v2 =	vmul.f32 v8, v7;
	_ =	sdelay $0x1  }
0x2ba: {  	v1 =	vadd.f32 v2, v1;
	v2 =	vmul.f32 v4, v3;
	_ =	sdelay $0x1  }
0x2bb: {  	v1 =	vadd.f32 v2, v1;
	_ =	sdelay $0x1  }
0x2bc: {  	[tilespmem:s11+$0x80] =	vst v1  }
0x2bd: {  	v1 =	vld [tilespmem:s10+$0x100]  }
0x2be: {  	v2 =	vld [tilespmem:s22+$0x100]  }
0x2bf: {  	v3 =	vld [tilespmem:s22+$0x110]  }
0x2c0: {  	v4 =	vld [tilespmem:s10+$0x110]  }
0x2c1: {  	v5 =	vld [tilespmem:s10+$0x120]  }
0x2c2: {  	v6 =	vld [tilespmem:s22+$0x120]  }
0x2c3: {  	v7 =	vld [tilespmem:s10+$0x130]  }
0x2c4: {  	v8 =	vld [tilespmem:s22+$0x130]  }
0x2c5: {  	v1 =	vmul.f32 v2, v1;
	v2 =	vmul.f32 v3, v4;
	v3 =	vld [tilespmem:s10+$0x140]  }
0x2c6: {  	v4 =	vld [tilespmem:s22+$0x140]  }
0x2c7: {  	v1 =	vadd.f32 v2, v1;
	v2 =	vmul.f32 v6, v5;
	v5 =	vld [tilespmem:s10+$0x150]  }
0x2c8: {  	v6 =	vld [tilespmem:s22+$0x150]  }
0x2c9: {  	v1 =	vadd.f32 v2, v1;
	v2 =	vmul.f32 v8, v7;
	v7 =	vld [tilespmem:s10+$0x160]  }
0x2ca: {  	v8 =	vld [tilespmem:s22+$0x160]  }
0x2cb: {  	v1 =	vadd.f32 v2, v1;
	v2 =	vmul.f32 v4, v3;
	v3 =	vld [tilespmem:s10+$0x170]  }
0x2cc: {  	v4 =	vld [tilespmem:s22+$0x170]  }
0x2cd: {  	v1 =	vadd.f32 v2, v1;
	v2 =	vmul.f32 v6, v5;
	_ =	sdelay $0x1  }
0x2ce: {  	v1 =	vadd.f32 v2, v1;
	v2 =	vmul.f32 v8, v7;
	_ =	sdelay $0x1  }
0x2cf: {  	v1 =	vadd.f32 v2, v1;
	v2 =	vmul.f32 v4, v3;
	_ =	sdelay $0x1  }
0x2d0: {  	v1 =	vadd.f32 v2, v1;
	_ =	sdelay $0x1  }
0x2d1: {  	[tilespmem:s11+$0x100] =	vst v1  }
0x2d2: {  	v1 =	vld [tilespmem:s10+$0x1A0]  }
0x2d3: {  	s14 =	simm.s32 $0x0;
	v3 =	vld [tilespmem:s10+$0x180]  }
0x2d4: {  	s18 =	simm.s32 $0x6800;
	s13 =	simm.s32 $0x4400;
	s12 =	simm.s32 $0x8400;
	v2 =	vld [tilespmem:s22+$0x1A0]  }
.LBB2_5:
0x2d5: {  	s14 =	sadd.s32 $0x8, s14;
	v4 =	vld [tilespmem:s22+$0x190];
	s11 =	sadd.s32 $0x400, s11;
	s10 =	sadd.s32 $0x400, s10  }
0x2d6: {  	p1 =	slt.u32 s14, $0x38;
	v5 =	vld [tilespmem:s22+$0x180]  }
0x2d7: {  	v6 =	vld [tilespmem:s13+$0x190]  }
0x2d8: {  	v7 =	vld [tilespmem:s13+$0x1B0]  }
0x2d9: {  	v8 =	vld [tilespmem:s22+$0x1B0]  }
0x2da: {  	v9 =	vld [tilespmem:s13+$0x1C0]  }
0x2db: {  	v1 =	vmul.f32 v2, v1;
	v3 =	vmul.f32 v5, v3;
	v2 =	vld [tilespmem:s22+$0x1C0]  }
0x2dc: {  	v4 =	vmul.f32 v4, v6;
	v5 =	vld [tilespmem:s13+$0x1D0]  }
0x2dd: {  	v6 =	vld [tilespmem:s22+$0x1D0]  }
0x2de: {  	v3 =	vadd.f32 v4, v3;
	v4 =	vmul.f32 v8, v7;
	v7 =	vld [tilespmem:s13+$0x1E0]  }
0x2df: {  	v8 =	vld [tilespmem:s22+$0x1E0]  }
0x2e0: {  	v1 =	vadd.f32 v1, v3;
	v3 =	vld [tilespmem:s13+$0x1F0];
	s13 =	smov.u32 s10  }
0x2e1: {  	v2 =	vmul.f32 v2, v9;
	v9 =	vld [tilespmem:s22+$0x1F0];
	s22 =	smov.u32 s18  }
0x2e2: {  	v1 =	vadd.f32 v4, v1  }
0x2e3: {  	v4 =	vmul.f32 v6, v5  }
0x2e4: {  	v1 =	vadd.f32 v2, v1;
	v2 =	vmul.f32 v8, v7;
	_ =	sdelay $0x1  }
0x2e5: {  	v1 =	vadd.f32 v4, v1;
	v3 =	vmul.f32 v9, v3;
	_ =	sdelay $0x1  }
0x2e6: {  	v1 =	vadd.f32 v2, v1;
	_ =	sdelay $0x1  }
0x2e7: {  	v1 =	vadd.f32 v3, v1;
	_ =	sdelay $0x1  }
0x2e8: {  	[tilespmem:s12+$0x180] =	vst v1;
	s12 =	smov.u32 s11  }
0x2e9: {  	v1 =	vld [tilespmem:s10+$0xFFFFFE00]  }
0x2ea: {  	v2 =	vld [tilespmem:s18+$0xFFFFFE10]  }
0x2eb: {  	v3 =	vld [tilespmem:s10+$0xFFFFFE10]  }
0x2ec: {  	v4 =	vld [tilespmem:s18+$0xFFFFFE00]  }
0x2ed: {  	v5 =	vld [tilespmem:s18+$0xFFFFFE20]  }
0x2ee: {  	v6 =	vld [tilespmem:s10+$0xFFFFFE20]  }
0x2ef: {  	v7 =	vld [tilespmem:s18+$0xFFFFFE30]  }
0x2f0: {  	v2 =	vmul.f32 v2, v3;
	v3 =	vld [tilespmem:s10+$0xFFFFFE30]  }
0x2f1: {  	v1 =	vmul.f32 v4, v1;
	v4 =	vld [tilespmem:s18+$0xFFFFFE40]  }
0x2f2: {  	v8 =	vld [tilespmem:s10+$0xFFFFFE40]  }
0x2f3: {  	v1 =	vadd.f32 v2, v1;
	v2 =	vmul.f32 v5, v6;
	v5 =	vld [tilespmem:s18+$0xFFFFFE50]  }
0x2f4: {  	v6 =	vld [tilespmem:s10+$0xFFFFFE50]  }
0x2f5: {  	v1 =	vadd.f32 v2, v1;
	v2 =	vmul.f32 v7, v3;
	v3 =	vld [tilespmem:s18+$0xFFFFFE60]  }
0x2f6: {  	v7 =	vld [tilespmem:s10+$0xFFFFFE60]  }
0x2f7: {  	v1 =	vadd.f32 v2, v1;
	v2 =	vmul.f32 v4, v8;
	v4 =	vld [tilespmem:s18+$0xFFFFFE70]  }
0x2f8: {  	v8 =	vld [tilespmem:s10+$0xFFFFFE70]  }
0x2f9: {  	v1 =	vadd.f32 v2, v1;
	v2 =	vmul.f32 v5, v6;
	_ =	sdelay $0x1  }
0x2fa: {  	v1 =	vadd.f32 v2, v1;
	v2 =	vmul.f32 v3, v7;
	_ =	sdelay $0x1  }
0x2fb: {  	v1 =	vadd.f32 v2, v1;
	v2 =	vmul.f32 v4, v8;
	_ =	sdelay $0x1  }
0x2fc: {  	v1 =	vadd.f32 v2, v1;
	_ =	sdelay $0x1  }
0x2fd: {  	[tilespmem:s11+$0xFFFFFE00] =	vst v1  }
0x2fe: {  	v1 =	vld [tilespmem:s18+$0xFFFFFE90]  }
0x2ff: {  	v2 =	vld [tilespmem:s10+$0xFFFFFE80]  }
0x300: {  	v3 =	vld [tilespmem:s10+$0xFFFFFE90]  }
0x301: {  	v4 =	vld [tilespmem:s18+$0xFFFFFE80]  }
0x302: {  	v5 =	vld [tilespmem:s18+$0xFFFFFEA0]  }
0x303: {  	v6 =	vld [tilespmem:s10+$0xFFFFFEA0]  }
0x304: {  	v7 =	vld [tilespmem:s18+$0xFFFFFEB0]  }
0x305: {  	v1 =	vmul.f32 v1, v3;
	v3 =	vld [tilespmem:s10+$0xFFFFFEB0]  }
0x306: {  	v2 =	vmul.f32 v4, v2;
	v4 =	vld [tilespmem:s18+$0xFFFFFEC0]  }
0x307: {  	v8 =	vld [tilespmem:s10+$0xFFFFFEC0]  }
0x308: {  	v1 =	vadd.f32 v1, v2;
	v2 =	vmul.f32 v5, v6;
	v5 =	vld [tilespmem:s18+$0xFFFFFED0]  }
0x309: {  	v6 =	vld [tilespmem:s10+$0xFFFFFED0]  }
0x30a: {  	v1 =	vadd.f32 v2, v1;
	v2 =	vmul.f32 v7, v3;
	v3 =	vld [tilespmem:s18+$0xFFFFFEE0]  }
0x30b: {  	v7 =	vld [tilespmem:s10+$0xFFFFFEE0]  }
0x30c: {  	v1 =	vadd.f32 v2, v1;
	v2 =	vmul.f32 v4, v8;
	v4 =	vld [tilespmem:s18+$0xFFFFFEF0]  }
0x30d: {  	v8 =	vld [tilespmem:s10+$0xFFFFFEF0]  }
0x30e: {  	v1 =	vadd.f32 v2, v1;
	v2 =	vmul.f32 v5, v6;
	_ =	sdelay $0x1  }
0x30f: {  	v1 =	vadd.f32 v2, v1;
	v2 =	vmul.f32 v3, v7;
	_ =	sdelay $0x1  }
0x310: {  	v1 =	vadd.f32 v2, v1;
	v2 =	vmul.f32 v4, v8;
	_ =	sdelay $0x1  }
0x311: {  	v1 =	vadd.f32 v2, v1;
	_ =	sdelay $0x1  }
0x312: {  	[tilespmem:s11+$0xFFFFFE80] =	vst v1  }
0x313: {  	v1 =	vld [tilespmem:s10+$0xFFFFFF00]  }
0x314: {  	v2 =	vld [tilespmem:s18+$0xFFFFFF00]  }
0x315: {  	v3 =	vld [tilespmem:s18+$0xFFFFFF10]  }
0x316: {  	v4 =	vld [tilespmem:s10+$0xFFFFFF10]  }
0x317: {  	v5 =	vld [tilespmem:s10+$0xFFFFFF20]  }
0x318: {  	v6 =	vld [tilespmem:s18+$0xFFFFFF20]  }
0x319: {  	v1 =	vmul.f32 v2, v1;
	v2 =	vld [tilespmem:s10+$0xFFFFFF30]  }
0x31a: {  	v7 =	vld [tilespmem:s18+$0xFFFFFF30]  }
0x31b: {  	v3 =	vmul.f32 v3, v4;
	v4 =	vld [tilespmem:s18+$0xFFFFFF40]  }
0x31c: {  	v8 =	vld [tilespmem:s10+$0xFFFFFF40]  }
0x31d: {  	v1 =	vadd.f32 v3, v1;
	v3 =	vmul.f32 v6, v5;
	v5 =	vld [tilespmem:s18+$0xFFFFFF50]  }
0x31e: {  	v6 =	vld [tilespmem:s10+$0xFFFFFF50]  }
0x31f: {  	v1 =	vadd.f32 v3, v1;
	v2 =	vmul.f32 v7, v2;
	v3 =	vld [tilespmem:s18+$0xFFFFFF60]  }
0x320: {  	v7 =	vld [tilespmem:s10+$0xFFFFFF60]  }
0x321: {  	v1 =	vadd.f32 v2, v1;
	v2 =	vmul.f32 v4, v8;
	v4 =	vld [tilespmem:s18+$0xFFFFFF70]  }
0x322: {  	v8 =	vld [tilespmem:s10+$0xFFFFFF70]  }
0x323: {  	v1 =	vadd.f32 v2, v1;
	v2 =	vmul.f32 v5, v6;
	_ =	sdelay $0x1  }
0x324: {  	v1 =	vadd.f32 v2, v1;
	v2 =	vmul.f32 v3, v7;
	_ =	sdelay $0x1  }
0x325: {  	v1 =	vadd.f32 v2, v1;
	v2 =	vmul.f32 v4, v8;
	_ =	sdelay $0x1  }
0x326: {  	v1 =	vadd.f32 v2, v1;
	_ =	sdelay $0x1  }
0x327: {  	[tilespmem:s11+$0xFFFFFF00] =	vst v1  }
0x328: {  	v1 =	vld [tilespmem:s18+$0xFFFFFF80]  }
0x329: {  	v2 =	vld [tilespmem:s10+$0xFFFFFF80]  }
0x32a: {  	v3 =	vld [tilespmem:s18+$0xFFFFFF90]  }
0x32b: {  	v4 =	vld [tilespmem:s10+$0xFFFFFF90]  }
0x32c: {  	v5 =	vld [tilespmem:s10+$0xFFFFFFA0]  }
0x32d: {  	v6 =	vld [tilespmem:s18+$0xFFFFFFA0]  }
0x32e: {  	v1 =	vmul.f32 v1, v2;
	v2 =	vld [tilespmem:s18+$0xFFFFFFB0]  }
0x32f: {  	v7 =	vld [tilespmem:s10+$0xFFFFFFB0]  }
0x330: {  	v3 =	vmul.f32 v3, v4;
	v4 =	vld [tilespmem:s18+$0xFFFFFFC0]  }
0x331: {  	v8 =	vld [tilespmem:s10+$0xFFFFFFC0]  }
0x332: {  	v1 =	vadd.f32 v3, v1;
	v3 =	vmul.f32 v6, v5;
	v5 =	vld [tilespmem:s18+$0xFFFFFFD0]  }
0x333: {  	v6 =	vld [tilespmem:s10+$0xFFFFFFD0]  }
0x334: {  	v1 =	vadd.f32 v3, v1;
	v2 =	vmul.f32 v2, v7;
	v3 =	vld [tilespmem:s18+$0xFFFFFFE0]  }
0x335: {  	v7 =	vld [tilespmem:s10+$0xFFFFFFE0]  }
0x336: {  	v1 =	vadd.f32 v2, v1;
	v2 =	vmul.f32 v4, v8;
	v4 =	vld [tilespmem:s18+$0xFFFFFFF0]  }
0x337: {  	v8 =	vld [tilespmem:s10+$0xFFFFFFF0]  }
0x338: {  	v1 =	vadd.f32 v2, v1;
	v2 =	vmul.f32 v5, v6;
	_ =	sdelay $0x1  }
0x339: {  	v1 =	vadd.f32 v2, v1;
	v2 =	vmul.f32 v3, v7;
	_ =	sdelay $0x1  }
0x33a: {  	v1 =	vadd.f32 v2, v1;
	v2 =	vmul.f32 v4, v8;
	_ =	sdelay $0x1  }
0x33b: {  	v1 =	vadd.f32 v2, v1;
	_ =	sdelay $0x1  }
0x33c: {  	[tilespmem:s11+$0xFFFFFF80] =	vst v1  }
0x33d: {  	v1 =	vld [tilespmem:s18+$0x0]  }
0x33e: {  	v2 =	vld [tilespmem:s10+$0x0]  }
0x33f: {  	v3 =	vld [tilespmem:s18+$0x10]  }
0x340: {  	v4 =	vld [tilespmem:s10+$0x10]  }
0x341: {  	v5 =	vld [tilespmem:s18+$0x20]  }
0x342: {  	v6 =	vld [tilespmem:s10+$0x20]  }
0x343: {  	v1 =	vmul.f32 v1, v2;
	v2 =	vld [tilespmem:s18+$0x30]  }
0x344: {  	v7 =	vld [tilespmem:s10+$0x30]  }
0x345: {  	v3 =	vmul.f32 v3, v4;
	v4 =	vld [tilespmem:s18+$0x40]  }
0x346: {  	v8 =	vld [tilespmem:s10+$0x40]  }
0x347: {  	v1 =	vadd.f32 v3, v1;
	v3 =	vmul.f32 v5, v6;
	v5 =	vld [tilespmem:s18+$0x50]  }
0x348: {  	v6 =	vld [tilespmem:s10+$0x50]  }
0x349: {  	v1 =	vadd.f32 v3, v1;
	v2 =	vmul.f32 v2, v7;
	v3 =	vld [tilespmem:s18+$0x60]  }
0x34a: {  	v7 =	vld [tilespmem:s10+$0x60]  }
0x34b: {  	v1 =	vadd.f32 v2, v1;
	v2 =	vmul.f32 v4, v8;
	v4 =	vld [tilespmem:s18+$0x70]  }
0x34c: {  	v8 =	vld [tilespmem:s10+$0x70]  }
0x34d: {  	v1 =	vadd.f32 v2, v1;
	v2 =	vmul.f32 v5, v6;
	_ =	sdelay $0x1  }
0x34e: {  	v1 =	vadd.f32 v2, v1;
	v2 =	vmul.f32 v3, v7;
	_ =	sdelay $0x1  }
0x34f: {  	v1 =	vadd.f32 v2, v1;
	v2 =	vmul.f32 v4, v8;
	_ =	sdelay $0x1  }
0x350: {  	v1 =	vadd.f32 v2, v1;
	_ =	sdelay $0x1  }
0x351: {  	[tilespmem:s11+$0x0] =	vst v1  }
0x352: {  	v1 =	vld [tilespmem:s18+$0x80]  }
0x353: {  	v2 =	vld [tilespmem:s10+$0x80]  }
0x354: {  	v3 =	vld [tilespmem:s18+$0x90]  }
0x355: {  	v4 =	vld [tilespmem:s10+$0x90]  }
0x356: {  	v5 =	vld [tilespmem:s10+$0xA0]  }
0x357: {  	v6 =	vld [tilespmem:s18+$0xA0]  }
0x358: {  	v1 =	vmul.f32 v1, v2;
	v2 =	vld [tilespmem:s10+$0xB0]  }
0x359: {  	v7 =	vld [tilespmem:s18+$0xB0]  }
0x35a: {  	v3 =	vmul.f32 v3, v4;
	v4 =	vld [tilespmem:s10+$0xC0]  }
0x35b: {  	v8 =	vld [tilespmem:s18+$0xC0]  }
0x35c: {  	v1 =	vadd.f32 v3, v1;
	v3 =	vmul.f32 v6, v5;
	v5 =	vld [tilespmem:s10+$0xD0]  }
0x35d: {  	v6 =	vld [tilespmem:s18+$0xD0]  }
0x35e: {  	v1 =	vadd.f32 v3, v1;
	v2 =	vmul.f32 v7, v2;
	v3 =	vld [tilespmem:s10+$0xE0]  }
0x35f: {  	v7 =	vld [tilespmem:s18+$0xE0]  }
0x360: {  	v1 =	vadd.f32 v2, v1;
	v2 =	vmul.f32 v8, v4;
	v4 =	vld [tilespmem:s10+$0xF0]  }
0x361: {  	v8 =	vld [tilespmem:s18+$0xF0]  }
0x362: {  	v1 =	vadd.f32 v2, v1;
	v2 =	vmul.f32 v6, v5;
	_ =	sdelay $0x1  }
0x363: {  	v1 =	vadd.f32 v2, v1;
	v2 =	vmul.f32 v7, v3;
	_ =	sdelay $0x1  }
0x364: {  	v1 =	vadd.f32 v2, v1;
	v2 =	vmul.f32 v8, v4;
	_ =	sdelay $0x1  }
0x365: {  	v1 =	vadd.f32 v2, v1;
	_ =	sdelay $0x1  }
0x366: {  	[tilespmem:s11+$0x80] =	vst v1  }
0x367: {  	v1 =	vld [tilespmem:s10+$0x100]  }
0x368: {  	v2 =	vld [tilespmem:s18+$0x100]  }
0x369: {  	v3 =	vld [tilespmem:s18+$0x110]  }
0x36a: {  	v4 =	vld [tilespmem:s10+$0x110]  }
0x36b: {  	v5 =	vld [tilespmem:s10+$0x120]  }
0x36c: {  	v6 =	vld [tilespmem:s18+$0x120]  }
0x36d: {  	v1 =	vmul.f32 v2, v1;
	v2 =	vld [tilespmem:s10+$0x130]  }
0x36e: {  	v7 =	vld [tilespmem:s18+$0x130]  }
0x36f: {  	v3 =	vmul.f32 v3, v4;
	v4 =	vld [tilespmem:s10+$0x140]  }
0x370: {  	v8 =	vld [tilespmem:s18+$0x140]  }
0x371: {  	v1 =	vadd.f32 v3, v1;
	v3 =	vmul.f32 v6, v5;
	v5 =	vld [tilespmem:s10+$0x150]  }
0x372: {  	v6 =	vld [tilespmem:s18+$0x150]  }
0x373: {  	v1 =	vadd.f32 v3, v1;
	v2 =	vmul.f32 v7, v2;
	v3 =	vld [tilespmem:s10+$0x160]  }
0x374: {  	v7 =	vld [tilespmem:s18+$0x160]  }
0x375: {  	v1 =	vadd.f32 v2, v1;
	v2 =	vmul.f32 v8, v4;
	v4 =	vld [tilespmem:s10+$0x170]  }
0x376: {  	v8 =	vld [tilespmem:s18+$0x170]  }
0x377: {  	v1 =	vadd.f32 v2, v1;
	v2 =	vmul.f32 v6, v5;
	_ =	sdelay $0x1  }
0x378: {  	v1 =	vadd.f32 v2, v1;
	v2 =	vmul.f32 v7, v3;
	_ =	sdelay $0x1  }
0x379: {  	v1 =	vadd.f32 v2, v1;
	v2 =	vmul.f32 v8, v4;
	_ =	sdelay $0x1  }
0x37a: {  	v1 =	vadd.f32 v2, v1  }
.Ltmp1:
0x37b: {  	(pc) =	sbr.rel @p1 .LBB2_5-.Ltmp1, $4  }
0x37c: {  	[tilespmem:s11+$0x100] =	vst v1  }
0x37d: {  	v1 =	vld [tilespmem:s10+$0x1A0]  }
0x37e: {  	v3 =	vld [tilespmem:s10+$0x180]  }
0x37f: {  	s18 =	sadd.s32 $0x400, s18;
	v2 =	vld [tilespmem:s22+$0x1A0]  }
0x380: {  	v4 =	vld [tilespmem:s22+$0x190]  }
0x381: {  	v5 =	vld [tilespmem:s22+$0x180]  }
0x382: {  	v6 =	vld [tilespmem:s13+$0x190];
	_ =	sdelay $0x2  }
0x383: {  	v7 =	vld [tilespmem:s13+$0x1B0]  }
0x384: {  	v8 =	vld [tilespmem:s22+$0x1B0]  }
0x385: {  	v3 =	vmul.f32 v5, v3;
	v5 =	vld [tilespmem:s13+$0x1C0];
	v4 =	vmul.f32 v4, v6  }
0x386: {  	v6 =	vld [tilespmem:s22+$0x1C0]  }
0x387: {  	v1 =	vmul.f32 v2, v1;
	v2 =	vld [tilespmem:s13+$0x1D0];
	v3 =	vadd.f32 v4, v3  }
0x388: {  	v4 =	vld [tilespmem:s22+$0x1D0]  }
0x389: {  	v7 =	vmul.f32 v8, v7;
	v8 =	vld [tilespmem:s13+$0x1E0];
	v1 =	vadd.f32 v1, v3  }
0x38a: {  	v3 =	vld [tilespmem:s22+$0x1E0]  }
0x38b: {  	v5 =	vmul.f32 v6, v5;
	v6 =	vld [tilespmem:s13+$0x1F0];
	v1 =	vadd.f32 v7, v1  }
0x38c: {  	v7 =	vld [tilespmem:s22+$0x1F0]  }
0x38d: {  	v2 =	vmul.f32 v4, v2;
	v1 =	vadd.f32 v5, v1;
	_ =	sdelay $0x1  }
0x38e: {  	v3 =	vmul.f32 v3, v8;
	v1 =	vadd.f32 v2, v1;
	_ =	sdelay $0x1  }
0x38f: {  	v2 =	vmul.f32 v7, v6;
	v1 =	vadd.f32 v3, v1;
	_ =	sdelay $0x1  }
0x390: {  	v1 =	vadd.f32 v2, v1;
	v2 =	vld [tilespmem:$0x1FF70];
	_ =	sdelay $0x1  }
0x391: {  	v3 =	vld [tilespmem:$0x1FF80];
	_ =	sdelay $0x1  }
0x392: {  	v4 =	vld [tilespmem:$0x1FF90];
	_ =	sdelay $0x1  }
0x393: {  	[tilespmem:s12+$0x180] =	vst v1  }
0x394: {  	v1 =	vld.idx.msk [tilespmem:v0+s1+$0x0], $0xffff  }
0x395: {  	v2 =	vld.idx.msk [tilespmem:v2+s1+$0x0], $0xffff;
	_ =	sdelay $0x1  }
0x396: {  	v3 =	vld.idx.msk [tilespmem:v3+s1+$0x0], $0xffff;
	_ =	sdelay $0x1  }
0x397: {  	v4 =	vld.idx.msk [tilespmem:v4+s1+$0x0], $0xffff  }
0x398: {  	v1 =	vadd.f32 v2, v1;
	v2 =	vld [tilespmem:$0x1FFA0];
	_ =	sdelay $0x1  }
0x399: {  	v1 =	vadd.f32 v3, v1;
	v3 =	vld [tilespmem:$0x1FFB0];
	_ =	sdelay $0x1  }
0x39a: {  	v1 =	vadd.f32 v4, v1;
	v4 =	vld [tilespmem:$0x1FFC0];
	_ =	sdelay $0x3  }
0x39b: {  	v2 =	vld.idx.msk [tilespmem:v2+s1+$0x0], $0xffff;
	_ =	sdelay $0x1  }
0x39c: {  	v3 =	vld.idx.msk [tilespmem:v3+s1+$0x0], $0xffff;
	_ =	sdelay $0x1  }
0x39d: {  	v4 =	vld.idx.msk [tilespmem:v4+s1+$0x0], $0xffff  }
0x39e: {  	v1 =	vadd.f32 v2, v1;
	v2 =	vld [tilespmem:$0x1FFD0];
	_ =	sdelay $0x1  }
0x39f: {  	v1 =	vadd.f32 v3, v1;
	v3 =	vld [tilespmem:$0x1FFE0];
	_ =	sdelay $0x1  }
0x3a0: {  	v1 =	vadd.f32 v4, v1;
	v4 =	vld [tilespmem:$0x1FFF0];
	_ =	sdelay $0x3  }
0x3a1: {  	v2 =	vld.idx.msk [tilespmem:v2+s1+$0x0], $0xffff;
	_ =	sdelay $0x1  }
0x3a2: {  	v3 =	vld.idx.msk [tilespmem:v3+s1+$0x0], $0xffff;
	_ =	sdelay $0x1  }
0x3a3: {  	v4 =	vld.idx.msk [tilespmem:v4+s1+$0x0], $0xffff  }
0x3a4: {  	v1 =	vadd.f32 v2, v1  }
0x3a5: {  	v2 =	vld.idx.msk [tilespmem:v10+s1+$0x0], $0xffff  }
0x3a6: {  	v1 =	vadd.f32 v3, v1  }
0x3a7: {  	v3 =	vld.idx.msk [tilespmem:v11+s1+$0x0], $0xffff  }
0x3a8: {  	v1 =	vadd.f32 v4, v1  }
0x3a9: {  	v4 =	vld.idx.msk [tilespmem:v12+s1+$0x0], $0xffff  }
0x3aa: {  	v1 =	vadd.f32 v2, v1  }
0x3ab: {  	v2 =	vld.idx.msk [tilespmem:v13+s1+$0x0], $0xffff  }
0x3ac: {  	v1 =	vadd.f32 v3, v1  }
0x3ad: {  	v3 =	vld.idx.msk [tilespmem:v14+s1+$0x0], $0xffff  }
0x3ae: {  	v1 =	vadd.f32 v4, v1  }
0x3af: {  	v4 =	vld.idx.msk [tilespmem:v15+s1+$0x0], $0xffff  }
0x3b0: {  	v1 =	vadd.f32 v2, v1;
	_ =	sdelay $0x1  }
0x3b1: {  	v1 =	vadd.f32 v3, v1;
	_ =	sdelay $0x1  }
0x3b2: {  	v1 =	vadd.f32 v4, v1;
	_ =	sdelay $0x1  }
0x3b3: {  	[tilespmem:$0xA200] =	vst v1  }
0x3b4: {  	v1 =	vld.idx.msk [tilespmem:v16+s1+$0x0], $0xffff  }
0x3b5: {  	v2 =	vld.idx.msk [tilespmem:v17+s1+$0x0], $0xffff;
	_ =	sdelay $0x1  }
0x3b6: {  	v3 =	vld.idx.msk [tilespmem:v18+s1+$0x0], $0xffff;
	_ =	sdelay $0x1  }
0x3b7: {  	v4 =	vld.idx.msk [tilespmem:v19+s1+$0x0], $0xffff  }
0x3b8: {  	v1 =	vadd.f32 v2, v1  }
0x3b9: {  	v2 =	vld.idx.msk [tilespmem:v20+s1+$0x0], $0xffff  }
0x3ba: {  	v1 =	vadd.f32 v3, v1  }
0x3bb: {  	v3 =	vld.idx.msk [tilespmem:v21+s1+$0x0], $0xffff  }
0x3bc: {  	v1 =	vadd.f32 v4, v1  }
0x3bd: {  	v4 =	vld.idx.msk [tilespmem:v22+s1+$0x0], $0xffff  }
0x3be: {  	v1 =	vadd.f32 v2, v1  }
0x3bf: {  	v2 =	vld.idx.msk [tilespmem:v23+s1+$0x0], $0xffff  }
0x3c0: {  	v1 =	vadd.f32 v3, v1  }
0x3c1: {  	v3 =	vld.idx.msk [tilespmem:v24+s1+$0x0], $0xffff  }
0x3c2: {  	v1 =	vadd.f32 v4, v1  }
0x3c3: {  	v4 =	vld.idx.msk [tilespmem:v25+s1+$0x0], $0xffff  }
0x3c4: {  	v1 =	vadd.f32 v2, v1  }
0x3c5: {  	v2 =	vld.idx.msk [tilespmem:v26+s1+$0x0], $0xffff  }
0x3c6: {  	v1 =	vadd.f32 v3, v1  }
0x3c7: {  	v3 =	vld.idx.msk [tilespmem:v27+s1+$0x0], $0xffff  }
0x3c8: {  	v1 =	vadd.f32 v4, v1  }
0x3c9: {  	v4 =	vld.idx.msk [tilespmem:v28+s1+$0x0], $0xffff  }
0x3ca: {  	v1 =	vadd.f32 v2, v1  }
0x3cb: {  	v2 =	vld.idx.msk [tilespmem:v29+s1+$0x0], $0xffff  }
0x3cc: {  	v1 =	vadd.f32 v3, v1  }
0x3cd: {  	v3 =	vld.idx.msk [tilespmem:v30+s1+$0x0], $0xffff  }
0x3ce: {  	v1 =	vadd.f32 v4, v1  }
0x3cf: {  	v4 =	vld.idx.msk [tilespmem:v31+s1+$0x0], $0xffff  }
0x3d0: {  	v1 =	vadd.f32 v2, v1;
	_ =	sdelay $0x1  }
0x3d1: {  	v1 =	vadd.f32 v3, v1;
	_ =	sdelay $0x1  }
0x3d2: {  	v1 =	vadd.f32 v4, v1;
	_ =	sdelay $0x1  }
0x3d3: {  	[tilespmem:$0xA210] =	vst v1  }
0x3d4: {  	v1 =	vld.idx.msk [tilespmem:v32+s1+$0x0], $0xffff  }
0x3d5: {  	v2 =	vld.idx.msk [tilespmem:v33+s1+$0x0], $0xffff;
	_ =	sdelay $0x1  }
0x3d6: {  	v3 =	vld.idx.msk [tilespmem:v34+s1+$0x0], $0xffff;
	_ =	sdelay $0x1  }
0x3d7: {  	v4 =	vld.idx.msk [tilespmem:v35+s1+$0x0], $0xffff  }
0x3d8: {  	v1 =	vadd.f32 v2, v1  }
0x3d9: {  	v2 =	vld.idx.msk [tilespmem:v36+s1+$0x0], $0xffff  }
0x3da: {  	v1 =	vadd.f32 v3, v1  }
0x3db: {  	v3 =	vld.idx.msk [tilespmem:v37+s1+$0x0], $0xffff  }
0x3dc: {  	v1 =	vadd.f32 v4, v1  }
0x3dd: {  	v4 =	vld.idx.msk [tilespmem:v38+s1+$0x0], $0xffff  }
0x3de: {  	v1 =	vadd.f32 v2, v1  }
0x3df: {  	v2 =	vld.idx.msk [tilespmem:v39+s1+$0x0], $0xffff  }
0x3e0: {  	v1 =	vadd.f32 v3, v1  }
0x3e1: {  	v3 =	vld.idx.msk [tilespmem:v40+s1+$0x0], $0xffff  }
0x3e2: {  	v1 =	vadd.f32 v4, v1  }
0x3e3: {  	v4 =	vld.idx.msk [tilespmem:v41+s1+$0x0], $0xffff  }
0x3e4: {  	v1 =	vadd.f32 v2, v1  }
0x3e5: {  	v2 =	vld.idx.msk [tilespmem:v42+s1+$0x0], $0xffff  }
0x3e6: {  	v1 =	vadd.f32 v3, v1  }
0x3e7: {  	v3 =	vld.idx.msk [tilespmem:v43+s1+$0x0], $0xffff  }
0x3e8: {  	v1 =	vadd.f32 v4, v1  }
0x3e9: {  	v4 =	vld.idx.msk [tilespmem:v44+s1+$0x0], $0xffff  }
0x3ea: {  	v1 =	vadd.f32 v2, v1  }
0x3eb: {  	v2 =	vld.idx.msk [tilespmem:v45+s1+$0x0], $0xffff  }
0x3ec: {  	v1 =	vadd.f32 v3, v1  }
0x3ed: {  	v3 =	vld.idx.msk [tilespmem:v46+s1+$0x0], $0xffff  }
0x3ee: {  	v1 =	vadd.f32 v4, v1  }
0x3ef: {  	v4 =	vld.idx.msk [tilespmem:v47+s1+$0x0], $0xffff  }
0x3f0: {  	v1 =	vadd.f32 v2, v1;
	_ =	sdelay $0x1  }
0x3f1: {  	v1 =	vadd.f32 v3, v1;
	_ =	sdelay $0x1  }
0x3f2: {  	v1 =	vadd.f32 v4, v1;
	_ =	sdelay $0x1  }
0x3f3: {  	[tilespmem:$0xA220] =	vst v1  }
0x3f4: {  	v1 =	vld.idx.msk [tilespmem:v48+s1+$0x0], $0xffff  }
0x3f5: {  	v2 =	vld.idx.msk [tilespmem:v49+s1+$0x0], $0xffff;
	_ =	sdelay $0x1  }
0x3f6: {  	v3 =	vld.idx.msk [tilespmem:v50+s1+$0x0], $0xffff;
	_ =	sdelay $0x1  }
0x3f7: {  	v4 =	vld.idx.msk [tilespmem:v51+s1+$0x0], $0xffff  }
0x3f8: {  	v1 =	vadd.f32 v2, v1  }
0x3f9: {  	v2 =	vld.idx.msk [tilespmem:v52+s1+$0x0], $0xffff  }
0x3fa: {  	v1 =	vadd.f32 v3, v1  }
0x3fb: {  	v3 =	vld.idx.msk [tilespmem:v53+s1+$0x0], $0xffff  }
0x3fc: {  	v1 =	vadd.f32 v4, v1  }
0x3fd: {  	v4 =	vld.idx.msk [tilespmem:v54+s1+$0x0], $0xffff  }
0x3fe: {  	v1 =	vadd.f32 v2, v1  }
0x3ff: {  	v2 =	vld.idx.msk [tilespmem:v55+s1+$0x0], $0xffff  }
0x400: {  	v1 =	vadd.f32 v3, v1  }
0x401: {  	v3 =	vld.idx.msk [tilespmem:v56+s1+$0x0], $0xffff  }
0x402: {  	v1 =	vadd.f32 v4, v1  }
0x403: {  	v4 =	vld.idx.msk [tilespmem:v57+s1+$0x0], $0xffff  }
0x404: {  	v1 =	vadd.f32 v2, v1  }
0x405: {  	v2 =	vld.idx.msk [tilespmem:v58+s1+$0x0], $0xffff  }
0x406: {  	v1 =	vadd.f32 v3, v1  }
0x407: {  	v3 =	vld.idx.msk [tilespmem:v59+s1+$0x0], $0xffff  }
0x408: {  	v1 =	vadd.f32 v4, v1  }
0x409: {  	v4 =	vld.idx.msk [tilespmem:v60+s1+$0x0], $0xffff  }
0x40a: {  	v1 =	vadd.f32 v2, v1  }
0x40b: {  	v2 =	vld.idx.msk [tilespmem:v61+s1+$0x0], $0xffff  }
0x40c: {  	v1 =	vadd.f32 v3, v1  }
0x40d: {  	v3 =	vld.idx.msk [tilespmem:v62+s1+$0x0], $0xffff  }
0x40e: {  	v1 =	vadd.f32 v4, v1  }
0x40f: {  	v4 =	vld.idx.msk [tilespmem:v63+s1+$0x0], $0xffff  }
0x410: {  	v1 =	vadd.f32 v2, v1;
	_ =	sdelay $0x1  }
0x411: {  	v1 =	vadd.f32 v3, v1;
	_ =	sdelay $0x1  }
0x412: {  	s10 =	sadd.s32 s25, s17;
	v1 =	vadd.f32 v4, v1  }
0x413: {  	p1 =	sne.s32 s8, $0x50;
	s10 =	sshrl.u32 s10, $0x3  }
.Ltmp2:
0x414: {  	s10 =	sadd.s32 s6, s10;
	[tilespmem:$0xA230] =	vst v1;
	(pc) =	sbr.rel @p1 .LBB2_2-.Ltmp2, $4  }
0x415: {  	[hbm4b:s10+s3] =	stream.linear.scatter [tilespmem:s4], [sflag:$0x3], $0x40, $0x38;
	[tilespmem:$0x1DB00] =	vst v63  }
0x416: {  	_ =	swait.ge [sflag:s20], $0x40  }
0x417: {  	[sflag:s20] =	ssyncset.done $0x0  }
0x418: {  	[sflag:s20] =	ssyncadd.s32 $0xFFFFFFC0  }
0x419: {  	s24 =	sadd.s32 $0x1, s24;
	s8 =	rddreg [dreg:$0xa]  }
0x41a: {  	p1 =	sne.s32 s24, s8  }
.Ltmp3:
0x41b: {  	_ = 	snop;
	(pc) =	sbr.rel @p1 .LBB2_1-.Ltmp3, $1  }
0x41c: {  	_ =	sdelay $0x3  }
0x41d: {  	_ =	sfence.sel $0x180000  }
0x41e: {  	[bflag:$0x0] =	sbarrier.arrive $0xFFFF  }
0x41f: {  	_ =	strace $0x90000047  }
0x420: {  	s0 =	stileid.u32;
	[bflag:$0x2] =	sbarrier.arrive $0xFFFF  }
0x421: {  	p0 =	sne.s32 s0, $0x0;
	s0 =	rddreg [dreg:$0x3]  }
0x422: {  	s0 =	sadd.s32 @!p0 $0x100000, s0  }
0x423: {  	[sflag:s0] =	ssyncadd.tile.s32 @!p0 $0x1;
	_ =	shalt  }
.Lfunc_end2:
_tile_overlayer_lowered:
.L_overlay_start_2:
0x424: {  	(tag) =	ssettag $0x2  }
0x425: {  	s0 =	rddreg [dreg:$0x0];
	s2 =	stileid.u32  }
0x426: {  	s1 =	rddreg [dreg:$0x1];
	p0 =	sne.s32 s2, $0x0  }
0x427: {  	s3 =	rddreg [dreg:$0x2];
	[bflag:$0x3] =	sbarrier.arrive $0xFFFF;
	s2 =	simm.s32 @!p0 $0x1C03  }
0x428: {  	[timem:s3], [sflag:s2] =	dma.local @!p0 [hbm:s0], s1  }
0x429: {  	s0 =	simm.s32 @!p0 $0x3  }
0x42a: {  	_ =	swait.ge @!p0 [sflag:s0], s1  }
0x42b: {  	s1 =	ssub.s32 @!p0 $0x0, s1;
	[sflag:s0] =	ssyncset.done @!p0 $0x0  }
0x42c: {  	[sflag:s0] =	ssyncadd.s32 @!p0 s1  }
0x42d: {  	[bflag:$0x3] =	sbarrier.arrive $0xFFFF  }
0x42e: {  	_ =	shalt  }

</sc_bundles>
